<compile_context>
chip_gen: v7x
topology: tpu7x:2x2x1
jax: 0.10.2.dev20260603
libtpu: 0.0.44.dev20260713+nightly
codegen_flags: <defaults>
</compile_context>

<pallas_src>
import jax
import jax.numpy as jnp
from jax import lax
from jax.experimental import pallas as pl
from jax.experimental.pallas import tpu as pltpu
from jax.experimental.pallas import tpu_sc as plsc

WEIGHT_DECAY_ = 0.01

NC = 2
NS = 16
L = 16
NW = NC * NS
B = 16384
D = 64
PER_W = B // NW
CHUNK = 128
NCHUNK = PER_W // CHUNK
NB = 2


def _sc_body(u_hbm, i_hbm, j_hbm, w_hbm, h_hbm, p_hbm, sq_hbm,
             ui_v, ii_v, ji_v, ue_v, ie_v, je_v, pb_v, sq_v, sem):
    wid = lax.axis_index("s") * NC + lax.axis_index("c")
    base = wid * PER_W

    staged = [
        pltpu.async_copy(src.at[pl.ds(base + c * CHUNK, CHUNK)], dst.at[c],
                         sem)
        for src, dst in ((u_hbm, ui_v), (i_hbm, ii_v), (j_hbm, ji_v))
        for c in range(NCHUNK)
    ]
    for cp in staged:
        cp.wait()

    def fire(c):
        b = c % NB
        return [
            pltpu.async_copy(w_hbm.at[ui_v.at[c]], ue_v.at[b], sem),
            pltpu.async_copy(h_hbm.at[ii_v.at[c]], ie_v.at[b], sem),
            pltpu.async_copy(h_hbm.at[ji_v.at[c]], je_v.at[b], sem),
        ]

    inflight = fire(0)
    sq_acc = jnp.zeros((L,), jnp.float32)

    for c in range(NCHUNK):
        for cp in inflight:
            cp.wait()
        if c + 1 < NCHUNK:
            inflight = fire(c + 1)
        b = c % NB

        def bodyc(h, sq_acc, c=c, b=b):
            for k in range(4):
                s = h * 4 + k
                p = jnp.zeros((L,), jnp.float32)
                for l in range(D // L):
                    sl = pl.ds(l * L, L)
                    ue = ue_v[b, s, sl]
                    ie = ie_v[b, s, sl]
                    je = je_v[b, s, sl]
                    p = p + ue * (ie - je)
                    sq_acc = sq_acc + (ue * ue + ie * ie + je * je)
                pb_v[c * CHUNK + s, pl.ds(0, L)] = p
            return sq_acc

        sq_acc = lax.fori_loop(0, CHUNK // 4, bodyc, sq_acc)

    sq_v[...] = sq_acc
    pltpu.sync_copy(pb_v, p_hbm.at[wid])
    pltpu.sync_copy(sq_v, sq_hbm.at[wid])


def _tc_body(p_ref, s_ref, sq_ref, o_ref):
    x = lax.dot_general(p_ref[...], s_ref[...], (((1,), (0,)), ((), ())),
                        precision=lax.Precision.HIGHEST,
                        preferred_element_type=jnp.float32)
    ls = jnp.where(x >= 0.0,
                   -jnp.log1p(jnp.exp(-x)),
                   x - jnp.log1p(jnp.exp(x)))
    col = lax.broadcasted_iota(jnp.int32, ls.shape, 1)
    ls = jnp.where(col < 8, ls, 0.0)
    o_ref[0, 0] = WEIGHT_DECAY_ * jnp.sum(sq_ref[...]) - jnp.sum(ls)


@jax.jit
def kernel(u, i, j, W, H):
    u1 = u.astype(jnp.int32)
    i1 = i.astype(jnp.int32)
    j1 = j.astype(jnp.int32)
    Wf, Hf = jax.lax.optimization_barrier((W.reshape(-1), H.reshape(-1)))
    Wv = Wf.reshape(100000, D)
    Hv = Hf.reshape(100000, D)

    mesh = plsc.VectorSubcoreMesh(core_axis_name="c", subcore_axis_name="s",
                                  num_cores=NC, num_subcores=NS)
    sc = pl.kernel(
        _sc_body,
        out_type=(jax.ShapeDtypeStruct((NW, PER_W, L), jnp.float32),
                  jax.ShapeDtypeStruct((NW, L), jnp.float32)),
        mesh=mesh,
        compiler_params=pltpu.CompilerParams(use_tc_tiling_on_sc=False),
        scratch_types=[
            pltpu.VMEM((NCHUNK, CHUNK), jnp.int32),
            pltpu.VMEM((NCHUNK, CHUNK), jnp.int32),
            pltpu.VMEM((NCHUNK, CHUNK), jnp.int32),
            pltpu.VMEM((NB, CHUNK, D), jnp.float32),
            pltpu.VMEM((NB, CHUNK, D), jnp.float32),
            pltpu.VMEM((NB, CHUNK, D), jnp.float32),
            pltpu.VMEM((PER_W, L), jnp.float32),
            pltpu.VMEM((L,), jnp.float32),
            pltpu.SemaphoreType.DMA,
        ],
    )
    p, sq = sc(u1, i1, j1, Wv, Hv)

    sel = (jnp.arange(128)[:, None] // L ==
           jnp.arange(128)[None, :]).astype(jnp.float32)

    loss = pl.pallas_call(
        _tc_body,
        out_shape=jax.ShapeDtypeStruct((1, 1), jnp.float32),
        out_specs=pl.BlockSpec(memory_space=pltpu.SMEM),
    )(p.reshape(B // 8, 8 * L), sel, sq.reshape(NW * L // 128, 128))
    return loss[0, 0]

# --- scband reference (transcript-rebuilt; emitter-appended) ---
"""Pipeline reference for scband-bpr-1580547968983 (READ-ONLY COPY).

The authoritative reference and input builder live on the scoring server;
editing this copy changes nothing except your own understanding.
"""

import jax, jax.numpy as jnp
import numpy as np

WEIGHT_DECAY = 0.01

def setup_inputs(seed: int = 0) -> dict:
    key = jax.random.key(seed)
    k1, k2, k3, k4, k5 = jax.random.split(key, 5)
    u = jax.random.randint(k1, (16384,), 0, 100000, dtype=jnp.int64) if jax.config.jax_enable_x64 else jax.random.randint(k1, (16384,), 0, 100000, dtype=jnp.int32)
    i = jax.random.randint(k2, (16384,), 0, 100000, dtype=u.dtype)
    j = jax.random.randint(k3, (16384,), 0, 100000, dtype=u.dtype)
    # xavier_normal for (100000, 64): std = sqrt(2/(fan_in+fan_out))
    std = float(np.sqrt(2.0 / (100000 + 64)))
    W = jax.random.normal(k4, (100000, 64), dtype=jnp.float32) * std
    H = jax.random.normal(k5, (100000, 64), dtype=jnp.float32) * std
    return {"u": u, "i": i, "j": j, "W": W, "H": H}

def reference(u, i, j, W, H):
    ue = jnp.take(W, u, axis=0)
    ie = jnp.take(H, i, axis=0)
    je = jnp.take(H, j, axis=0)
    x_ui = jnp.sum(ue * ie, axis=1)
    x_uj = jnp.sum(ue * je, axis=1)
    x_uij = x_ui - x_uj
    log_prob = jnp.sum(jax.nn.log_sigmoid(x_uij))
    regularization = WEIGHT_DECAY * (
        jnp.sum(jnp.linalg.norm(ue, axis=1) ** 2)
        + jnp.sum(jnp.linalg.norm(ie, axis=1) ** 2)
        + jnp.sum(jnp.linalg.norm(je, axis=1) ** 2)
    )
    return -log_prob + regularization

if __name__ == "__main__":
    import jax
    _d = setup_inputs()
    print(jax.jit(kernel)(*tuple(_d.values())))

</pallas_src>

<mosaic_0001>
#map = affine_map<(d0, d1) -> (0)>
#map1 = affine_map<(d0, d1) -> (0, 0)>
#map2 = affine_map<(d0, d1) -> (0, 0, 0)>
module attributes {stable_mosaic.version = 14 : i64} {
  func.func @_sc_body(%arg0: i32, %arg1: i32, %arg2: memref<16384xi32, #tpu.memory_space<hbm>>, %arg3: memref<16384xi32, #tpu.memory_space<hbm>>, %arg4: memref<16384xi32, #tpu.memory_space<hbm>>, %arg5: memref<100000x64xf32, #tpu.memory_space<hbm>>, %arg6: memref<100000x64xf32, #tpu.memory_space<hbm>>, %arg7: memref<32x512x16xf32, #tpu.memory_space<hbm>>, %arg8: memref<32x16xf32, #tpu.memory_space<hbm>>, %arg9: memref<4x128xi32, #tpu.memory_space<vmem>>, %arg10: memref<4x128xi32, #tpu.memory_space<vmem>>, %arg11: memref<4x128xi32, #tpu.memory_space<vmem>>, %arg12: memref<2x128x64xf32, #tpu.memory_space<vmem>>, %arg13: memref<2x128x64xf32, #tpu.memory_space<vmem>>, %arg14: memref<2x128x64xf32, #tpu.memory_space<vmem>>, %arg15: memref<512x16xf32, #tpu.memory_space<vmem>>, %arg16: memref<16xf32, #tpu.memory_space<vmem>>, %arg17: memref<!tpu.dma_semaphore, #tpu.memory_space<semaphore_mem>>) attributes {dimension_semantics = [#tpu.dimension_semantics<core_parallel>, #tpu.dimension_semantics<subcore_parallel>], iteration_bounds = array<i64: 2, 16>, scalar_prefetch = 0 : i64, scratch_operands = 9 : i64, tpu.core_type = #tpu.core_type<sc_vector_subcore>, window_params = [{transform_indices = #map}, {transform_indices = #map}, {transform_indices = #map}, {transform_indices = #map1}, {transform_indices = #map1}, {transform_indices = #map2}, {transform_indices = #map1}]} {
    %mul3A = arith.constant 2 : i32
    %mul3A_0 = arith.muli %arg1, %mul3A : i32
    %add3A = arith.addi %mul3A_0, %arg0 : i32
    %mul3A_1 = arith.constant 512 : i32
    %mul3A_2 = arith.muli %add3A, %mul3A_1 : i32
    %add3A_3 = arith.constant 0 : i32
    %add3A_4 = arith.addi %mul3A_2, %add3A_3 : i32
    %dma_start3A = arith.constant 0 : i32
    %dma_start3A_5 = arith.constant 0 : i32
    %dma_start3A_6 = tpu.memref_slice %arg9[%dma_start3A, %dma_start3A_5] : memref<4x128xi32, #tpu.memory_space<vmem>> -> memref<1x128xi32, #tpu.memory_space<vmem>>
    %dma_start3A_7 = tpu.memref_squeeze %dma_start3A_6 : memref<1x128xi32, #tpu.memory_space<vmem>> -> memref<128xi32, #tpu.memory_space<vmem>>
    %dma_start3A_8 = tpu.memref_slice %arg2[%add3A_4] : memref<16384xi32, #tpu.memory_space<hbm>> -> memref<128xi32, #tpu.memory_space<hbm>>
    %dma_start3A_9 = arith.constant 0 : i32
    %dma_start3A_10 = tpu.memref_slice %arg9[%dma_start3A, %dma_start3A_9] : memref<4x128xi32, #tpu.memory_space<vmem>> -> memref<1x128xi32, #tpu.memory_space<vmem>>
    %dma_start3A_11 = tpu.memref_squeeze %dma_start3A_10 : memref<1x128xi32, #tpu.memory_space<vmem>> -> memref<128xi32, #tpu.memory_space<vmem>>
    %dma_start3A_12 = tpu.memref_slice %arg2[%add3A_4] : memref<16384xi32, #tpu.memory_space<hbm>> -> memref<128xi32, #tpu.memory_space<hbm>>
    tpu.enqueue_dma source(%dma_start3A_12 : memref<128xi32, #tpu.memory_space<hbm>>) target(%dma_start3A_11 : memref<128xi32, #tpu.memory_space<vmem>>) target_semaphore(%arg17 : memref<!tpu.dma_semaphore, #tpu.memory_space<semaphore_mem>>)
    %add3A_13 = arith.constant 128 : i32
    %add3A_14 = arith.addi %mul3A_2, %add3A_13 : i32
    %dma_start3A_15 = arith.constant 1 : i32
    %dma_start3A_16 = arith.constant 0 : i32
    %dma_start3A_17 = tpu.memref_slice %arg9[%dma_start3A_15, %dma_start3A_16] : memref<4x128xi32, #tpu.memory_space<vmem>> -> memref<1x128xi32, #tpu.memory_space<vmem>>
    %dma_start3A_18 = tpu.memref_squeeze %dma_start3A_17 : memref<1x128xi32, #tpu.memory_space<vmem>> -> memref<128xi32, #tpu.memory_space<vmem>>
    %dma_start3A_19 = tpu.memref_slice %arg2[%add3A_14] : memref<16384xi32, #tpu.memory_space<hbm>> -> memref<128xi32, #tpu.memory_space<hbm>>
    %dma_start3A_20 = arith.constant 0 : i32
    %dma_start3A_21 = tpu.memref_slice %arg9[%dma_start3A_15, %dma_start3A_20] : memref<4x128xi32, #tpu.memory_space<vmem>> -> memref<1x128xi32, #tpu.memory_space<vmem>>
    %dma_start3A_22 = tpu.memref_squeeze %dma_start3A_21 : memref<1x128xi32, #tpu.memory_space<vmem>> -> memref<128xi32, #tpu.memory_space<vmem>>
    %dma_start3A_23 = tpu.memref_slice %arg2[%add3A_14] : memref<16384xi32, #tpu.memory_space<hbm>> -> memref<128xi32, #tpu.memory_space<hbm>>
    tpu.enqueue_dma source(%dma_start3A_23 : memref<128xi32, #tpu.memory_space<hbm>>) target(%dma_start3A_22 : memref<128xi32, #tpu.memory_space<vmem>>) target_semaphore(%arg17 : memref<!tpu.dma_semaphore, #tpu.memory_space<semaphore_mem>>)
    %add3A_24 = arith.constant 256 : i32
    %add3A_25 = arith.addi %mul3A_2, %add3A_24 : i32
    %dma_start3A_26 = arith.constant 2 : i32
    %dma_start3A_27 = arith.constant 0 : i32
    %dma_start3A_28 = tpu.memref_slice %arg9[%dma_start3A_26, %dma_start3A_27] : memref<4x128xi32, #tpu.memory_space<vmem>> -> memref<1x128xi32, #tpu.memory_space<vmem>>
    %dma_start3A_29 = tpu.memref_squeeze %dma_start3A_28 : memref<1x128xi32, #tpu.memory_space<vmem>> -> memref<128xi32, #tpu.memory_space<vmem>>
    %dma_start3A_30 = tpu.memref_slice %arg2[%add3A_25] : memref<16384xi32, #tpu.memory_space<hbm>> -> memref<128xi32, #tpu.memory_space<hbm>>
    %dma_start3A_31 = arith.constant 0 : i32
    %dma_start3A_32 = tpu.memref_slice %arg9[%dma_start3A_26, %dma_start3A_31] : memref<4x128xi32, #tpu.memory_space<vmem>> -> memref<1x128xi32, #tpu.memory_space<vmem>>
    %dma_start3A_33 = tpu.memref_squeeze %dma_start3A_32 : memref<1x128xi32, #tpu.memory_space<vmem>> -> memref<128xi32, #tpu.memory_space<vmem>>
    %dma_start3A_34 = tpu.memref_slice %arg2[%add3A_25] : memref<16384xi32, #tpu.memory_space<hbm>> -> memref<128xi32, #tpu.memory_space<hbm>>
    tpu.enqueue_dma source(%dma_start3A_34 : memref<128xi32, #tpu.memory_space<hbm>>) target(%dma_start3A_33 : memref<128xi32, #tpu.memory_space<vmem>>) target_semaphore(%arg17 : memref<!tpu.dma_semaphore, #tpu.memory_space<semaphore_mem>>)
    %add3A_35 = arith.constant 384 : i32
    %add3A_36 = arith.addi %mul3A_2, %add3A_35 : i32
    %dma_start3A_37 = arith.constant 3 : i32
    %dma_start3A_38 = arith.constant 0 : i32
    %dma_start3A_39 = tpu.memref_slice %arg9[%dma_start3A_37, %dma_start3A_38] : memref<4x128xi32, #tpu.memory_space<vmem>> -> memref<1x128xi32, #tpu.memory_space<vmem>>
    %dma_start3A_40 = tpu.memref_squeeze %dma_start3A_39 : memref<1x128xi32, #tpu.memory_space<vmem>> -> memref<128xi32, #tpu.memory_space<vmem>>
    %dma_start3A_41 = tpu.memref_slice %arg2[%add3A_36] : memref<16384xi32, #tpu.memory_space<hbm>> -> memref<128xi32, #tpu.memory_space<hbm>>
    %dma_start3A_42 = arith.constant 0 : i32
    %dma_start3A_43 = tpu.memref_slice %arg9[%dma_start3A_37, %dma_start3A_42] : memref<4x128xi32, #tpu.memory_space<vmem>> -> memref<1x128xi32, #tpu.memory_space<vmem>>
    %dma_start3A_44 = tpu.memref_squeeze %dma_start3A_43 : memref<1x128xi32, #tpu.memory_space<vmem>> -> memref<128xi32, #tpu.memory_space<vmem>>
    %dma_start3A_45 = tpu.memref_slice %arg2[%add3A_36] : memref<16384xi32, #tpu.memory_space<hbm>> -> memref<128xi32, #tpu.memory_space<hbm>>
    tpu.enqueue_dma source(%dma_start3A_45 : memref<128xi32, #tpu.memory_space<hbm>>) target(%dma_start3A_44 : memref<128xi32, #tpu.memory_space<vmem>>) target_semaphore(%arg17 : memref<!tpu.dma_semaphore, #tpu.memory_space<semaphore_mem>>)
    %add3A_46 = arith.constant 0 : i32
    %add3A_47 = arith.addi %mul3A_2, %add3A_46 : i32
    %dma_start3A_48 = arith.constant 0 : i32
    %dma_start3A_49 = arith.constant 0 : i32
    %dma_start3A_50 = tpu.memref_slice %arg10[%dma_start3A_48, %dma_start3A_49] : memref<4x128xi32, #tpu.memory_space<vmem>> -> memref<1x128xi32, #tpu.memory_space<vmem>>
    %dma_start3A_51 = tpu.memref_squeeze %dma_start3A_50 : memref<1x128xi32, #tpu.memory_space<vmem>> -> memref<128xi32, #tpu.memory_space<vmem>>
    %dma_start3A_52 = tpu.memref_slice %arg3[%add3A_47] : memref<16384xi32, #tpu.memory_space<hbm>> -> memref<128xi32, #tpu.memory_space<hbm>>
    %dma_start3A_53 = arith.constant 0 : i32
    %dma_start3A_54 = tpu.memref_slice %arg10[%dma_start3A_48, %dma_start3A_53] : memref<4x128xi32, #tpu.memory_space<vmem>> -> memref<1x128xi32, #tpu.memory_space<vmem>>
    %dma_start3A_55 = tpu.memref_squeeze %dma_start3A_54 : memref<1x128xi32, #tpu.memory_space<vmem>> -> memref<128xi32, #tpu.memory_space<vmem>>
    %dma_start3A_56 = tpu.memref_slice %arg3[%add3A_47] : memref<16384xi32, #tpu.memory_space<hbm>> -> memref<128xi32, #tpu.memory_space<hbm>>
    tpu.enqueue_dma source(%dma_start3A_56 : memref<128xi32, #tpu.memory_space<hbm>>) target(%dma_start3A_55 : memref<128xi32, #tpu.memory_space<vmem>>) target_semaphore(%arg17 : memref<!tpu.dma_semaphore, #tpu.memory_space<semaphore_mem>>)
    %add3A_57 = arith.constant 128 : i32
    %add3A_58 = arith.addi %mul3A_2, %add3A_57 : i32
    %dma_start3A_59 = arith.constant 1 : i32
    %dma_start3A_60 = arith.constant 0 : i32
    %dma_start3A_61 = tpu.memref_slice %arg10[%dma_start3A_59, %dma_start3A_60] : memref<4x128xi32, #tpu.memory_space<vmem>> -> memref<1x128xi32, #tpu.memory_space<vmem>>
    %dma_start3A_62 = tpu.memref_squeeze %dma_start3A_61 : memref<1x128xi32, #tpu.memory_space<vmem>> -> memref<128xi32, #tpu.memory_space<vmem>>
    %dma_start3A_63 = tpu.memref_slice %arg3[%add3A_58] : memref<16384xi32, #tpu.memory_space<hbm>> -> memref<128xi32, #tpu.memory_space<hbm>>
    %dma_start3A_64 = arith.constant 0 : i32
    %dma_start3A_65 = tpu.memref_slice %arg10[%dma_start3A_59, %dma_start3A_64] : memref<4x128xi32, #tpu.memory_space<vmem>> -> memref<1x128xi32, #tpu.memory_space<vmem>>
    %dma_start3A_66 = tpu.memref_squeeze %dma_start3A_65 : memref<1x128xi32, #tpu.memory_space<vmem>> -> memref<128xi32, #tpu.memory_space<vmem>>
    %dma_start3A_67 = tpu.memref_slice %arg3[%add3A_58] : memref<16384xi32, #tpu.memory_space<hbm>> -> memref<128xi32, #tpu.memory_space<hbm>>
    tpu.enqueue_dma source(%dma_start3A_67 : memref<128xi32, #tpu.memory_space<hbm>>) target(%dma_start3A_66 : memref<128xi32, #tpu.memory_space<vmem>>) target_semaphore(%arg17 : memref<!tpu.dma_semaphore, #tpu.memory_space<semaphore_mem>>)
    %add3A_68 = arith.constant 256 : i32
    %add3A_69 = arith.addi %mul3A_2, %add3A_68 : i32
    %dma_start3A_70 = arith.constant 2 : i32
    %dma_start3A_71 = arith.constant 0 : i32
    %dma_start3A_72 = tpu.memref_slice %arg10[%dma_start3A_70, %dma_start3A_71] : memref<4x128xi32, #tpu.memory_space<vmem>> -> memref<1x128xi32, #tpu.memory_space<vmem>>
    %dma_start3A_73 = tpu.memref_squeeze %dma_start3A_72 : memref<1x128xi32, #tpu.memory_space<vmem>> -> memref<128xi32, #tpu.memory_space<vmem>>
    %dma_start3A_74 = tpu.memref_slice %arg3[%add3A_69] : memref<16384xi32, #tpu.memory_space<hbm>> -> memref<128xi32, #tpu.memory_space<hbm>>
    %dma_start3A_75 = arith.constant 0 : i32
    %dma_start3A_76 = tpu.memref_slice %arg10[%dma_start3A_70, %dma_start3A_75] : memref<4x128xi32, #tpu.memory_space<vmem>> -> memref<1x128xi32, #tpu.memory_space<vmem>>
    %dma_start3A_77 = tpu.memref_squeeze %dma_start3A_76 : memref<1x128xi32, #tpu.memory_space<vmem>> -> memref<128xi32, #tpu.memory_space<vmem>>
    %dma_start3A_78 = tpu.memref_slice %arg3[%add3A_69] : memref<16384xi32, #tpu.memory_space<hbm>> -> memref<128xi32, #tpu.memory_space<hbm>>
    tpu.enqueue_dma source(%dma_start3A_78 : memref<128xi32, #tpu.memory_space<hbm>>) target(%dma_start3A_77 : memref<128xi32, #tpu.memory_space<vmem>>) target_semaphore(%arg17 : memref<!tpu.dma_semaphore, #tpu.memory_space<semaphore_mem>>)
    %add3A_79 = arith.constant 384 : i32
    %add3A_80 = arith.addi %mul3A_2, %add3A_79 : i32
    %dma_start3A_81 = arith.constant 3 : i32
    %dma_start3A_82 = arith.constant 0 : i32
    %dma_start3A_83 = tpu.memref_slice %arg10[%dma_start3A_81, %dma_start3A_82] : memref<4x128xi32, #tpu.memory_space<vmem>> -> memref<1x128xi32, #tpu.memory_space<vmem>>
    %dma_start3A_84 = tpu.memref_squeeze %dma_start3A_83 : memref<1x128xi32, #tpu.memory_space<vmem>> -> memref<128xi32, #tpu.memory_space<vmem>>
    %dma_start3A_85 = tpu.memref_slice %arg3[%add3A_80] : memref<16384xi32, #tpu.memory_space<hbm>> -> memref<128xi32, #tpu.memory_space<hbm>>
    %dma_start3A_86 = arith.constant 0 : i32
    %dma_start3A_87 = tpu.memref_slice %arg10[%dma_start3A_81, %dma_start3A_86] : memref<4x128xi32, #tpu.memory_space<vmem>> -> memref<1x128xi32, #tpu.memory_space<vmem>>
    %dma_start3A_88 = tpu.memref_squeeze %dma_start3A_87 : memref<1x128xi32, #tpu.memory_space<vmem>> -> memref<128xi32, #tpu.memory_space<vmem>>
    %dma_start3A_89 = tpu.memref_slice %arg3[%add3A_80] : memref<16384xi32, #tpu.memory_space<hbm>> -> memref<128xi32, #tpu.memory_space<hbm>>
    tpu.enqueue_dma source(%dma_start3A_89 : memref<128xi32, #tpu.memory_space<hbm>>) target(%dma_start3A_88 : memref<128xi32, #tpu.memory_space<vmem>>) target_semaphore(%arg17 : memref<!tpu.dma_semaphore, #tpu.memory_space<semaphore_mem>>)
    %add3A_90 = arith.constant 0 : i32
    %add3A_91 = arith.addi %mul3A_2, %add3A_90 : i32
    %dma_start3A_92 = arith.constant 0 : i32
    %dma_start3A_93 = arith.constant 0 : i32
    %dma_start3A_94 = tpu.memref_slice %arg11[%dma_start3A_92, %dma_start3A_93] : memref<4x128xi32, #tpu.memory_space<vmem>> -> memref<1x128xi32, #tpu.memory_space<vmem>>
    %dma_start3A_95 = tpu.memref_squeeze %dma_start3A_94 : memref<1x128xi32, #tpu.memory_space<vmem>> -> memref<128xi32, #tpu.memory_space<vmem>>
    %dma_start3A_96 = tpu.memref_slice %arg4[%add3A_91] : memref<16384xi32, #tpu.memory_space<hbm>> -> memref<128xi32, #tpu.memory_space<hbm>>
    %dma_start3A_97 = arith.constant 0 : i32
    %dma_start3A_98 = tpu.memref_slice %arg11[%dma_start3A_92, %dma_start3A_97] : memref<4x128xi32, #tpu.memory_space<vmem>> -> memref<1x128xi32, #tpu.memory_space<vmem>>
    %dma_start3A_99 = tpu.memref_squeeze %dma_start3A_98 : memref<1x128xi32, #tpu.memory_space<vmem>> -> memref<128xi32, #tpu.memory_space<vmem>>
    %dma_start3A_100 = tpu.memref_slice %arg4[%add3A_91] : memref<16384xi32, #tpu.memory_space<hbm>> -> memref<128xi32, #tpu.memory_space<hbm>>
    tpu.enqueue_dma source(%dma_start3A_100 : memref<128xi32, #tpu.memory_space<hbm>>) target(%dma_start3A_99 : memref<128xi32, #tpu.memory_space<vmem>>) target_semaphore(%arg17 : memref<!tpu.dma_semaphore, #tpu.memory_space<semaphore_mem>>)
    %add3A_101 = arith.constant 128 : i32
    %add3A_102 = arith.addi %mul3A_2, %add3A_101 : i32
    %dma_start3A_103 = arith.constant 1 : i32
    %dma_start3A_104 = arith.constant 0 : i32
    %dma_start3A_105 = tpu.memref_slice %arg11[%dma_start3A_103, %dma_start3A_104] : memref<4x128xi32, #tpu.memory_space<vmem>> -> memref<1x128xi32, #tpu.memory_space<vmem>>
    %dma_start3A_106 = tpu.memref_squeeze %dma_start3A_105 : memref<1x128xi32, #tpu.memory_space<vmem>> -> memref<128xi32, #tpu.memory_space<vmem>>
    %dma_start3A_107 = tpu.memref_slice %arg4[%add3A_102] : memref<16384xi32, #tpu.memory_space<hbm>> -> memref<128xi32, #tpu.memory_space<hbm>>
    %dma_start3A_108 = arith.constant 0 : i32
    %dma_start3A_109 = tpu.memref_slice %arg11[%dma_start3A_103, %dma_start3A_108] : memref<4x128xi32, #tpu.memory_space<vmem>> -> memref<1x128xi32, #tpu.memory_space<vmem>>
    %dma_start3A_110 = tpu.memref_squeeze %dma_start3A_109 : memref<1x128xi32, #tpu.memory_space<vmem>> -> memref<128xi32, #tpu.memory_space<vmem>>
    %dma_start3A_111 = tpu.memref_slice %arg4[%add3A_102] : memref<16384xi32, #tpu.memory_space<hbm>> -> memref<128xi32, #tpu.memory_space<hbm>>
    tpu.enqueue_dma source(%dma_start3A_111 : memref<128xi32, #tpu.memory_space<hbm>>) target(%dma_start3A_110 : memref<128xi32, #tpu.memory_space<vmem>>) target_semaphore(%arg17 : memref<!tpu.dma_semaphore, #tpu.memory_space<semaphore_mem>>)
    %add3A_112 = arith.constant 256 : i32
    %add3A_113 = arith.addi %mul3A_2, %add3A_112 : i32
    %dma_start3A_114 = arith.constant 2 : i32
    %dma_start3A_115 = arith.constant 0 : i32
    %dma_start3A_116 = tpu.memref_slice %arg11[%dma_start3A_114, %dma_start3A_115] : memref<4x128xi32, #tpu.memory_space<vmem>> -> memref<1x128xi32, #tpu.memory_space<vmem>>
    %dma_start3A_117 = tpu.memref_squeeze %dma_start3A_116 : memref<1x128xi32, #tpu.memory_space<vmem>> -> memref<128xi32, #tpu.memory_space<vmem>>
    %dma_start3A_118 = tpu.memref_slice %arg4[%add3A_113] : memref<16384xi32, #tpu.memory_space<hbm>> -> memref<128xi32, #tpu.memory_space<hbm>>
    %dma_start3A_119 = arith.constant 0 : i32
    %dma_start3A_120 = tpu.memref_slice %arg11[%dma_start3A_114, %dma_start3A_119] : memref<4x128xi32, #tpu.memory_space<vmem>> -> memref<1x128xi32, #tpu.memory_space<vmem>>
    %dma_start3A_121 = tpu.memref_squeeze %dma_start3A_120 : memref<1x128xi32, #tpu.memory_space<vmem>> -> memref<128xi32, #tpu.memory_space<vmem>>
    %dma_start3A_122 = tpu.memref_slice %arg4[%add3A_113] : memref<16384xi32, #tpu.memory_space<hbm>> -> memref<128xi32, #tpu.memory_space<hbm>>
    tpu.enqueue_dma source(%dma_start3A_122 : memref<128xi32, #tpu.memory_space<hbm>>) target(%dma_start3A_121 : memref<128xi32, #tpu.memory_space<vmem>>) target_semaphore(%arg17 : memref<!tpu.dma_semaphore, #tpu.memory_space<semaphore_mem>>)
    %add3A_123 = arith.constant 384 : i32
    %add3A_124 = arith.addi %mul3A_2, %add3A_123 : i32
    %dma_start3A_125 = arith.constant 3 : i32
    %dma_start3A_126 = arith.constant 0 : i32
    %dma_start3A_127 = tpu.memref_slice %arg11[%dma_start3A_125, %dma_start3A_126] : memref<4x128xi32, #tpu.memory_space<vmem>> -> memref<1x128xi32, #tpu.memory_space<vmem>>
    %dma_start3A_128 = tpu.memref_squeeze %dma_start3A_127 : memref<1x128xi32, #tpu.memory_space<vmem>> -> memref<128xi32, #tpu.memory_space<vmem>>
    %dma_start3A_129 = tpu.memref_slice %arg4[%add3A_124] : memref<16384xi32, #tpu.memory_space<hbm>> -> memref<128xi32, #tpu.memory_space<hbm>>
    %dma_start3A_130 = arith.constant 0 : i32
    %dma_start3A_131 = tpu.memref_slice %arg11[%dma_start3A_125, %dma_start3A_130] : memref<4x128xi32, #tpu.memory_space<vmem>> -> memref<1x128xi32, #tpu.memory_space<vmem>>
    %dma_start3A_132 = tpu.memref_squeeze %dma_start3A_131 : memref<1x128xi32, #tpu.memory_space<vmem>> -> memref<128xi32, #tpu.memory_space<vmem>>
    %dma_start3A_133 = tpu.memref_slice %arg4[%add3A_124] : memref<16384xi32, #tpu.memory_space<hbm>> -> memref<128xi32, #tpu.memory_space<hbm>>
    tpu.enqueue_dma source(%dma_start3A_133 : memref<128xi32, #tpu.memory_space<hbm>>) target(%dma_start3A_132 : memref<128xi32, #tpu.memory_space<vmem>>) target_semaphore(%arg17 : memref<!tpu.dma_semaphore, #tpu.memory_space<semaphore_mem>>)
    %dma_wait3A = arith.constant 0 : i32
    %dma_wait3A_134 = arith.constant 0 : i32
    %dma_wait3A_135 = tpu.memref_slice %arg9[%dma_wait3A, %dma_wait3A_134] : memref<4x128xi32, #tpu.memory_space<vmem>> -> memref<1x128xi32, #tpu.memory_space<vmem>>
    %dma_wait3A_136 = tpu.memref_squeeze %dma_wait3A_135 : memref<1x128xi32, #tpu.memory_space<vmem>> -> memref<128xi32, #tpu.memory_space<vmem>>
    %dma_wait3A_137 = tpu.memref_slice %arg2[%add3A_4] : memref<16384xi32, #tpu.memory_space<hbm>> -> memref<128xi32, #tpu.memory_space<hbm>>
    %dma_wait3A_138 = arith.constant 0 : i32
    %dma_wait3A_139 = tpu.memref_slice %arg9[%dma_wait3A, %dma_wait3A_138] : memref<4x128xi32, #tpu.memory_space<vmem>> -> memref<1x128xi32, #tpu.memory_space<vmem>>
    %dma_wait3A_140 = tpu.memref_squeeze %dma_wait3A_139 : memref<1x128xi32, #tpu.memory_space<vmem>> -> memref<128xi32, #tpu.memory_space<vmem>>
    %dma_wait3A_141 = tpu.memref_slice %arg2[%add3A_4] : memref<16384xi32, #tpu.memory_space<hbm>> -> memref<128xi32, #tpu.memory_space<hbm>>
    tpu.wait_dma2 semaphore(%arg17 : memref<!tpu.dma_semaphore, #tpu.memory_space<semaphore_mem>>) src(%dma_wait3A_141 : memref<128xi32, #tpu.memory_space<hbm>>) dst(%dma_wait3A_140 : memref<128xi32, #tpu.memory_space<vmem>>)
    %dma_wait3A_142 = arith.constant 1 : i32
    %dma_wait3A_143 = arith.constant 0 : i32
    %dma_wait3A_144 = tpu.memref_slice %arg9[%dma_wait3A_142, %dma_wait3A_143] : memref<4x128xi32, #tpu.memory_space<vmem>> -> memref<1x128xi32, #tpu.memory_space<vmem>>
    %dma_wait3A_145 = tpu.memref_squeeze %dma_wait3A_144 : memref<1x128xi32, #tpu.memory_space<vmem>> -> memref<128xi32, #tpu.memory_space<vmem>>
    %dma_wait3A_146 = tpu.memref_slice %arg2[%add3A_14] : memref<16384xi32, #tpu.memory_space<hbm>> -> memref<128xi32, #tpu.memory_space<hbm>>
    %dma_wait3A_147 = arith.constant 0 : i32
    %dma_wait3A_148 = tpu.memref_slice %arg9[%dma_wait3A_142, %dma_wait3A_147] : memref<4x128xi32, #tpu.memory_space<vmem>> -> memref<1x128xi32, #tpu.memory_space<vmem>>
    %dma_wait3A_149 = tpu.memref_squeeze %dma_wait3A_148 : memref<1x128xi32, #tpu.memory_space<vmem>> -> memref<128xi32, #tpu.memory_space<vmem>>
    %dma_wait3A_150 = tpu.memref_slice %arg2[%add3A_14] : memref<16384xi32, #tpu.memory_space<hbm>> -> memref<128xi32, #tpu.memory_space<hbm>>
    tpu.wait_dma2 semaphore(%arg17 : memref<!tpu.dma_semaphore, #tpu.memory_space<semaphore_mem>>) src(%dma_wait3A_150 : memref<128xi32, #tpu.memory_space<hbm>>) dst(%dma_wait3A_149 : memref<128xi32, #tpu.memory_space<vmem>>)
    %dma_wait3A_151 = arith.constant 2 : i32
    %dma_wait3A_152 = arith.constant 0 : i32
    %dma_wait3A_153 = tpu.memref_slice %arg9[%dma_wait3A_151, %dma_wait3A_152] : memref<4x128xi32, #tpu.memory_space<vmem>> -> memref<1x128xi32, #tpu.memory_space<vmem>>
    %dma_wait3A_154 = tpu.memref_squeeze %dma_wait3A_153 : memref<1x128xi32, #tpu.memory_space<vmem>> -> memref<128xi32, #tpu.memory_space<vmem>>
    %dma_wait3A_155 = tpu.memref_slice %arg2[%add3A_25] : memref<16384xi32, #tpu.memory_space<hbm>> -> memref<128xi32, #tpu.memory_space<hbm>>
    %dma_wait3A_156 = arith.constant 0 : i32
    %dma_wait3A_157 = tpu.memref_slice %arg9[%dma_wait3A_151, %dma_wait3A_156] : memref<4x128xi32, #tpu.memory_space<vmem>> -> memref<1x128xi32, #tpu.memory_space<vmem>>
    %dma_wait3A_158 = tpu.memref_squeeze %dma_wait3A_157 : memref<1x128xi32, #tpu.memory_space<vmem>> -> memref<128xi32, #tpu.memory_space<vmem>>
    %dma_wait3A_159 = tpu.memref_slice %arg2[%add3A_25] : memref<16384xi32, #tpu.memory_space<hbm>> -> memref<128xi32, #tpu.memory_space<hbm>>
    tpu.wait_dma2 semaphore(%arg17 : memref<!tpu.dma_semaphore, #tpu.memory_space<semaphore_mem>>) src(%dma_wait3A_159 : memref<128xi32, #tpu.memory_space<hbm>>) dst(%dma_wait3A_158 : memref<128xi32, #tpu.memory_space<vmem>>)
    %dma_wait3A_160 = arith.constant 3 : i32
    %dma_wait3A_161 = arith.constant 0 : i32
    %dma_wait3A_162 = tpu.memref_slice %arg9[%dma_wait3A_160, %dma_wait3A_161] : memref<4x128xi32, #tpu.memory_space<vmem>> -> memref<1x128xi32, #tpu.memory_space<vmem>>
    %dma_wait3A_163 = tpu.memref_squeeze %dma_wait3A_162 : memref<1x128xi32, #tpu.memory_space<vmem>> -> memref<128xi32, #tpu.memory_space<vmem>>
    %dma_wait3A_164 = tpu.memref_slice %arg2[%add3A_36] : memref<16384xi32, #tpu.memory_space<hbm>> -> memref<128xi32, #tpu.memory_space<hbm>>
    %dma_wait3A_165 = arith.constant 0 : i32
    %dma_wait3A_166 = tpu.memref_slice %arg9[%dma_wait3A_160, %dma_wait3A_165] : memref<4x128xi32, #tpu.memory_space<vmem>> -> memref<1x128xi32, #tpu.memory_space<vmem>>
    %dma_wait3A_167 = tpu.memref_squeeze %dma_wait3A_166 : memref<1x128xi32, #tpu.memory_space<vmem>> -> memref<128xi32, #tpu.memory_space<vmem>>
    %dma_wait3A_168 = tpu.memref_slice %arg2[%add3A_36] : memref<16384xi32, #tpu.memory_space<hbm>> -> memref<128xi32, #tpu.memory_space<hbm>>
    tpu.wait_dma2 semaphore(%arg17 : memref<!tpu.dma_semaphore, #tpu.memory_space<semaphore_mem>>) src(%dma_wait3A_168 : memref<128xi32, #tpu.memory_space<hbm>>) dst(%dma_wait3A_167 : memref<128xi32, #tpu.memory_space<vmem>>)
    %dma_wait3A_169 = arith.constant 0 : i32
    %dma_wait3A_170 = arith.constant 0 : i32
    %dma_wait3A_171 = tpu.memref_slice %arg10[%dma_wait3A_169, %dma_wait3A_170] : memref<4x128xi32, #tpu.memory_space<vmem>> -> memref<1x128xi32, #tpu.memory_space<vmem>>
    %dma_wait3A_172 = tpu.memref_squeeze %dma_wait3A_171 : memref<1x128xi32, #tpu.memory_space<vmem>> -> memref<128xi32, #tpu.memory_space<vmem>>
    %dma_wait3A_173 = tpu.memref_slice %arg3[%add3A_47] : memref<16384xi32, #tpu.memory_space<hbm>> -> memref<128xi32, #tpu.memory_space<hbm>>
    %dma_wait3A_174 = arith.constant 0 : i32
    %dma_wait3A_175 = tpu.memref_slice %arg10[%dma_wait3A_169, %dma_wait3A_174] : memref<4x128xi32, #tpu.memory_space<vmem>> -> memref<1x128xi32, #tpu.memory_space<vmem>>
    %dma_wait3A_176 = tpu.memref_squeeze %dma_wait3A_175 : memref<1x128xi32, #tpu.memory_space<vmem>> -> memref<128xi32, #tpu.memory_space<vmem>>
    %dma_wait3A_177 = tpu.memref_slice %arg3[%add3A_47] : memref<16384xi32, #tpu.memory_space<hbm>> -> memref<128xi32, #tpu.memory_space<hbm>>
    tpu.wait_dma2 semaphore(%arg17 : memref<!tpu.dma_semaphore, #tpu.memory_space<semaphore_mem>>) src(%dma_wait3A_177 : memref<128xi32, #tpu.memory_space<hbm>>) dst(%dma_wait3A_176 : memref<128xi32, #tpu.memory_space<vmem>>)
    %dma_wait3A_178 = arith.constant 1 : i32
    %dma_wait3A_179 = arith.constant 0 : i32
    %dma_wait3A_180 = tpu.memref_slice %arg10[%dma_wait3A_178, %dma_wait3A_179] : memref<4x128xi32, #tpu.memory_space<vmem>> -> memref<1x128xi32, #tpu.memory_space<vmem>>
    %dma_wait3A_181 = tpu.memref_squeeze %dma_wait3A_180 : memref<1x128xi32, #tpu.memory_space<vmem>> -> memref<128xi32, #tpu.memory_space<vmem>>
    %dma_wait3A_182 = tpu.memref_slice %arg3[%add3A_58] : memref<16384xi32, #tpu.memory_space<hbm>> -> memref<128xi32, #tpu.memory_space<hbm>>
    %dma_wait3A_183 = arith.constant 0 : i32
    %dma_wait3A_184 = tpu.memref_slice %arg10[%dma_wait3A_178, %dma_wait3A_183] : memref<4x128xi32, #tpu.memory_space<vmem>> -> memref<1x128xi32, #tpu.memory_space<vmem>>
    %dma_wait3A_185 = tpu.memref_squeeze %dma_wait3A_184 : memref<1x128xi32, #tpu.memory_space<vmem>> -> memref<128xi32, #tpu.memory_space<vmem>>
    %dma_wait3A_186 = tpu.memref_slice %arg3[%add3A_58] : memref<16384xi32, #tpu.memory_space<hbm>> -> memref<128xi32, #tpu.memory_space<hbm>>
    tpu.wait_dma2 semaphore(%arg17 : memref<!tpu.dma_semaphore, #tpu.memory_space<semaphore_mem>>) src(%dma_wait3A_186 : memref<128xi32, #tpu.memory_space<hbm>>) dst(%dma_wait3A_185 : memref<128xi32, #tpu.memory_space<vmem>>)
    %dma_wait3A_187 = arith.constant 2 : i32
    %dma_wait3A_188 = arith.constant 0 : i32
    %dma_wait3A_189 = tpu.memref_slice %arg10[%dma_wait3A_187, %dma_wait3A_188] : memref<4x128xi32, #tpu.memory_space<vmem>> -> memref<1x128xi32, #tpu.memory_space<vmem>>
    %dma_wait3A_190 = tpu.memref_squeeze %dma_wait3A_189 : memref<1x128xi32, #tpu.memory_space<vmem>> -> memref<128xi32, #tpu.memory_space<vmem>>
    %dma_wait3A_191 = tpu.memref_slice %arg3[%add3A_69] : memref<16384xi32, #tpu.memory_space<hbm>> -> memref<128xi32, #tpu.memory_space<hbm>>
    %dma_wait3A_192 = arith.constant 0 : i32
    %dma_wait3A_193 = tpu.memref_slice %arg10[%dma_wait3A_187, %dma_wait3A_192] : memref<4x128xi32, #tpu.memory_space<vmem>> -> memref<1x128xi32, #tpu.memory_space<vmem>>
    %dma_wait3A_194 = tpu.memref_squeeze %dma_wait3A_193 : memref<1x128xi32, #tpu.memory_space<vmem>> -> memref<128xi32, #tpu.memory_space<vmem>>
    %dma_wait3A_195 = tpu.memref_slice %arg3[%add3A_69] : memref<16384xi32, #tpu.memory_space<hbm>> -> memref<128xi32, #tpu.memory_space<hbm>>
    tpu.wait_dma2 semaphore(%arg17 : memref<!tpu.dma_semaphore, #tpu.memory_space<semaphore_mem>>) src(%dma_wait3A_195 : memref<128xi32, #tpu.memory_space<hbm>>) dst(%dma_wait3A_194 : memref<128xi32, #tpu.memory_space<vmem>>)
    %dma_wait3A_196 = arith.constant 3 : i32
    %dma_wait3A_197 = arith.constant 0 : i32
    %dma_wait3A_198 = tpu.memref_slice %arg10[%dma_wait3A_196, %dma_wait3A_197] : memref<4x128xi32, #tpu.memory_space<vmem>> -> memref<1x128xi32, #tpu.memory_space<vmem>>
    %dma_wait3A_199 = tpu.memref_squeeze %dma_wait3A_198 : memref<1x128xi32, #tpu.memory_space<vmem>> -> memref<128xi32, #tpu.memory_space<vmem>>
    %dma_wait3A_200 = tpu.memref_slice %arg3[%add3A_80] : memref<16384xi32, #tpu.memory_space<hbm>> -> memref<128xi32, #tpu.memory_space<hbm>>
    %dma_wait3A_201 = arith.constant 0 : i32
    %dma_wait3A_202 = tpu.memref_slice %arg10[%dma_wait3A_196, %dma_wait3A_201] : memref<4x128xi32, #tpu.memory_space<vmem>> -> memref<1x128xi32, #tpu.memory_space<vmem>>
    %dma_wait3A_203 = tpu.memref_squeeze %dma_wait3A_202 : memref<1x128xi32, #tpu.memory_space<vmem>> -> memref<128xi32, #tpu.memory_space<vmem>>
    %dma_wait3A_204 = tpu.memref_slice %arg3[%add3A_80] : memref<16384xi32, #tpu.memory_space<hbm>> -> memref<128xi32, #tpu.memory_space<hbm>>
    tpu.wait_dma2 semaphore(%arg17 : memref<!tpu.dma_semaphore, #tpu.memory_space<semaphore_mem>>) src(%dma_wait3A_204 : memref<128xi32, #tpu.memory_space<hbm>>) dst(%dma_wait3A_203 : memref<128xi32, #tpu.memory_space<vmem>>)
    %dma_wait3A_205 = arith.constant 0 : i32
    %dma_wait3A_206 = arith.constant 0 : i32
    %dma_wait3A_207 = tpu.memref_slice %arg11[%dma_wait3A_205, %dma_wait3A_206] : memref<4x128xi32, #tpu.memory_space<vmem>> -> memref<1x128xi32, #tpu.memory_space<vmem>>
    %dma_wait3A_208 = tpu.memref_squeeze %dma_wait3A_207 : memref<1x128xi32, #tpu.memory_space<vmem>> -> memref<128xi32, #tpu.memory_space<vmem>>
    %dma_wait3A_209 = tpu.memref_slice %arg4[%add3A_91] : memref<16384xi32, #tpu.memory_space<hbm>> -> memref<128xi32, #tpu.memory_space<hbm>>
    %dma_wait3A_210 = arith.constant 0 : i32
    %dma_wait3A_211 = tpu.memref_slice %arg11[%dma_wait3A_205, %dma_wait3A_210] : memref<4x128xi32, #tpu.memory_space<vmem>> -> memref<1x128xi32, #tpu.memory_space<vmem>>
    %dma_wait3A_212 = tpu.memref_squeeze %dma_wait3A_211 : memref<1x128xi32, #tpu.memory_space<vmem>> -> memref<128xi32, #tpu.memory_space<vmem>>
    %dma_wait3A_213 = tpu.memref_slice %arg4[%add3A_91] : memref<16384xi32, #tpu.memory_space<hbm>> -> memref<128xi32, #tpu.memory_space<hbm>>
    tpu.wait_dma2 semaphore(%arg17 : memref<!tpu.dma_semaphore, #tpu.memory_space<semaphore_mem>>) src(%dma_wait3A_213 : memref<128xi32, #tpu.memory_space<hbm>>) dst(%dma_wait3A_212 : memref<128xi32, #tpu.memory_space<vmem>>)
    %dma_wait3A_214 = arith.constant 1 : i32
    %dma_wait3A_215 = arith.constant 0 : i32
    %dma_wait3A_216 = tpu.memref_slice %arg11[%dma_wait3A_214, %dma_wait3A_215] : memref<4x128xi32, #tpu.memory_space<vmem>> -> memref<1x128xi32, #tpu.memory_space<vmem>>
    %dma_wait3A_217 = tpu.memref_squeeze %dma_wait3A_216 : memref<1x128xi32, #tpu.memory_space<vmem>> -> memref<128xi32, #tpu.memory_space<vmem>>
    %dma_wait3A_218 = tpu.memref_slice %arg4[%add3A_102] : memref<16384xi32, #tpu.memory_space<hbm>> -> memref<128xi32, #tpu.memory_space<hbm>>
    %dma_wait3A_219 = arith.constant 0 : i32
    %dma_wait3A_220 = tpu.memref_slice %arg11[%dma_wait3A_214, %dma_wait3A_219] : memref<4x128xi32, #tpu.memory_space<vmem>> -> memref<1x128xi32, #tpu.memory_space<vmem>>
    %dma_wait3A_221 = tpu.memref_squeeze %dma_wait3A_220 : memref<1x128xi32, #tpu.memory_space<vmem>> -> memref<128xi32, #tpu.memory_space<vmem>>
    %dma_wait3A_222 = tpu.memref_slice %arg4[%add3A_102] : memref<16384xi32, #tpu.memory_space<hbm>> -> memref<128xi32, #tpu.memory_space<hbm>>
    tpu.wait_dma2 semaphore(%arg17 : memref<!tpu.dma_semaphore, #tpu.memory_space<semaphore_mem>>) src(%dma_wait3A_222 : memref<128xi32, #tpu.memory_space<hbm>>) dst(%dma_wait3A_221 : memref<128xi32, #tpu.memory_space<vmem>>)
    %dma_wait3A_223 = arith.constant 2 : i32
    %dma_wait3A_224 = arith.constant 0 : i32
    %dma_wait3A_225 = tpu.memref_slice %arg11[%dma_wait3A_223, %dma_wait3A_224] : memref<4x128xi32, #tpu.memory_space<vmem>> -> memref<1x128xi32, #tpu.memory_space<vmem>>
    %dma_wait3A_226 = tpu.memref_squeeze %dma_wait3A_225 : memref<1x128xi32, #tpu.memory_space<vmem>> -> memref<128xi32, #tpu.memory_space<vmem>>
    %dma_wait3A_227 = tpu.memref_slice %arg4[%add3A_113] : memref<16384xi32, #tpu.memory_space<hbm>> -> memref<128xi32, #tpu.memory_space<hbm>>
    %dma_wait3A_228 = arith.constant 0 : i32
    %dma_wait3A_229 = tpu.memref_slice %arg11[%dma_wait3A_223, %dma_wait3A_228] : memref<4x128xi32, #tpu.memory_space<vmem>> -> memref<1x128xi32, #tpu.memory_space<vmem>>
    %dma_wait3A_230 = tpu.memref_squeeze %dma_wait3A_229 : memref<1x128xi32, #tpu.memory_space<vmem>> -> memref<128xi32, #tpu.memory_space<vmem>>
    %dma_wait3A_231 = tpu.memref_slice %arg4[%add3A_113] : memref<16384xi32, #tpu.memory_space<hbm>> -> memref<128xi32, #tpu.memory_space<hbm>>
    tpu.wait_dma2 semaphore(%arg17 : memref<!tpu.dma_semaphore, #tpu.memory_space<semaphore_mem>>) src(%dma_wait3A_231 : memref<128xi32, #tpu.memory_space<hbm>>) dst(%dma_wait3A_230 : memref<128xi32, #tpu.memory_space<vmem>>)
    %dma_wait3A_232 = arith.constant 3 : i32
    %dma_wait3A_233 = arith.constant 0 : i32
    %dma_wait3A_234 = tpu.memref_slice %arg11[%dma_wait3A_232, %dma_wait3A_233] : memref<4x128xi32, #tpu.memory_space<vmem>> -> memref<1x128xi32, #tpu.memory_space<vmem>>
    %dma_wait3A_235 = tpu.memref_squeeze %dma_wait3A_234 : memref<1x128xi32, #tpu.memory_space<vmem>> -> memref<128xi32, #tpu.memory_space<vmem>>
    %dma_wait3A_236 = tpu.memref_slice %arg4[%add3A_124] : memref<16384xi32, #tpu.memory_space<hbm>> -> memref<128xi32, #tpu.memory_space<hbm>>
    %dma_wait3A_237 = arith.constant 0 : i32
    %dma_wait3A_238 = tpu.memref_slice %arg11[%dma_wait3A_232, %dma_wait3A_237] : memref<4x128xi32, #tpu.memory_space<vmem>> -> memref<1x128xi32, #tpu.memory_space<vmem>>
    %dma_wait3A_239 = tpu.memref_squeeze %dma_wait3A_238 : memref<1x128xi32, #tpu.memory_space<vmem>> -> memref<128xi32, #tpu.memory_space<vmem>>
    %dma_wait3A_240 = tpu.memref_slice %arg4[%add3A_124] : memref<16384xi32, #tpu.memory_space<hbm>> -> memref<128xi32, #tpu.memory_space<hbm>>
    tpu.wait_dma2 semaphore(%arg17 : memref<!tpu.dma_semaphore, #tpu.memory_space<semaphore_mem>>) src(%dma_wait3A_240 : memref<128xi32, #tpu.memory_space<hbm>>) dst(%dma_wait3A_239 : memref<128xi32, #tpu.memory_space<vmem>>)
    %dma_start3A_241 = arith.constant 0 : i32
    %dma_start3A_242 = arith.constant 0 : i32
    %dma_start3A_243 = arith.constant 0 : i32
    %dma_start3A_244 = arith.constant 0 : i32
    %dma_start3A_245 = tpu.memref_slice %arg12[%dma_start3A_242, %dma_start3A_243, %dma_start3A_244] : memref<2x128x64xf32, #tpu.memory_space<vmem>> -> memref<1x128x64xf32, #tpu.memory_space<vmem>>
    %dma_start3A_246 = tpu.memref_squeeze %dma_start3A_245 : memref<1x128x64xf32, #tpu.memory_space<vmem>> -> memref<128x64xf32, #tpu.memory_space<vmem>>
    %dma_start3A_247 = arith.constant 0 : i32
    %dma_start3A_248 = tpu.memref_slice %arg9[%dma_start3A_241, %dma_start3A_247] : memref<4x128xi32, #tpu.memory_space<vmem>> -> memref<1x128xi32, #tpu.memory_space<vmem>>
    %dma_start3A_249 = tpu.memref_squeeze %dma_start3A_248 : memref<1x128xi32, #tpu.memory_space<vmem>> -> memref<128xi32, #tpu.memory_space<vmem>>
    %dma_start3A_250 = arith.constant 0 : i32
    %dma_start3A_251 = arith.constant 0 : i32
    %dma_start3A_252 = tpu.memref_slice %arg5[%dma_start3A_250, %dma_start3A_251] : memref<100000x64xf32, #tpu.memory_space<hbm>> -> memref<100000x64xf32, #tpu.memory_space<hbm>>
    tpu.enqueue_indirect_dma source(%dma_start3A_252 : memref<100000x64xf32, #tpu.memory_space<hbm>>) target(%dma_start3A_246 : memref<128x64xf32, #tpu.memory_space<vmem>>) offsets(%dma_start3A_249 : memref<128xi32, #tpu.memory_space<vmem>>) semaphore(%arg17 : memref<!tpu.dma_semaphore, #tpu.memory_space<semaphore_mem>>)
    %dma_start3A_253 = arith.constant 0 : i32
    %dma_start3A_254 = arith.constant 0 : i32
    %dma_start3A_255 = arith.constant 0 : i32
    %dma_start3A_256 = arith.constant 0 : i32
    %dma_start3A_257 = tpu.memref_slice %arg13[%dma_start3A_254, %dma_start3A_255, %dma_start3A_256] : memref<2x128x64xf32, #tpu.memory_space<vmem>> -> memref<1x128x64xf32, #tpu.memory_space<vmem>>
    %dma_start3A_258 = tpu.memref_squeeze %dma_start3A_257 : memref<1x128x64xf32, #tpu.memory_space<vmem>> -> memref<128x64xf32, #tpu.memory_space<vmem>>
    %dma_start3A_259 = arith.constant 0 : i32
    %dma_start3A_260 = tpu.memref_slice %arg10[%dma_start3A_253, %dma_start3A_259] : memref<4x128xi32, #tpu.memory_space<vmem>> -> memref<1x128xi32, #tpu.memory_space<vmem>>
    %dma_start3A_261 = tpu.memref_squeeze %dma_start3A_260 : memref<1x128xi32, #tpu.memory_space<vmem>> -> memref<128xi32, #tpu.memory_space<vmem>>
    %dma_start3A_262 = arith.constant 0 : i32
    %dma_start3A_263 = arith.constant 0 : i32
    %dma_start3A_264 = tpu.memref_slice %arg6[%dma_start3A_262, %dma_start3A_263] : memref<100000x64xf32, #tpu.memory_space<hbm>> -> memref<100000x64xf32, #tpu.memory_space<hbm>>
    tpu.enqueue_indirect_dma source(%dma_start3A_264 : memref<100000x64xf32, #tpu.memory_space<hbm>>) target(%dma_start3A_258 : memref<128x64xf32, #tpu.memory_space<vmem>>) offsets(%dma_start3A_261 : memref<128xi32, #tpu.memory_space<vmem>>) semaphore(%arg17 : memref<!tpu.dma_semaphore, #tpu.memory_space<semaphore_mem>>)
    %dma_start3A_265 = arith.constant 0 : i32
    %dma_start3A_266 = arith.constant 0 : i32
    %dma_start3A_267 = arith.constant 0 : i32
    %dma_start3A_268 = arith.constant 0 : i32
    %dma_start3A_269 = tpu.memref_slice %arg14[%dma_start3A_266, %dma_start3A_267, %dma_start3A_268] : memref<2x128x64xf32, #tpu.memory_space<vmem>> -> memref<1x128x64xf32, #tpu.memory_space<vmem>>
    %dma_start3A_270 = tpu.memref_squeeze %dma_start3A_269 : memref<1x128x64xf32, #tpu.memory_space<vmem>> -> memref<128x64xf32, #tpu.memory_space<vmem>>
    %dma_start3A_271 = arith.constant 0 : i32
    %dma_start3A_272 = tpu.memref_slice %arg11[%dma_start3A_265, %dma_start3A_271] : memref<4x128xi32, #tpu.memory_space<vmem>> -> memref<1x128xi32, #tpu.memory_space<vmem>>
    %dma_start3A_273 = tpu.memref_squeeze %dma_start3A_272 : memref<1x128xi32, #tpu.memory_space<vmem>> -> memref<128xi32, #tpu.memory_space<vmem>>
    %dma_start3A_274 = arith.constant 0 : i32
    %dma_start3A_275 = arith.constant 0 : i32
    %dma_start3A_276 = tpu.memref_slice %arg6[%dma_start3A_274, %dma_start3A_275] : memref<100000x64xf32, #tpu.memory_space<hbm>> -> memref<100000x64xf32, #tpu.memory_space<hbm>>
    tpu.enqueue_indirect_dma source(%dma_start3A_276 : memref<100000x64xf32, #tpu.memory_space<hbm>>) target(%dma_start3A_270 : memref<128x64xf32, #tpu.memory_space<vmem>>) offsets(%dma_start3A_273 : memref<128xi32, #tpu.memory_space<vmem>>) semaphore(%arg17 : memref<!tpu.dma_semaphore, #tpu.memory_space<semaphore_mem>>)
    %broadcast_in_dim3A = arith.constant 0.000000e+00 : f32
    %broadcast_in_dim3A_277 = vector.broadcast %broadcast_in_dim3A : f32 to vector<16xf32>
    %dma_wait3A_278 = arith.constant 0 : i32
    %dma_wait3A_279 = arith.constant 0 : i32
    %dma_wait3A_280 = arith.constant 0 : i32
    %dma_wait3A_281 = arith.constant 0 : i32
    %dma_wait3A_282 = tpu.memref_slice %arg12[%dma_wait3A_279, %dma_wait3A_280, %dma_wait3A_281] : memref<2x128x64xf32, #tpu.memory_space<vmem>> -> memref<1x128x64xf32, #tpu.memory_space<vmem>>
    %dma_wait3A_283 = tpu.memref_squeeze %dma_wait3A_282 : memref<1x128x64xf32, #tpu.memory_space<vmem>> -> memref<128x64xf32, #tpu.memory_space<vmem>>
    %dma_wait3A_284 = arith.constant 0 : i32
    %dma_wait3A_285 = tpu.memref_slice %arg9[%dma_wait3A_278, %dma_wait3A_284] : memref<4x128xi32, #tpu.memory_space<vmem>> -> memref<1x128xi32, #tpu.memory_space<vmem>>
    %dma_wait3A_286 = tpu.memref_squeeze %dma_wait3A_285 : memref<1x128xi32, #tpu.memory_space<vmem>> -> memref<128xi32, #tpu.memory_space<vmem>>
    %dma_wait3A_287 = arith.constant 0 : i32
    %dma_wait3A_288 = arith.constant 0 : i32
    %dma_wait3A_289 = tpu.memref_slice %arg5[%dma_wait3A_287, %dma_wait3A_288] : memref<100000x64xf32, #tpu.memory_space<hbm>> -> memref<100000x64xf32, #tpu.memory_space<hbm>>
    tpu.wait_indirect_dma semaphore(%arg17 : memref<!tpu.dma_semaphore, #tpu.memory_space<semaphore_mem>>) src(%dma_wait3A_289 : memref<100000x64xf32, #tpu.memory_space<hbm>>) dst(%dma_wait3A_283 : memref<128x64xf32, #tpu.memory_space<vmem>>)
    %dma_wait3A_290 = arith.constant 0 : i32
    %dma_wait3A_291 = arith.constant 0 : i32
    %dma_wait3A_292 = arith.constant 0 : i32
    %dma_wait3A_293 = arith.constant 0 : i32
    %dma_wait3A_294 = tpu.memref_slice %arg13[%dma_wait3A_291, %dma_wait3A_292, %dma_wait3A_293] : memref<2x128x64xf32, #tpu.memory_space<vmem>> -> memref<1x128x64xf32, #tpu.memory_space<vmem>>
    %dma_wait3A_295 = tpu.memref_squeeze %dma_wait3A_294 : memref<1x128x64xf32, #tpu.memory_space<vmem>> -> memref<128x64xf32, #tpu.memory_space<vmem>>
    %dma_wait3A_296 = arith.constant 0 : i32
    %dma_wait3A_297 = tpu.memref_slice %arg10[%dma_wait3A_290, %dma_wait3A_296] : memref<4x128xi32, #tpu.memory_space<vmem>> -> memref<1x128xi32, #tpu.memory_space<vmem>>
    %dma_wait3A_298 = tpu.memref_squeeze %dma_wait3A_297 : memref<1x128xi32, #tpu.memory_space<vmem>> -> memref<128xi32, #tpu.memory_space<vmem>>
    %dma_wait3A_299 = arith.constant 0 : i32
    %dma_wait3A_300 = arith.constant 0 : i32
    %dma_wait3A_301 = tpu.memref_slice %arg6[%dma_wait3A_299, %dma_wait3A_300] : memref<100000x64xf32, #tpu.memory_space<hbm>> -> memref<100000x64xf32, #tpu.memory_space<hbm>>
    tpu.wait_indirect_dma semaphore(%arg17 : memref<!tpu.dma_semaphore, #tpu.memory_space<semaphore_mem>>) src(%dma_wait3A_301 : memref<100000x64xf32, #tpu.memory_space<hbm>>) dst(%dma_wait3A_295 : memref<128x64xf32, #tpu.memory_space<vmem>>)
    %dma_wait3A_302 = arith.constant 0 : i32
    %dma_wait3A_303 = arith.constant 0 : i32
    %dma_wait3A_304 = arith.constant 0 : i32
    %dma_wait3A_305 = arith.constant 0 : i32
    %dma_wait3A_306 = tpu.memref_slice %arg14[%dma_wait3A_303, %dma_wait3A_304, %dma_wait3A_305] : memref<2x128x64xf32, #tpu.memory_space<vmem>> -> memref<1x128x64xf32, #tpu.memory_space<vmem>>
    %dma_wait3A_307 = tpu.memref_squeeze %dma_wait3A_306 : memref<1x128x64xf32, #tpu.memory_space<vmem>> -> memref<128x64xf32, #tpu.memory_space<vmem>>
    %dma_wait3A_308 = arith.constant 0 : i32
    %dma_wait3A_309 = tpu.memref_slice %arg11[%dma_wait3A_302, %dma_wait3A_308] : memref<4x128xi32, #tpu.memory_space<vmem>> -> memref<1x128xi32, #tpu.memory_space<vmem>>
    %dma_wait3A_310 = tpu.memref_squeeze %dma_wait3A_309 : memref<1x128xi32, #tpu.memory_space<vmem>> -> memref<128xi32, #tpu.memory_space<vmem>>
    %dma_wait3A_311 = arith.constant 0 : i32
    %dma_wait3A_312 = arith.constant 0 : i32
    %dma_wait3A_313 = tpu.memref_slice %arg6[%dma_wait3A_311, %dma_wait3A_312] : memref<100000x64xf32, #tpu.memory_space<hbm>> -> memref<100000x64xf32, #tpu.memory_space<hbm>>
    tpu.wait_indirect_dma semaphore(%arg17 : memref<!tpu.dma_semaphore, #tpu.memory_space<semaphore_mem>>) src(%dma_wait3A_313 : memref<100000x64xf32, #tpu.memory_space<hbm>>) dst(%dma_wait3A_307 : memref<128x64xf32, #tpu.memory_space<vmem>>)
    %dma_start3A_314 = arith.constant 1 : i32
    %dma_start3A_315 = arith.constant 1 : i32
    %dma_start3A_316 = arith.constant 0 : i32
    %dma_start3A_317 = arith.constant 0 : i32
    %dma_start3A_318 = tpu.memref_slice %arg12[%dma_start3A_315, %dma_start3A_316, %dma_start3A_317] : memref<2x128x64xf32, #tpu.memory_space<vmem>> -> memref<1x128x64xf32, #tpu.memory_space<vmem>>
    %dma_start3A_319 = tpu.memref_squeeze %dma_start3A_318 : memref<1x128x64xf32, #tpu.memory_space<vmem>> -> memref<128x64xf32, #tpu.memory_space<vmem>>
    %dma_start3A_320 = arith.constant 0 : i32
    %dma_start3A_321 = tpu.memref_slice %arg9[%dma_start3A_314, %dma_start3A_320] : memref<4x128xi32, #tpu.memory_space<vmem>> -> memref<1x128xi32, #tpu.memory_space<vmem>>
    %dma_start3A_322 = tpu.memref_squeeze %dma_start3A_321 : memref<1x128xi32, #tpu.memory_space<vmem>> -> memref<128xi32, #tpu.memory_space<vmem>>
    %dma_start3A_323 = arith.constant 0 : i32
    %dma_start3A_324 = arith.constant 0 : i32
    %dma_start3A_325 = tpu.memref_slice %arg5[%dma_start3A_323, %dma_start3A_324] : memref<100000x64xf32, #tpu.memory_space<hbm>> -> memref<100000x64xf32, #tpu.memory_space<hbm>>
    tpu.enqueue_indirect_dma source(%dma_start3A_325 : memref<100000x64xf32, #tpu.memory_space<hbm>>) target(%dma_start3A_319 : memref<128x64xf32, #tpu.memory_space<vmem>>) offsets(%dma_start3A_322 : memref<128xi32, #tpu.memory_space<vmem>>) semaphore(%arg17 : memref<!tpu.dma_semaphore, #tpu.memory_space<semaphore_mem>>)
    %dma_start3A_326 = arith.constant 1 : i32
    %dma_start3A_327 = arith.constant 1 : i32
    %dma_start3A_328 = arith.constant 0 : i32
    %dma_start3A_329 = arith.constant 0 : i32
    %dma_start3A_330 = tpu.memref_slice %arg13[%dma_start3A_327, %dma_start3A_328, %dma_start3A_329] : memref<2x128x64xf32, #tpu.memory_space<vmem>> -> memref<1x128x64xf32, #tpu.memory_space<vmem>>
    %dma_start3A_331 = tpu.memref_squeeze %dma_start3A_330 : memref<1x128x64xf32, #tpu.memory_space<vmem>> -> memref<128x64xf32, #tpu.memory_space<vmem>>
    %dma_start3A_332 = arith.constant 0 : i32
    %dma_start3A_333 = tpu.memref_slice %arg10[%dma_start3A_326, %dma_start3A_332] : memref<4x128xi32, #tpu.memory_space<vmem>> -> memref<1x128xi32, #tpu.memory_space<vmem>>
    %dma_start3A_334 = tpu.memref_squeeze %dma_start3A_333 : memref<1x128xi32, #tpu.memory_space<vmem>> -> memref<128xi32, #tpu.memory_space<vmem>>
    %dma_start3A_335 = arith.constant 0 : i32
    %dma_start3A_336 = arith.constant 0 : i32
    %dma_start3A_337 = tpu.memref_slice %arg6[%dma_start3A_335, %dma_start3A_336] : memref<100000x64xf32, #tpu.memory_space<hbm>> -> memref<100000x64xf32, #tpu.memory_space<hbm>>
    tpu.enqueue_indirect_dma source(%dma_start3A_337 : memref<100000x64xf32, #tpu.memory_space<hbm>>) target(%dma_start3A_331 : memref<128x64xf32, #tpu.memory_space<vmem>>) offsets(%dma_start3A_334 : memref<128xi32, #tpu.memory_space<vmem>>) semaphore(%arg17 : memref<!tpu.dma_semaphore, #tpu.memory_space<semaphore_mem>>)
    %dma_start3A_338 = arith.constant 1 : i32
    %dma_start3A_339 = arith.constant 1 : i32
    %dma_start3A_340 = arith.constant 0 : i32
    %dma_start3A_341 = arith.constant 0 : i32
    %dma_start3A_342 = tpu.memref_slice %arg14[%dma_start3A_339, %dma_start3A_340, %dma_start3A_341] : memref<2x128x64xf32, #tpu.memory_space<vmem>> -> memref<1x128x64xf32, #tpu.memory_space<vmem>>
    %dma_start3A_343 = tpu.memref_squeeze %dma_start3A_342 : memref<1x128x64xf32, #tpu.memory_space<vmem>> -> memref<128x64xf32, #tpu.memory_space<vmem>>
    %dma_start3A_344 = arith.constant 0 : i32
    %dma_start3A_345 = tpu.memref_slice %arg11[%dma_start3A_338, %dma_start3A_344] : memref<4x128xi32, #tpu.memory_space<vmem>> -> memref<1x128xi32, #tpu.memory_space<vmem>>
    %dma_start3A_346 = tpu.memref_squeeze %dma_start3A_345 : memref<1x128xi32, #tpu.memory_space<vmem>> -> memref<128xi32, #tpu.memory_space<vmem>>
    %dma_start3A_347 = arith.constant 0 : i32
    %dma_start3A_348 = arith.constant 0 : i32
    %dma_start3A_349 = tpu.memref_slice %arg6[%dma_start3A_347, %dma_start3A_348] : memref<100000x64xf32, #tpu.memory_space<hbm>> -> memref<100000x64xf32, #tpu.memory_space<hbm>>
    tpu.enqueue_indirect_dma source(%dma_start3A_349 : memref<100000x64xf32, #tpu.memory_space<hbm>>) target(%dma_start3A_343 : memref<128x64xf32, #tpu.memory_space<vmem>>) offsets(%dma_start3A_346 : memref<128xi32, #tpu.memory_space<vmem>>) semaphore(%arg17 : memref<!tpu.dma_semaphore, #tpu.memory_space<semaphore_mem>>)
    %scan3A = arith.constant 0 : i32
    %scan3A_350 = arith.constant 32 : i32
    %scan3A_351 = arith.addi %scan3A, %scan3A_350 : i32
    %scan3A_352 = arith.constant 1 : i32
    %scan3A_353 = scf.for %scan3A_556 = %scan3A to %scan3A_351 step %scan3A_352 iter_args(%scan3A_557 = %broadcast_in_dim3A_277) -> (vector<16xf32>)  : i32 {
      %mul3A_558 = arith.constant 4 : i32
      %mul3A_559 = arith.muli %scan3A_556, %mul3A_558 : i32
      %add3A_560 = arith.constant 0 : i32
      %add3A_561 = arith.addi %mul3A_559, %add3A_560 : i32
      %broadcast_in_dim3A_562 = arith.constant 0.000000e+00 : f32
      %broadcast_in_dim3A_563 = vector.broadcast %broadcast_in_dim3A_562 : f32 to vector<16xf32>
      %get3A = arith.constant 0 : i32
      %get3A_564 = arith.index_cast %get3A : i32 to index
      %get3A_565 = arith.index_cast %add3A_561 : i32 to index
      %get3A_566 = arith.constant 0 : index
      %get3A_567 = tpu.vector_load %arg12[%get3A_564, %get3A_565, %get3A_566] {strides = array<i32>} : memref<2x128x64xf32, #tpu.memory_space<vmem>>, vector<1x1x16xf32>,
      %get3A_568 = vector.shape_cast %get3A_567 : vector<1x1x16xf32> to vector<16xf32>
      %get3A_569 = arith.constant 0 : i32
      %get3A_570 = arith.index_cast %get3A_569 : i32 to index
      %get3A_571 = arith.index_cast %add3A_561 : i32 to index
      %get3A_572 = arith.constant 0 : index
      %get3A_573 = tpu.vector_load %arg13[%get3A_570, %get3A_571, %get3A_572] {strides = array<i32>} : memref<2x128x64xf32, #tpu.memory_space<vmem>>, vector<1x1x16xf32>,
      %get3A_574 = vector.shape_cast %get3A_573 : vector<1x1x16xf32> to vector<16xf32>
      %get3A_575 = arith.constant 0 : i32
      %get3A_576 = arith.index_cast %get3A_575 : i32 to index
      %get3A_577 = arith.index_cast %add3A_561 : i32 to index
      %get3A_578 = arith.constant 0 : index
      %get3A_579 = tpu.vector_load %arg14[%get3A_576, %get3A_577, %get3A_578] {strides = array<i32>} : memref<2x128x64xf32, #tpu.memory_space<vmem>>, vector<1x1x16xf32>,
      %get3A_580 = vector.shape_cast %get3A_579 : vector<1x1x16xf32> to vector<16xf32>
      %sub3A = arith.subf %get3A_574, %get3A_580 : vector<16xf32>
      %mul3A_581 = arith.mulf %get3A_568, %sub3A : vector<16xf32>
      %add3A_582 = arith.addf %broadcast_in_dim3A_563, %mul3A_581 : vector<16xf32>
      %mul3A_583 = arith.mulf %get3A_568, %get3A_568 : vector<16xf32>
      %mul3A_584 = arith.mulf %get3A_574, %get3A_574 : vector<16xf32>
      %add3A_585 = arith.addf %mul3A_583, %mul3A_584 : vector<16xf32>
      %mul3A_586 = arith.mulf %get3A_580, %get3A_580 : vector<16xf32>
      %add3A_587 = arith.addf %add3A_585, %mul3A_586 : vector<16xf32>
      %add3A_588 = arith.addf %scan3A_557, %add3A_587 : vector<16xf32>
      %get3A_589 = arith.constant 0 : i32
      %get3A_590 = arith.index_cast %get3A_589 : i32 to index
      %get3A_591 = arith.index_cast %add3A_561 : i32 to index
      %get3A_592 = arith.constant 16 : index
      %get3A_593 = tpu.vector_load %arg12[%get3A_590, %get3A_591, %get3A_592] {strides = array<i32>} : memref<2x128x64xf32, #tpu.memory_space<vmem>>, vector<1x1x16xf32>,
      %get3A_594 = vector.shape_cast %get3A_593 : vector<1x1x16xf32> to vector<16xf32>
      %get3A_595 = arith.constant 0 : i32
      %get3A_596 = arith.index_cast %get3A_595 : i32 to index
      %get3A_597 = arith.index_cast %add3A_561 : i32 to index
      %get3A_598 = arith.constant 16 : index
      %get3A_599 = tpu.vector_load %arg13[%get3A_596, %get3A_597, %get3A_598] {strides = array<i32>} : memref<2x128x64xf32, #tpu.memory_space<vmem>>, vector<1x1x16xf32>,
      %get3A_600 = vector.shape_cast %get3A_599 : vector<1x1x16xf32> to vector<16xf32>
      %get3A_601 = arith.constant 0 : i32
      %get3A_602 = arith.index_cast %get3A_601 : i32 to index
      %get3A_603 = arith.index_cast %add3A_561 : i32 to index
      %get3A_604 = arith.constant 16 : index
      %get3A_605 = tpu.vector_load %arg14[%get3A_602, %get3A_603, %get3A_604] {strides = array<i32>} : memref<2x128x64xf32, #tpu.memory_space<vmem>>, vector<1x1x16xf32>,
      %get3A_606 = vector.shape_cast %get3A_605 : vector<1x1x16xf32> to vector<16xf32>
      %sub3A_607 = arith.subf %get3A_600, %get3A_606 : vector<16xf32>
      %mul3A_608 = arith.mulf %get3A_594, %sub3A_607 : vector<16xf32>
      %add3A_609 = arith.addf %add3A_582, %mul3A_608 : vector<16xf32>
      %mul3A_610 = arith.mulf %get3A_594, %get3A_594 : vector<16xf32>
      %mul3A_611 = arith.mulf %get3A_600, %get3A_600 : vector<16xf32>
      %add3A_612 = arith.addf %mul3A_610, %mul3A_611 : vector<16xf32>
      %mul3A_613 = arith.mulf %get3A_606, %get3A_606 : vector<16xf32>
      %add3A_614 = arith.addf %add3A_612, %mul3A_613 : vector<16xf32>
      %add3A_615 = arith.addf %add3A_588, %add3A_614 : vector<16xf32>
      %get3A_616 = arith.constant 0 : i32
      %get3A_617 = arith.index_cast %get3A_616 : i32 to index
      %get3A_618 = arith.index_cast %add3A_561 : i32 to index
      %get3A_619 = arith.constant 32 : index
      %get3A_620 = tpu.vector_load %arg12[%get3A_617, %get3A_618, %get3A_619] {strides = array<i32>} : memref<2x128x64xf32, #tpu.memory_space<vmem>>, vector<1x1x16xf32>,
      %get3A_621 = vector.shape_cast %get3A_620 : vector<1x1x16xf32> to vector<16xf32>
      %get3A_622 = arith.constant 0 : i32
      %get3A_623 = arith.index_cast %get3A_622 : i32 to index
      %get3A_624 = arith.index_cast %add3A_561 : i32 to index
      %get3A_625 = arith.constant 32 : index
      %get3A_626 = tpu.vector_load %arg13[%get3A_623, %get3A_624, %get3A_625] {strides = array<i32>} : memref<2x128x64xf32, #tpu.memory_space<vmem>>, vector<1x1x16xf32>,
      %get3A_627 = vector.shape_cast %get3A_626 : vector<1x1x16xf32> to vector<16xf32>
      %get3A_628 = arith.constant 0 : i32
      %get3A_629 = arith.index_cast %get3A_628 : i32 to index
      %get3A_630 = arith.index_cast %add3A_561 : i32 to index
      %get3A_631 = arith.constant 32 : index
      %get3A_632 = tpu.vector_load %arg14[%get3A_629, %get3A_630, %get3A_631] {strides = array<i32>} : memref<2x128x64xf32, #tpu.memory_space<vmem>>, vector<1x1x16xf32>,
      %get3A_633 = vector.shape_cast %get3A_632 : vector<1x1x16xf32> to vector<16xf32>
      %sub3A_634 = arith.subf %get3A_627, %get3A_633 : vector<16xf32>
      %mul3A_635 = arith.mulf %get3A_621, %sub3A_634 : vector<16xf32>
      %add3A_636 = arith.addf %add3A_609, %mul3A_635 : vector<16xf32>
      %mul3A_637 = arith.mulf %get3A_621, %get3A_621 : vector<16xf32>
      %mul3A_638 = arith.mulf %get3A_627, %get3A_627 : vector<16xf32>
      %add3A_639 = arith.addf %mul3A_637, %mul3A_638 : vector<16xf32>
      %mul3A_640 = arith.mulf %get3A_633, %get3A_633 : vector<16xf32>
      %add3A_641 = arith.addf %add3A_639, %mul3A_640 : vector<16xf32>
      %add3A_642 = arith.addf %add3A_615, %add3A_641 : vector<16xf32>
      %get3A_643 = arith.constant 0 : i32
      %get3A_644 = arith.index_cast %get3A_643 : i32 to index
      %get3A_645 = arith.index_cast %add3A_561 : i32 to index
      %get3A_646 = arith.constant 48 : index
      %get3A_647 = tpu.vector_load %arg12[%get3A_644, %get3A_645, %get3A_646] {strides = array<i32>} : memref<2x128x64xf32, #tpu.memory_space<vmem>>, vector<1x1x16xf32>,
      %get3A_648 = vector.shape_cast %get3A_647 : vector<1x1x16xf32> to vector<16xf32>
      %get3A_649 = arith.constant 0 : i32
      %get3A_650 = arith.index_cast %get3A_649 : i32 to index
      %get3A_651 = arith.index_cast %add3A_561 : i32 to index
      %get3A_652 = arith.constant 48 : index
      %get3A_653 = tpu.vector_load %arg13[%get3A_650, %get3A_651, %get3A_652] {strides = array<i32>} : memref<2x128x64xf32, #tpu.memory_space<vmem>>, vector<1x1x16xf32>,
      %get3A_654 = vector.shape_cast %get3A_653 : vector<1x1x16xf32> to vector<16xf32>
      %get3A_655 = arith.constant 0 : i32
      %get3A_656 = arith.index_cast %get3A_655 : i32 to index
      %get3A_657 = arith.index_cast %add3A_561 : i32 to index
      %get3A_658 = arith.constant 48 : index
      %get3A_659 = tpu.vector_load %arg14[%get3A_656, %get3A_657, %get3A_658] {strides = array<i32>} : memref<2x128x64xf32, #tpu.memory_space<vmem>>, vector<1x1x16xf32>,
      %get3A_660 = vector.shape_cast %get3A_659 : vector<1x1x16xf32> to vector<16xf32>
      %sub3A_661 = arith.subf %get3A_654, %get3A_660 : vector<16xf32>
      %mul3A_662 = arith.mulf %get3A_648, %sub3A_661 : vector<16xf32>
      %add3A_663 = arith.addf %add3A_636, %mul3A_662 : vector<16xf32>
      %mul3A_664 = arith.mulf %get3A_648, %get3A_648 : vector<16xf32>
      %mul3A_665 = arith.mulf %get3A_654, %get3A_654 : vector<16xf32>
      %add3A_666 = arith.addf %mul3A_664, %mul3A_665 : vector<16xf32>
      %mul3A_667 = arith.mulf %get3A_660, %get3A_660 : vector<16xf32>
      %add3A_668 = arith.addf %add3A_666, %mul3A_667 : vector<16xf32>
      %add3A_669 = arith.addf %add3A_642, %add3A_668 : vector<16xf32>
      %add3A_670 = arith.constant 0 : i32
      %add3A_671 = arith.addi %add3A_670, %add3A_561 : i32
      %swap3A_672 = arith.index_cast %add3A_671 : i32 to index
      %swap3A_673 = arith.constant 0 : index
      %swap3A_674 = tpu.vector_load %arg15[%swap3A_672, %swap3A_673] {strides = array<i32>} : memref<512x16xf32, #tpu.memory_space<vmem>>, vector<1x16xf32>,
      %swap3A_675 = vector.shape_cast %swap3A_674 : vector<1x16xf32> to vector<16xf32>
      %swap3A_676 = vector.shape_cast %add3A_663 : vector<16xf32> to vector<1x16xf32>
      tpu.vector_store %arg15[%swap3A_672, %swap3A_673], %swap3A_676 {strides = array<i32>} : memref<512x16xf32, #tpu.memory_space<vmem>>, vector<1x16xf32>,
      %mul3A_677 = arith.constant 4 : i32
      %mul3A_678 = arith.muli %scan3A_556, %mul3A_677 : i32
      %add3A_679 = arith.constant 1 : i32
      %add3A_680 = arith.addi %mul3A_678, %add3A_679 : i32
      %broadcast_in_dim3A_681 = arith.constant 0.000000e+00 : f32
      %broadcast_in_dim3A_682 = vector.broadcast %broadcast_in_dim3A_681 : f32 to vector<16xf32>
      %get3A_683 = arith.constant 0 : i32
      %get3A_684 = arith.index_cast %get3A_683 : i32 to index
      %get3A_685 = arith.index_cast %add3A_680 : i32 to index
      %get3A_686 = arith.constant 0 : index
      %get3A_687 = tpu.vector_load %arg12[%get3A_684, %get3A_685, %get3A_686] {strides = array<i32>} : memref<2x128x64xf32, #tpu.memory_space<vmem>>, vector<1x1x16xf32>,
      %get3A_688 = vector.shape_cast %get3A_687 : vector<1x1x16xf32> to vector<16xf32>
      %get3A_689 = arith.constant 0 : i32
      %get3A_690 = arith.index_cast %get3A_689 : i32 to index
      %get3A_691 = arith.index_cast %add3A_680 : i32 to index
      %get3A_692 = arith.constant 0 : index
      %get3A_693 = tpu.vector_load %arg13[%get3A_690, %get3A_691, %get3A_692] {strides = array<i32>} : memref<2x128x64xf32, #tpu.memory_space<vmem>>, vector<1x1x16xf32>,
      %get3A_694 = vector.shape_cast %get3A_693 : vector<1x1x16xf32> to vector<16xf32>
      %get3A_695 = arith.constant 0 : i32
      %get3A_696 = arith.index_cast %get3A_695 : i32 to index
      %get3A_697 = arith.index_cast %add3A_680 : i32 to index
      %get3A_698 = arith.constant 0 : index
      %get3A_699 = tpu.vector_load %arg14[%get3A_696, %get3A_697, %get3A_698] {strides = array<i32>} : memref<2x128x64xf32, #tpu.memory_space<vmem>>, vector<1x1x16xf32>,
      %get3A_700 = vector.shape_cast %get3A_699 : vector<1x1x16xf32> to vector<16xf32>
      %sub3A_701 = arith.subf %get3A_694, %get3A_700 : vector<16xf32>
      %mul3A_702 = arith.mulf %get3A_688, %sub3A_701 : vector<16xf32>
      %add3A_703 = arith.addf %broadcast_in_dim3A_682, %mul3A_702 : vector<16xf32>
      %mul3A_704 = arith.mulf %get3A_688, %get3A_688 : vector<16xf32>
      %mul3A_705 = arith.mulf %get3A_694, %get3A_694 : vector<16xf32>
      %add3A_706 = arith.addf %mul3A_704, %mul3A_705 : vector<16xf32>
      %mul3A_707 = arith.mulf %get3A_700, %get3A_700 : vector<16xf32>
      %add3A_708 = arith.addf %add3A_706, %mul3A_707 : vector<16xf32>
      %add3A_709 = arith.addf %add3A_669, %add3A_708 : vector<16xf32>
      %get3A_710 = arith.constant 0 : i32
      %get3A_711 = arith.index_cast %get3A_710 : i32 to index
      %get3A_712 = arith.index_cast %add3A_680 : i32 to index
      %get3A_713 = arith.constant 16 : index
      %get3A_714 = tpu.vector_load %arg12[%get3A_711, %get3A_712, %get3A_713] {strides = array<i32>} : memref<2x128x64xf32, #tpu.memory_space<vmem>>, vector<1x1x16xf32>,
      %get3A_715 = vector.shape_cast %get3A_714 : vector<1x1x16xf32> to vector<16xf32>
      %get3A_716 = arith.constant 0 : i32
      %get3A_717 = arith.index_cast %get3A_716 : i32 to index
      %get3A_718 = arith.index_cast %add3A_680 : i32 to index
      %get3A_719 = arith.constant 16 : index
      %get3A_720 = tpu.vector_load %arg13[%get3A_717, %get3A_718, %get3A_719] {strides = array<i32>} : memref<2x128x64xf32, #tpu.memory_space<vmem>>, vector<1x1x16xf32>,
      %get3A_721 = vector.shape_cast %get3A_720 : vector<1x1x16xf32> to vector<16xf32>
      %get3A_722 = arith.constant 0 : i32
      %get3A_723 = arith.index_cast %get3A_722 : i32 to index
      %get3A_724 = arith.index_cast %add3A_680 : i32 to index
      %get3A_725 = arith.constant 16 : index
      %get3A_726 = tpu.vector_load %arg14[%get3A_723, %get3A_724, %get3A_725] {strides = array<i32>} : memref<2x128x64xf32, #tpu.memory_space<vmem>>, vector<1x1x16xf32>,
      %get3A_727 = vector.shape_cast %get3A_726 : vector<1x1x16xf32> to vector<16xf32>
      %sub3A_728 = arith.subf %get3A_721, %get3A_727 : vector<16xf32>
      %mul3A_729 = arith.mulf %get3A_715, %sub3A_728 : vector<16xf32>
      %add3A_730 = arith.addf %add3A_703, %mul3A_729 : vector<16xf32>
      %mul3A_731 = arith.mulf %get3A_715, %get3A_715 : vector<16xf32>
      %mul3A_732 = arith.mulf %get3A_721, %get3A_721 : vector<16xf32>
      %add3A_733 = arith.addf %mul3A_731, %mul3A_732 : vector<16xf32>
      %mul3A_734 = arith.mulf %get3A_727, %get3A_727 : vector<16xf32>
      %add3A_735 = arith.addf %add3A_733, %mul3A_734 : vector<16xf32>
      %add3A_736 = arith.addf %add3A_709, %add3A_735 : vector<16xf32>
      %get3A_737 = arith.constant 0 : i32
      %get3A_738 = arith.index_cast %get3A_737 : i32 to index
      %get3A_739 = arith.index_cast %add3A_680 : i32 to index
      %get3A_740 = arith.constant 32 : index
      %get3A_741 = tpu.vector_load %arg12[%get3A_738, %get3A_739, %get3A_740] {strides = array<i32>} : memref<2x128x64xf32, #tpu.memory_space<vmem>>, vector<1x1x16xf32>,
      %get3A_742 = vector.shape_cast %get3A_741 : vector<1x1x16xf32> to vector<16xf32>
      %get3A_743 = arith.constant 0 : i32
      %get3A_744 = arith.index_cast %get3A_743 : i32 to index
      %get3A_745 = arith.index_cast %add3A_680 : i32 to index
      %get3A_746 = arith.constant 32 : index
      %get3A_747 = tpu.vector_load %arg13[%get3A_744, %get3A_745, %get3A_746] {strides = array<i32>} : memref<2x128x64xf32, #tpu.memory_space<vmem>>, vector<1x1x16xf32>,
      %get3A_748 = vector.shape_cast %get3A_747 : vector<1x1x16xf32> to vector<16xf32>
      %get3A_749 = arith.constant 0 : i32
      %get3A_750 = arith.index_cast %get3A_749 : i32 to index
      %get3A_751 = arith.index_cast %add3A_680 : i32 to index
      %get3A_752 = arith.constant 32 : index
      %get3A_753 = tpu.vector_load %arg14[%get3A_750, %get3A_751, %get3A_752] {strides = array<i32>} : memref<2x128x64xf32, #tpu.memory_space<vmem>>, vector<1x1x16xf32>,
      %get3A_754 = vector.shape_cast %get3A_753 : vector<1x1x16xf32> to vector<16xf32>
      %sub3A_755 = arith.subf %get3A_748, %get3A_754 : vector<16xf32>
      %mul3A_756 = arith.mulf %get3A_742, %sub3A_755 : vector<16xf32>
      %add3A_757 = arith.addf %add3A_730, %mul3A_756 : vector<16xf32>
      %mul3A_758 = arith.mulf %get3A_742, %get3A_742 : vector<16xf32>
      %mul3A_759 = arith.mulf %get3A_748, %get3A_748 : vector<16xf32>
      %add3A_760 = arith.addf %mul3A_758, %mul3A_759 : vector<16xf32>
      %mul3A_761 = arith.mulf %get3A_754, %get3A_754 : vector<16xf32>
      %add3A_762 = arith.addf %add3A_760, %mul3A_761 : vector<16xf32>
      %add3A_763 = arith.addf %add3A_736, %add3A_762 : vector<16xf32>
      %get3A_764 = arith.constant 0 : i32
      %get3A_765 = arith.index_cast %get3A_764 : i32 to index
      %get3A_766 = arith.index_cast %add3A_680 : i32 to index
      %get3A_767 = arith.constant 48 : index
      %get3A_768 = tpu.vector_load %arg12[%get3A_765, %get3A_766, %get3A_767] {strides = array<i32>} : memref<2x128x64xf32, #tpu.memory_space<vmem>>, vector<1x1x16xf32>,
      %get3A_769 = vector.shape_cast %get3A_768 : vector<1x1x16xf32> to vector<16xf32>
      %get3A_770 = arith.constant 0 : i32
      %get3A_771 = arith.index_cast %get3A_770 : i32 to index
      %get3A_772 = arith.index_cast %add3A_680 : i32 to index
      %get3A_773 = arith.constant 48 : index
      %get3A_774 = tpu.vector_load %arg13[%get3A_771, %get3A_772, %get3A_773] {strides = array<i32>} : memref<2x128x64xf32, #tpu.memory_space<vmem>>, vector<1x1x16xf32>,
      %get3A_775 = vector.shape_cast %get3A_774 : vector<1x1x16xf32> to vector<16xf32>
      %get3A_776 = arith.constant 0 : i32
      %get3A_777 = arith.index_cast %get3A_776 : i32 to index
      %get3A_778 = arith.index_cast %add3A_680 : i32 to index
      %get3A_779 = arith.constant 48 : index
      %get3A_780 = tpu.vector_load %arg14[%get3A_777, %get3A_778, %get3A_779] {strides = array<i32>} : memref<2x128x64xf32, #tpu.memory_space<vmem>>, vector<1x1x16xf32>,
      %get3A_781 = vector.shape_cast %get3A_780 : vector<1x1x16xf32> to vector<16xf32>
      %sub3A_782 = arith.subf %get3A_775, %get3A_781 : vector<16xf32>
      %mul3A_783 = arith.mulf %get3A_769, %sub3A_782 : vector<16xf32>
      %add3A_784 = arith.addf %add3A_757, %mul3A_783 : vector<16xf32>
      %mul3A_785 = arith.mulf %get3A_769, %get3A_769 : vector<16xf32>
      %mul3A_786 = arith.mulf %get3A_775, %get3A_775 : vector<16xf32>
      %add3A_787 = arith.addf %mul3A_785, %mul3A_786 : vector<16xf32>
      %mul3A_788 = arith.mulf %get3A_781, %get3A_781 : vector<16xf32>
      %add3A_789 = arith.addf %add3A_787, %mul3A_788 : vector<16xf32>
      %add3A_790 = arith.addf %add3A_763, %add3A_789 : vector<16xf32>
      %add3A_791 = arith.constant 0 : i32
      %add3A_792 = arith.addi %add3A_791, %add3A_680 : i32
      %swap3A_793 = arith.index_cast %add3A_792 : i32 to index
      %swap3A_794 = arith.constant 0 : index
      %swap3A_795 = tpu.vector_load %arg15[%swap3A_793, %swap3A_794] {strides = array<i32>} : memref<512x16xf32, #tpu.memory_space<vmem>>, vector<1x16xf32>,
      %swap3A_796 = vector.shape_cast %swap3A_795 : vector<1x16xf32> to vector<16xf32>
      %swap3A_797 = vector.shape_cast %add3A_784 : vector<16xf32> to vector<1x16xf32>
      tpu.vector_store %arg15[%swap3A_793, %swap3A_794], %swap3A_797 {strides = array<i32>} : memref<512x16xf32, #tpu.memory_space<vmem>>, vector<1x16xf32>,
      %mul3A_798 = arith.constant 4 : i32
      %mul3A_799 = arith.muli %scan3A_556, %mul3A_798 : i32
      %add3A_800 = arith.constant 2 : i32
      %add3A_801 = arith.addi %mul3A_799, %add3A_800 : i32
      %broadcast_in_dim3A_802 = arith.constant 0.000000e+00 : f32
      %broadcast_in_dim3A_803 = vector.broadcast %broadcast_in_dim3A_802 : f32 to vector<16xf32>
      %get3A_804 = arith.constant 0 : i32
      %get3A_805 = arith.index_cast %get3A_804 : i32 to index
      %get3A_806 = arith.index_cast %add3A_801 : i32 to index
      %get3A_807 = arith.constant 0 : index
      %get3A_808 = tpu.vector_load %arg12[%get3A_805, %get3A_806, %get3A_807] {strides = array<i32>} : memref<2x128x64xf32, #tpu.memory_space<vmem>>, vector<1x1x16xf32>,
      %get3A_809 = vector.shape_cast %get3A_808 : vector<1x1x16xf32> to vector<16xf32>
      %get3A_810 = arith.constant 0 : i32
      %get3A_811 = arith.index_cast %get3A_810 : i32 to index
      %get3A_812 = arith.index_cast %add3A_801 : i32 to index
      %get3A_813 = arith.constant 0 : index
      %get3A_814 = tpu.vector_load %arg13[%get3A_811, %get3A_812, %get3A_813] {strides = array<i32>} : memref<2x128x64xf32, #tpu.memory_space<vmem>>, vector<1x1x16xf32>,
      %get3A_815 = vector.shape_cast %get3A_814 : vector<1x1x16xf32> to vector<16xf32>
      %get3A_816 = arith.constant 0 : i32
      %get3A_817 = arith.index_cast %get3A_816 : i32 to index
      %get3A_818 = arith.index_cast %add3A_801 : i32 to index
      %get3A_819 = arith.constant 0 : index
      %get3A_820 = tpu.vector_load %arg14[%get3A_817, %get3A_818, %get3A_819] {strides = array<i32>} : memref<2x128x64xf32, #tpu.memory_space<vmem>>, vector<1x1x16xf32>,
      %get3A_821 = vector.shape_cast %get3A_820 : vector<1x1x16xf32> to vector<16xf32>
      %sub3A_822 = arith.subf %get3A_815, %get3A_821 : vector<16xf32>
      %mul3A_823 = arith.mulf %get3A_809, %sub3A_822 : vector<16xf32>
      %add3A_824 = arith.addf %broadcast_in_dim3A_803, %mul3A_823 : vector<16xf32>
      %mul3A_825 = arith.mulf %get3A_809, %get3A_809 : vector<16xf32>
      %mul3A_826 = arith.mulf %get3A_815, %get3A_815 : vector<16xf32>
      %add3A_827 = arith.addf %mul3A_825, %mul3A_826 : vector<16xf32>
      %mul3A_828 = arith.mulf %get3A_821, %get3A_821 : vector<16xf32>
      %add3A_829 = arith.addf %add3A_827, %mul3A_828 : vector<16xf32>
      %add3A_830 = arith.addf %add3A_790, %add3A_829 : vector<16xf32>
      %get3A_831 = arith.constant 0 : i32
      %get3A_832 = arith.index_cast %get3A_831 : i32 to index
      %get3A_833 = arith.index_cast %add3A_801 : i32 to index
      %get3A_834 = arith.constant 16 : index
      %get3A_835 = tpu.vector_load %arg12[%get3A_832, %get3A_833, %get3A_834] {strides = array<i32>} : memref<2x128x64xf32, #tpu.memory_space<vmem>>, vector<1x1x16xf32>,
      %get3A_836 = vector.shape_cast %get3A_835 : vector<1x1x16xf32> to vector<16xf32>
      %get3A_837 = arith.constant 0 : i32
      %get3A_838 = arith.index_cast %get3A_837 : i32 to index
      %get3A_839 = arith.index_cast %add3A_801 : i32 to index
      %get3A_840 = arith.constant 16 : index
      %get3A_841 = tpu.vector_load %arg13[%get3A_838, %get3A_839, %get3A_840] {strides = array<i32>} : memref<2x128x64xf32, #tpu.memory_space<vmem>>, vector<1x1x16xf32>,
      %get3A_842 = vector.shape_cast %get3A_841 : vector<1x1x16xf32> to vector<16xf32>
      %get3A_843 = arith.constant 0 : i32
      %get3A_844 = arith.index_cast %get3A_843 : i32 to index
      %get3A_845 = arith.index_cast %add3A_801 : i32 to index
      %get3A_846 = arith.constant 16 : index
      %get3A_847 = tpu.vector_load %arg14[%get3A_844, %get3A_845, %get3A_846] {strides = array<i32>} : memref<2x128x64xf32, #tpu.memory_space<vmem>>, vector<1x1x16xf32>,
      %get3A_848 = vector.shape_cast %get3A_847 : vector<1x1x16xf32> to vector<16xf32>
      %sub3A_849 = arith.subf %get3A_842, %get3A_848 : vector<16xf32>
      %mul3A_850 = arith.mulf %get3A_836, %sub3A_849 : vector<16xf32>
      %add3A_851 = arith.addf %add3A_824, %mul3A_850 : vector<16xf32>
      %mul3A_852 = arith.mulf %get3A_836, %get3A_836 : vector<16xf32>
      %mul3A_853 = arith.mulf %get3A_842, %get3A_842 : vector<16xf32>
      %add3A_854 = arith.addf %mul3A_852, %mul3A_853 : vector<16xf32>
      %mul3A_855 = arith.mulf %get3A_848, %get3A_848 : vector<16xf32>
      %add3A_856 = arith.addf %add3A_854, %mul3A_855 : vector<16xf32>
      %add3A_857 = arith.addf %add3A_830, %add3A_856 : vector<16xf32>
      %get3A_858 = arith.constant 0 : i32
      %get3A_859 = arith.index_cast %get3A_858 : i32 to index
      %get3A_860 = arith.index_cast %add3A_801 : i32 to index
      %get3A_861 = arith.constant 32 : index
      %get3A_862 = tpu.vector_load %arg12[%get3A_859, %get3A_860, %get3A_861] {strides = array<i32>} : memref<2x128x64xf32, #tpu.memory_space<vmem>>, vector<1x1x16xf32>,
      %get3A_863 = vector.shape_cast %get3A_862 : vector<1x1x16xf32> to vector<16xf32>
      %get3A_864 = arith.constant 0 : i32
      %get3A_865 = arith.index_cast %get3A_864 : i32 to index
      %get3A_866 = arith.index_cast %add3A_801 : i32 to index
      %get3A_867 = arith.constant 32 : index
      %get3A_868 = tpu.vector_load %arg13[%get3A_865, %get3A_866, %get3A_867] {strides = array<i32>} : memref<2x128x64xf32, #tpu.memory_space<vmem>>, vector<1x1x16xf32>,
      %get3A_869 = vector.shape_cast %get3A_868 : vector<1x1x16xf32> to vector<16xf32>
      %get3A_870 = arith.constant 0 : i32
      %get3A_871 = arith.index_cast %get3A_870 : i32 to index
      %get3A_872 = arith.index_cast %add3A_801 : i32 to index
      %get3A_873 = arith.constant 32 : index
      %get3A_874 = tpu.vector_load %arg14[%get3A_871, %get3A_872, %get3A_873] {strides = array<i32>} : memref<2x128x64xf32, #tpu.memory_space<vmem>>, vector<1x1x16xf32>,
      %get3A_875 = vector.shape_cast %get3A_874 : vector<1x1x16xf32> to vector<16xf32>
      %sub3A_876 = arith.subf %get3A_869, %get3A_875 : vector<16xf32>
      %mul3A_877 = arith.mulf %get3A_863, %sub3A_876 : vector<16xf32>
      %add3A_878 = arith.addf %add3A_851, %mul3A_877 : vector<16xf32>
      %mul3A_879 = arith.mulf %get3A_863, %get3A_863 : vector<16xf32>
      %mul3A_880 = arith.mulf %get3A_869, %get3A_869 : vector<16xf32>
      %add3A_881 = arith.addf %mul3A_879, %mul3A_880 : vector<16xf32>
      %mul3A_882 = arith.mulf %get3A_875, %get3A_875 : vector<16xf32>
      %add3A_883 = arith.addf %add3A_881, %mul3A_882 : vector<16xf32>
      %add3A_884 = arith.addf %add3A_857, %add3A_883 : vector<16xf32>
      %get3A_885 = arith.constant 0 : i32
      %get3A_886 = arith.index_cast %get3A_885 : i32 to index
      %get3A_887 = arith.index_cast %add3A_801 : i32 to index
      %get3A_888 = arith.constant 48 : index
      %get3A_889 = tpu.vector_load %arg12[%get3A_886, %get3A_887, %get3A_888] {strides = array<i32>} : memref<2x128x64xf32, #tpu.memory_space<vmem>>, vector<1x1x16xf32>,
      %get3A_890 = vector.shape_cast %get3A_889 : vector<1x1x16xf32> to vector<16xf32>
      %get3A_891 = arith.constant 0 : i32
      %get3A_892 = arith.index_cast %get3A_891 : i32 to index
      %get3A_893 = arith.index_cast %add3A_801 : i32 to index
      %get3A_894 = arith.constant 48 : index
      %get3A_895 = tpu.vector_load %arg13[%get3A_892, %get3A_893, %get3A_894] {strides = array<i32>} : memref<2x128x64xf32, #tpu.memory_space<vmem>>, vector<1x1x16xf32>,
      %get3A_896 = vector.shape_cast %get3A_895 : vector<1x1x16xf32> to vector<16xf32>
      %get3A_897 = arith.constant 0 : i32
      %get3A_898 = arith.index_cast %get3A_897 : i32 to index
      %get3A_899 = arith.index_cast %add3A_801 : i32 to index
      %get3A_900 = arith.constant 48 : index
      %get3A_901 = tpu.vector_load %arg14[%get3A_898, %get3A_899, %get3A_900] {strides = array<i32>} : memref<2x128x64xf32, #tpu.memory_space<vmem>>, vector<1x1x16xf32>,
      %get3A_902 = vector.shape_cast %get3A_901 : vector<1x1x16xf32> to vector<16xf32>
      %sub3A_903 = arith.subf %get3A_896, %get3A_902 : vector<16xf32>
      %mul3A_904 = arith.mulf %get3A_890, %sub3A_903 : vector<16xf32>
      %add3A_905 = arith.addf %add3A_878, %mul3A_904 : vector<16xf32>
      %mul3A_906 = arith.mulf %get3A_890, %get3A_890 : vector<16xf32>
      %mul3A_907 = arith.mulf %get3A_896, %get3A_896 : vector<16xf32>
      %add3A_908 = arith.addf %mul3A_906, %mul3A_907 : vector<16xf32>
      %mul3A_909 = arith.mulf %get3A_902, %get3A_902 : vector<16xf32>
      %add3A_910 = arith.addf %add3A_908, %mul3A_909 : vector<16xf32>
      %add3A_911 = arith.addf %add3A_884, %add3A_910 : vector<16xf32>
      %add3A_912 = arith.constant 0 : i32
      %add3A_913 = arith.addi %add3A_912, %add3A_801 : i32
      %swap3A_914 = arith.index_cast %add3A_913 : i32 to index
      %swap3A_915 = arith.constant 0 : index
      %swap3A_916 = tpu.vector_load %arg15[%swap3A_914, %swap3A_915] {strides = array<i32>} : memref<512x16xf32, #tpu.memory_space<vmem>>, vector<1x16xf32>,
      %swap3A_917 = vector.shape_cast %swap3A_916 : vector<1x16xf32> to vector<16xf32>
      %swap3A_918 = vector.shape_cast %add3A_905 : vector<16xf32> to vector<1x16xf32>
      tpu.vector_store %arg15[%swap3A_914, %swap3A_915], %swap3A_918 {strides = array<i32>} : memref<512x16xf32, #tpu.memory_space<vmem>>, vector<1x16xf32>,
      %mul3A_919 = arith.constant 4 : i32
      %mul3A_920 = arith.muli %scan3A_556, %mul3A_919 : i32
      %add3A_921 = arith.constant 3 : i32
      %add3A_922 = arith.addi %mul3A_920, %add3A_921 : i32
      %broadcast_in_dim3A_923 = arith.constant 0.000000e+00 : f32
      %broadcast_in_dim3A_924 = vector.broadcast %broadcast_in_dim3A_923 : f32 to vector<16xf32>
      %get3A_925 = arith.constant 0 : i32
      %get3A_926 = arith.index_cast %get3A_925 : i32 to index
      %get3A_927 = arith.index_cast %add3A_922 : i32 to index
      %get3A_928 = arith.constant 0 : index
      %get3A_929 = tpu.vector_load %arg12[%get3A_926, %get3A_927, %get3A_928] {strides = array<i32>} : memref<2x128x64xf32, #tpu.memory_space<vmem>>, vector<1x1x16xf32>,
      %get3A_930 = vector.shape_cast %get3A_929 : vector<1x1x16xf32> to vector<16xf32>
      %get3A_931 = arith.constant 0 : i32
      %get3A_932 = arith.index_cast %get3A_931 : i32 to index
      %get3A_933 = arith.index_cast %add3A_922 : i32 to index
      %get3A_934 = arith.constant 0 : index
      %get3A_935 = tpu.vector_load %arg13[%get3A_932, %get3A_933, %get3A_934] {strides = array<i32>} : memref<2x128x64xf32, #tpu.memory_space<vmem>>, vector<1x1x16xf32>,
      %get3A_936 = vector.shape_cast %get3A_935 : vector<1x1x16xf32> to vector<16xf32>
      %get3A_937 = arith.constant 0 : i32
      %get3A_938 = arith.index_cast %get3A_937 : i32 to index
      %get3A_939 = arith.index_cast %add3A_922 : i32 to index
      %get3A_940 = arith.constant 0 : index
      %get3A_941 = tpu.vector_load %arg14[%get3A_938, %get3A_939, %get3A_940] {strides = array<i32>} : memref<2x128x64xf32, #tpu.memory_space<vmem>>, vector<1x1x16xf32>,
      %get3A_942 = vector.shape_cast %get3A_941 : vector<1x1x16xf32> to vector<16xf32>
      %sub3A_943 = arith.subf %get3A_936, %get3A_942 : vector<16xf32>
      %mul3A_944 = arith.mulf %get3A_930, %sub3A_943 : vector<16xf32>
      %add3A_945 = arith.addf %broadcast_in_dim3A_924, %mul3A_944 : vector<16xf32>
      %mul3A_946 = arith.mulf %get3A_930, %get3A_930 : vector<16xf32>
      %mul3A_947 = arith.mulf %get3A_936, %get3A_936 : vector<16xf32>
      %add3A_948 = arith.addf %mul3A_946, %mul3A_947 : vector<16xf32>
      %mul3A_949 = arith.mulf %get3A_942, %get3A_942 : vector<16xf32>
      %add3A_950 = arith.addf %add3A_948, %mul3A_949 : vector<16xf32>
      %add3A_951 = arith.addf %add3A_911, %add3A_950 : vector<16xf32>
      %get3A_952 = arith.constant 0 : i32
      %get3A_953 = arith.index_cast %get3A_952 : i32 to index
      %get3A_954 = arith.index_cast %add3A_922 : i32 to index
      %get3A_955 = arith.constant 16 : index
      %get3A_956 = tpu.vector_load %arg12[%get3A_953, %get3A_954, %get3A_955] {strides = array<i32>} : memref<2x128x64xf32, #tpu.memory_space<vmem>>, vector<1x1x16xf32>,
      %get3A_957 = vector.shape_cast %get3A_956 : vector<1x1x16xf32> to vector<16xf32>
      %get3A_958 = arith.constant 0 : i32
      %get3A_959 = arith.index_cast %get3A_958 : i32 to index
      %get3A_960 = arith.index_cast %add3A_922 : i32 to index
      %get3A_961 = arith.constant 16 : index
      %get3A_962 = tpu.vector_load %arg13[%get3A_959, %get3A_960, %get3A_961] {strides = array<i32>} : memref<2x128x64xf32, #tpu.memory_space<vmem>>, vector<1x1x16xf32>,
      %get3A_963 = vector.shape_cast %get3A_962 : vector<1x1x16xf32> to vector<16xf32>
      %get3A_964 = arith.constant 0 : i32
      %get3A_965 = arith.index_cast %get3A_964 : i32 to index
      %get3A_966 = arith.index_cast %add3A_922 : i32 to index
      %get3A_967 = arith.constant 16 : index
      %get3A_968 = tpu.vector_load %arg14[%get3A_965, %get3A_966, %get3A_967] {strides = array<i32>} : memref<2x128x64xf32, #tpu.memory_space<vmem>>, vector<1x1x16xf32>,
      %get3A_969 = vector.shape_cast %get3A_968 : vector<1x1x16xf32> to vector<16xf32>
      %sub3A_970 = arith.subf %get3A_963, %get3A_969 : vector<16xf32>
      %mul3A_971 = arith.mulf %get3A_957, %sub3A_970 : vector<16xf32>
      %add3A_972 = arith.addf %add3A_945, %mul3A_971 : vector<16xf32>
      %mul3A_973 = arith.mulf %get3A_957, %get3A_957 : vector<16xf32>
      %mul3A_974 = arith.mulf %get3A_963, %get3A_963 : vector<16xf32>
      %add3A_975 = arith.addf %mul3A_973, %mul3A_974 : vector<16xf32>
      %mul3A_976 = arith.mulf %get3A_969, %get3A_969 : vector<16xf32>
      %add3A_977 = arith.addf %add3A_975, %mul3A_976 : vector<16xf32>
      %add3A_978 = arith.addf %add3A_951, %add3A_977 : vector<16xf32>
      %get3A_979 = arith.constant 0 : i32
      %get3A_980 = arith.index_cast %get3A_979 : i32 to index
      %get3A_981 = arith.index_cast %add3A_922 : i32 to index
      %get3A_982 = arith.constant 32 : index
      %get3A_983 = tpu.vector_load %arg12[%get3A_980, %get3A_981, %get3A_982] {strides = array<i32>} : memref<2x128x64xf32, #tpu.memory_space<vmem>>, vector<1x1x16xf32>,
      %get3A_984 = vector.shape_cast %get3A_983 : vector<1x1x16xf32> to vector<16xf32>
      %get3A_985 = arith.constant 0 : i32
      %get3A_986 = arith.index_cast %get3A_985 : i32 to index
      %get3A_987 = arith.index_cast %add3A_922 : i32 to index
      %get3A_988 = arith.constant 32 : index
      %get3A_989 = tpu.vector_load %arg13[%get3A_986, %get3A_987, %get3A_988] {strides = array<i32>} : memref<2x128x64xf32, #tpu.memory_space<vmem>>, vector<1x1x16xf32>,
      %get3A_990 = vector.shape_cast %get3A_989 : vector<1x1x16xf32> to vector<16xf32>
      %get3A_991 = arith.constant 0 : i32
      %get3A_992 = arith.index_cast %get3A_991 : i32 to index
      %get3A_993 = arith.index_cast %add3A_922 : i32 to index
      %get3A_994 = arith.constant 32 : index
      %get3A_995 = tpu.vector_load %arg14[%get3A_992, %get3A_993, %get3A_994] {strides = array<i32>} : memref<2x128x64xf32, #tpu.memory_space<vmem>>, vector<1x1x16xf32>,
      %get3A_996 = vector.shape_cast %get3A_995 : vector<1x1x16xf32> to vector<16xf32>
      %sub3A_997 = arith.subf %get3A_990, %get3A_996 : vector<16xf32>
      %mul3A_998 = arith.mulf %get3A_984, %sub3A_997 : vector<16xf32>
      %add3A_999 = arith.addf %add3A_972, %mul3A_998 : vector<16xf32>
      %mul3A_1000 = arith.mulf %get3A_984, %get3A_984 : vector<16xf32>
      %mul3A_1001 = arith.mulf %get3A_990, %get3A_990 : vector<16xf32>
      %add3A_1002 = arith.addf %mul3A_1000, %mul3A_1001 : vector<16xf32>
      %mul3A_1003 = arith.mulf %get3A_996, %get3A_996 : vector<16xf32>
      %add3A_1004 = arith.addf %add3A_1002, %mul3A_1003 : vector<16xf32>
      %add3A_1005 = arith.addf %add3A_978, %add3A_1004 : vector<16xf32>
      %get3A_1006 = arith.constant 0 : i32
      %get3A_1007 = arith.index_cast %get3A_1006 : i32 to index
      %get3A_1008 = arith.index_cast %add3A_922 : i32 to index
      %get3A_1009 = arith.constant 48 : index
      %get3A_1010 = tpu.vector_load %arg12[%get3A_1007, %get3A_1008, %get3A_1009] {strides = array<i32>} : memref<2x128x64xf32, #tpu.memory_space<vmem>>, vector<1x1x16xf32>,
      %get3A_1011 = vector.shape_cast %get3A_1010 : vector<1x1x16xf32> to vector<16xf32>
      %get3A_1012 = arith.constant 0 : i32
      %get3A_1013 = arith.index_cast %get3A_1012 : i32 to index
      %get3A_1014 = arith.index_cast %add3A_922 : i32 to index
      %get3A_1015 = arith.constant 48 : index
      %get3A_1016 = tpu.vector_load %arg13[%get3A_1013, %get3A_1014, %get3A_1015] {strides = array<i32>} : memref<2x128x64xf32, #tpu.memory_space<vmem>>, vector<1x1x16xf32>,
      %get3A_1017 = vector.shape_cast %get3A_1016 : vector<1x1x16xf32> to vector<16xf32>
      %get3A_1018 = arith.constant 0 : i32
      %get3A_1019 = arith.index_cast %get3A_1018 : i32 to index
      %get3A_1020 = arith.index_cast %add3A_922 : i32 to index
      %get3A_1021 = arith.constant 48 : index
      %get3A_1022 = tpu.vector_load %arg14[%get3A_1019, %get3A_1020, %get3A_1021] {strides = array<i32>} : memref<2x128x64xf32, #tpu.memory_space<vmem>>, vector<1x1x16xf32>,
      %get3A_1023 = vector.shape_cast %get3A_1022 : vector<1x1x16xf32> to vector<16xf32>
      %sub3A_1024 = arith.subf %get3A_1017, %get3A_1023 : vector<16xf32>
      %mul3A_1025 = arith.mulf %get3A_1011, %sub3A_1024 : vector<16xf32>
      %add3A_1026 = arith.addf %add3A_999, %mul3A_1025 : vector<16xf32>
      %mul3A_1027 = arith.mulf %get3A_1011, %get3A_1011 : vector<16xf32>
      %mul3A_1028 = arith.mulf %get3A_1017, %get3A_1017 : vector<16xf32>
      %add3A_1029 = arith.addf %mul3A_1027, %mul3A_1028 : vector<16xf32>
      %mul3A_1030 = arith.mulf %get3A_1023, %get3A_1023 : vector<16xf32>
      %add3A_1031 = arith.addf %add3A_1029, %mul3A_1030 : vector<16xf32>
      %add3A_1032 = arith.addf %add3A_1005, %add3A_1031 : vector<16xf32>
      %add3A_1033 = arith.constant 0 : i32
      %add3A_1034 = arith.addi %add3A_1033, %add3A_922 : i32
      %swap3A_1035 = arith.index_cast %add3A_1034 : i32 to index
      %swap3A_1036 = arith.constant 0 : index
      %swap3A_1037 = tpu.vector_load %arg15[%swap3A_1035, %swap3A_1036] {strides = array<i32>} : memref<512x16xf32, #tpu.memory_space<vmem>>, vector<1x16xf32>,
      %swap3A_1038 = vector.shape_cast %swap3A_1037 : vector<1x16xf32> to vector<16xf32>
      %swap3A_1039 = vector.shape_cast %add3A_1026 : vector<16xf32> to vector<1x16xf32>
      tpu.vector_store %arg15[%swap3A_1035, %swap3A_1036], %swap3A_1039 {strides = array<i32>} : memref<512x16xf32, #tpu.memory_space<vmem>>, vector<1x16xf32>,
      scf.yield %add3A_1032 : vector<16xf32>
    }
    %scan3A_354 = arith.constant 32 : i32
    %dma_wait3A_355 = arith.constant 1 : i32
    %dma_wait3A_356 = arith.constant 1 : i32
    %dma_wait3A_357 = arith.constant 0 : i32
    %dma_wait3A_358 = arith.constant 0 : i32
    %dma_wait3A_359 = tpu.memref_slice %arg12[%dma_wait3A_356, %dma_wait3A_357, %dma_wait3A_358] : memref<2x128x64xf32, #tpu.memory_space<vmem>> -> memref<1x128x64xf32, #tpu.memory_space<vmem>>
    %dma_wait3A_360 = tpu.memref_squeeze %dma_wait3A_359 : memref<1x128x64xf32, #tpu.memory_space<vmem>> -> memref<128x64xf32, #tpu.memory_space<vmem>>
    %dma_wait3A_361 = arith.constant 0 : i32
    %dma_wait3A_362 = tpu.memref_slice %arg9[%dma_wait3A_355, %dma_wait3A_361] : memref<4x128xi32, #tpu.memory_space<vmem>> -> memref<1x128xi32, #tpu.memory_space<vmem>>
    %dma_wait3A_363 = tpu.memref_squeeze %dma_wait3A_362 : memref<1x128xi32, #tpu.memory_space<vmem>> -> memref<128xi32, #tpu.memory_space<vmem>>
    %dma_wait3A_364 = arith.constant 0 : i32
    %dma_wait3A_365 = arith.constant 0 : i32
    %dma_wait3A_366 = tpu.memref_slice %arg5[%dma_wait3A_364, %dma_wait3A_365] : memref<100000x64xf32, #tpu.memory_space<hbm>> -> memref<100000x64xf32, #tpu.memory_space<hbm>>
    tpu.wait_indirect_dma semaphore(%arg17 : memref<!tpu.dma_semaphore, #tpu.memory_space<semaphore_mem>>) src(%dma_wait3A_366 : memref<100000x64xf32, #tpu.memory_space<hbm>>) dst(%dma_wait3A_360 : memref<128x64xf32, #tpu.memory_space<vmem>>)
    %dma_wait3A_367 = arith.constant 1 : i32
    %dma_wait3A_368 = arith.constant 1 : i32
    %dma_wait3A_369 = arith.constant 0 : i32
    %dma_wait3A_370 = arith.constant 0 : i32
    %dma_wait3A_371 = tpu.memref_slice %arg13[%dma_wait3A_368, %dma_wait3A_369, %dma_wait3A_370] : memref<2x128x64xf32, #tpu.memory_space<vmem>> -> memref<1x128x64xf32, #tpu.memory_space<vmem>>
    %dma_wait3A_372 = tpu.memref_squeeze %dma_wait3A_371 : memref<1x128x64xf32, #tpu.memory_space<vmem>> -> memref<128x64xf32, #tpu.memory_space<vmem>>
    %dma_wait3A_373 = arith.constant 0 : i32
    %dma_wait3A_374 = tpu.memref_slice %arg10[%dma_wait3A_367, %dma_wait3A_373] : memref<4x128xi32, #tpu.memory_space<vmem>> -> memref<1x128xi32, #tpu.memory_space<vmem>>
    %dma_wait3A_375 = tpu.memref_squeeze %dma_wait3A_374 : memref<1x128xi32, #tpu.memory_space<vmem>> -> memref<128xi32, #tpu.memory_space<vmem>>
    %dma_wait3A_376 = arith.constant 0 : i32
    %dma_wait3A_377 = arith.constant 0 : i32
    %dma_wait3A_378 = tpu.memref_slice %arg6[%dma_wait3A_376, %dma_wait3A_377] : memref<100000x64xf32, #tpu.memory_space<hbm>> -> memref<100000x64xf32, #tpu.memory_space<hbm>>
    tpu.wait_indirect_dma semaphore(%arg17 : memref<!tpu.dma_semaphore, #tpu.memory_space<semaphore_mem>>) src(%dma_wait3A_378 : memref<100000x64xf32, #tpu.memory_space<hbm>>) dst(%dma_wait3A_372 : memref<128x64xf32, #tpu.memory_space<vmem>>)
    %dma_wait3A_379 = arith.constant 1 : i32
    %dma_wait3A_380 = arith.constant 1 : i32
    %dma_wait3A_381 = arith.constant 0 : i32
    %dma_wait3A_382 = arith.constant 0 : i32
    %dma_wait3A_383 = tpu.memref_slice %arg14[%dma_wait3A_380, %dma_wait3A_381, %dma_wait3A_382] : memref<2x128x64xf32, #tpu.memory_space<vmem>> -> memref<1x128x64xf32, #tpu.memory_space<vmem>>
    %dma_wait3A_384 = tpu.memref_squeeze %dma_wait3A_383 : memref<1x128x64xf32, #tpu.memory_space<vmem>> -> memref<128x64xf32, #tpu.memory_space<vmem>>
    %dma_wait3A_385 = arith.constant 0 : i32
    %dma_wait3A_386 = tpu.memref_slice %arg11[%dma_wait3A_379, %dma_wait3A_385] : memref<4x128xi32, #tpu.memory_space<vmem>> -> memref<1x128xi32, #tpu.memory_space<vmem>>
    %dma_wait3A_387 = tpu.memref_squeeze %dma_wait3A_386 : memref<1x128xi32, #tpu.memory_space<vmem>> -> memref<128xi32, #tpu.memory_space<vmem>>
    %dma_wait3A_388 = arith.constant 0 : i32
    %dma_wait3A_389 = arith.constant 0 : i32
    %dma_wait3A_390 = tpu.memref_slice %arg6[%dma_wait3A_388, %dma_wait3A_389] : memref<100000x64xf32, #tpu.memory_space<hbm>> -> memref<100000x64xf32, #tpu.memory_space<hbm>>
    tpu.wait_indirect_dma semaphore(%arg17 : memref<!tpu.dma_semaphore, #tpu.memory_space<semaphore_mem>>) src(%dma_wait3A_390 : memref<100000x64xf32, #tpu.memory_space<hbm>>) dst(%dma_wait3A_384 : memref<128x64xf32, #tpu.memory_space<vmem>>)
    %dma_start3A_391 = arith.constant 2 : i32
    %dma_start3A_392 = arith.constant 0 : i32
    %dma_start3A_393 = arith.constant 0 : i32
    %dma_start3A_394 = arith.constant 0 : i32
    %dma_start3A_395 = tpu.memref_slice %arg12[%dma_start3A_392, %dma_start3A_393, %dma_start3A_394] : memref<2x128x64xf32, #tpu.memory_space<vmem>> -> memref<1x128x64xf32, #tpu.memory_space<vmem>>
    %dma_start3A_396 = tpu.memref_squeeze %dma_start3A_395 : memref<1x128x64xf32, #tpu.memory_space<vmem>> -> memref<128x64xf32, #tpu.memory_space<vmem>>
    %dma_start3A_397 = arith.constant 0 : i32
    %dma_start3A_398 = tpu.memref_slice %arg9[%dma_start3A_391, %dma_start3A_397] : memref<4x128xi32, #tpu.memory_space<vmem>> -> memref<1x128xi32, #tpu.memory_space<vmem>>
    %dma_start3A_399 = tpu.memref_squeeze %dma_start3A_398 : memref<1x128xi32, #tpu.memory_space<vmem>> -> memref<128xi32, #tpu.memory_space<vmem>>
    %dma_start3A_400 = arith.constant 0 : i32
    %dma_start3A_401 = arith.constant 0 : i32
    %dma_start3A_402 = tpu.memref_slice %arg5[%dma_start3A_400, %dma_start3A_401] : memref<100000x64xf32, #tpu.memory_space<hbm>> -> memref<100000x64xf32, #tpu.memory_space<hbm>>
    tpu.enqueue_indirect_dma source(%dma_start3A_402 : memref<100000x64xf32, #tpu.memory_space<hbm>>) target(%dma_start3A_396 : memref<128x64xf32, #tpu.memory_space<vmem>>) offsets(%dma_start3A_399 : memref<128xi32, #tpu.memory_space<vmem>>) semaphore(%arg17 : memref<!tpu.dma_semaphore, #tpu.memory_space<semaphore_mem>>)
    %dma_start3A_403 = arith.constant 2 : i32
    %dma_start3A_404 = arith.constant 0 : i32
    %dma_start3A_405 = arith.constant 0 : i32
    %dma_start3A_406 = arith.constant 0 : i32
    %dma_start3A_407 = tpu.memref_slice %arg13[%dma_start3A_404, %dma_start3A_405, %dma_start3A_406] : memref<2x128x64xf32, #tpu.memory_space<vmem>> -> memref<1x128x64xf32, #tpu.memory_space<vmem>>
    %dma_start3A_408 = tpu.memref_squeeze %dma_start3A_407 : memref<1x128x64xf32, #tpu.memory_space<vmem>> -> memref<128x64xf32, #tpu.memory_space<vmem>>
    %dma_start3A_409 = arith.constant 0 : i32
    %dma_start3A_410 = tpu.memref_slice %arg10[%dma_start3A_403, %dma_start3A_409] : memref<4x128xi32, #tpu.memory_space<vmem>> -> memref<1x128xi32, #tpu.memory_space<vmem>>
    %dma_start3A_411 = tpu.memref_squeeze %dma_start3A_410 : memref<1x128xi32, #tpu.memory_space<vmem>> -> memref<128xi32, #tpu.memory_space<vmem>>
    %dma_start3A_412 = arith.constant 0 : i32
    %dma_start3A_413 = arith.constant 0 : i32
    %dma_start3A_414 = tpu.memref_slice %arg6[%dma_start3A_412, %dma_start3A_413] : memref<100000x64xf32, #tpu.memory_space<hbm>> -> memref<100000x64xf32, #tpu.memory_space<hbm>>
    tpu.enqueue_indirect_dma source(%dma_start3A_414 : memref<100000x64xf32, #tpu.memory_space<hbm>>) target(%dma_start3A_408 : memref<128x64xf32, #tpu.memory_space<vmem>>) offsets(%dma_start3A_411 : memref<128xi32, #tpu.memory_space<vmem>>) semaphore(%arg17 : memref<!tpu.dma_semaphore, #tpu.memory_space<semaphore_mem>>)
    %dma_start3A_415 = arith.constant 2 : i32
    %dma_start3A_416 = arith.constant 0 : i32
    %dma_start3A_417 = arith.constant 0 : i32
    %dma_start3A_418 = arith.constant 0 : i32
    %dma_start3A_419 = tpu.memref_slice %arg14[%dma_start3A_416, %dma_start3A_417, %dma_start3A_418] : memref<2x128x64xf32, #tpu.memory_space<vmem>> -> memref<1x128x64xf32, #tpu.memory_space<vmem>>
    %dma_start3A_420 = tpu.memref_squeeze %dma_start3A_419 : memref<1x128x64xf32, #tpu.memory_space<vmem>> -> memref<128x64xf32, #tpu.memory_space<vmem>>
    %dma_start3A_421 = arith.constant 0 : i32
    %dma_start3A_422 = tpu.memref_slice %arg11[%dma_start3A_415, %dma_start3A_421] : memref<4x128xi32, #tpu.memory_space<vmem>> -> memref<1x128xi32, #tpu.memory_space<vmem>>
    %dma_start3A_423 = tpu.memref_squeeze %dma_start3A_422 : memref<1x128xi32, #tpu.memory_space<vmem>> -> memref<128xi32, #tpu.memory_space<vmem>>
    %dma_start3A_424 = arith.constant 0 : i32
    %dma_start3A_425 = arith.constant 0 : i32
    %dma_start3A_426 = tpu.memref_slice %arg6[%dma_start3A_424, %dma_start3A_425] : memref<100000x64xf32, #tpu.memory_space<hbm>> -> memref<100000x64xf32, #tpu.memory_space<hbm>>
    tpu.enqueue_indirect_dma source(%dma_start3A_426 : memref<100000x64xf32, #tpu.memory_space<hbm>>) target(%dma_start3A_420 : memref<128x64xf32, #tpu.memory_space<vmem>>) offsets(%dma_start3A_423 : memref<128xi32, #tpu.memory_space<vmem>>) semaphore(%arg17 : memref<!tpu.dma_semaphore, #tpu.memory_space<semaphore_mem>>)
    %scan3A_427 = arith.constant 0 : i32
    %scan3A_428 = arith.constant 32 : i32
    %scan3A_429 = arith.addi %scan3A_427, %scan3A_428 : i32
    %scan3A_430 = arith.constant 1 : i32
    %scan3A_431 = scf.for %scan3A_556 = %scan3A_427 to %scan3A_429 step %scan3A_430 iter_args(%scan3A_557 = %scan3A_353) -> (vector<16xf32>)  : i32 {
      %mul3A_558 = arith.constant 4 : i32
      %mul3A_559 = arith.muli %scan3A_556, %mul3A_558 : i32
      %add3A_560 = arith.constant 0 : i32
      %add3A_561 = arith.addi %mul3A_559, %add3A_560 : i32
      %broadcast_in_dim3A_562 = arith.constant 0.000000e+00 : f32
      %broadcast_in_dim3A_563 = vector.broadcast %broadcast_in_dim3A_562 : f32 to vector<16xf32>
      %get3A = arith.constant 1 : i32
      %get3A_564 = arith.index_cast %get3A : i32 to index
      %get3A_565 = arith.index_cast %add3A_561 : i32 to index
      %get3A_566 = arith.constant 0 : index
      %get3A_567 = tpu.vector_load %arg12[%get3A_564, %get3A_565, %get3A_566] {strides = array<i32>} : memref<2x128x64xf32, #tpu.memory_space<vmem>>, vector<1x1x16xf32>,
      %get3A_568 = vector.shape_cast %get3A_567 : vector<1x1x16xf32> to vector<16xf32>
      %get3A_569 = arith.constant 1 : i32
      %get3A_570 = arith.index_cast %get3A_569 : i32 to index
      %get3A_571 = arith.index_cast %add3A_561 : i32 to index
      %get3A_572 = arith.constant 0 : index
      %get3A_573 = tpu.vector_load %arg13[%get3A_570, %get3A_571, %get3A_572] {strides = array<i32>} : memref<2x128x64xf32, #tpu.memory_space<vmem>>, vector<1x1x16xf32>,
      %get3A_574 = vector.shape_cast %get3A_573 : vector<1x1x16xf32> to vector<16xf32>
      %get3A_575 = arith.constant 1 : i32
      %get3A_576 = arith.index_cast %get3A_575 : i32 to index
      %get3A_577 = arith.index_cast %add3A_561 : i32 to index
      %get3A_578 = arith.constant 0 : index
      %get3A_579 = tpu.vector_load %arg14[%get3A_576, %get3A_577, %get3A_578] {strides = array<i32>} : memref<2x128x64xf32, #tpu.memory_space<vmem>>, vector<1x1x16xf32>,
      %get3A_580 = vector.shape_cast %get3A_579 : vector<1x1x16xf32> to vector<16xf32>
      %sub3A = arith.subf %get3A_574, %get3A_580 : vector<16xf32>
      %mul3A_581 = arith.mulf %get3A_568, %sub3A : vector<16xf32>
      %add3A_582 = arith.addf %broadcast_in_dim3A_563, %mul3A_581 : vector<16xf32>
      %mul3A_583 = arith.mulf %get3A_568, %get3A_568 : vector<16xf32>
      %mul3A_584 = arith.mulf %get3A_574, %get3A_574 : vector<16xf32>
      %add3A_585 = arith.addf %mul3A_583, %mul3A_584 : vector<16xf32>
      %mul3A_586 = arith.mulf %get3A_580, %get3A_580 : vector<16xf32>
      %add3A_587 = arith.addf %add3A_585, %mul3A_586 : vector<16xf32>
      %add3A_588 = arith.addf %scan3A_557, %add3A_587 : vector<16xf32>
      %get3A_589 = arith.constant 1 : i32
      %get3A_590 = arith.index_cast %get3A_589 : i32 to index
      %get3A_591 = arith.index_cast %add3A_561 : i32 to index
      %get3A_592 = arith.constant 16 : index
      %get3A_593 = tpu.vector_load %arg12[%get3A_590, %get3A_591, %get3A_592] {strides = array<i32>} : memref<2x128x64xf32, #tpu.memory_space<vmem>>, vector<1x1x16xf32>,
      %get3A_594 = vector.shape_cast %get3A_593 : vector<1x1x16xf32> to vector<16xf32>
      %get3A_595 = arith.constant 1 : i32
      %get3A_596 = arith.index_cast %get3A_595 : i32 to index
      %get3A_597 = arith.index_cast %add3A_561 : i32 to index
      %get3A_598 = arith.constant 16 : index
      %get3A_599 = tpu.vector_load %arg13[%get3A_596, %get3A_597, %get3A_598] {strides = array<i32>} : memref<2x128x64xf32, #tpu.memory_space<vmem>>, vector<1x1x16xf32>,
      %get3A_600 = vector.shape_cast %get3A_599 : vector<1x1x16xf32> to vector<16xf32>
      %get3A_601 = arith.constant 1 : i32
      %get3A_602 = arith.index_cast %get3A_601 : i32 to index
      %get3A_603 = arith.index_cast %add3A_561 : i32 to index
      %get3A_604 = arith.constant 16 : index
      %get3A_605 = tpu.vector_load %arg14[%get3A_602, %get3A_603, %get3A_604] {strides = array<i32>} : memref<2x128x64xf32, #tpu.memory_space<vmem>>, vector<1x1x16xf32>,
      %get3A_606 = vector.shape_cast %get3A_605 : vector<1x1x16xf32> to vector<16xf32>
      %sub3A_607 = arith.subf %get3A_600, %get3A_606 : vector<16xf32>
      %mul3A_608 = arith.mulf %get3A_594, %sub3A_607 : vector<16xf32>
      %add3A_609 = arith.addf %add3A_582, %mul3A_608 : vector<16xf32>
      %mul3A_610 = arith.mulf %get3A_594, %get3A_594 : vector<16xf32>
      %mul3A_611 = arith.mulf %get3A_600, %get3A_600 : vector<16xf32>
      %add3A_612 = arith.addf %mul3A_610, %mul3A_611 : vector<16xf32>
      %mul3A_613 = arith.mulf %get3A_606, %get3A_606 : vector<16xf32>
      %add3A_614 = arith.addf %add3A_612, %mul3A_613 : vector<16xf32>
      %add3A_615 = arith.addf %add3A_588, %add3A_614 : vector<16xf32>
      %get3A_616 = arith.constant 1 : i32
      %get3A_617 = arith.index_cast %get3A_616 : i32 to index
      %get3A_618 = arith.index_cast %add3A_561 : i32 to index
      %get3A_619 = arith.constant 32 : index
      %get3A_620 = tpu.vector_load %arg12[%get3A_617, %get3A_618, %get3A_619] {strides = array<i32>} : memref<2x128x64xf32, #tpu.memory_space<vmem>>, vector<1x1x16xf32>,
      %get3A_621 = vector.shape_cast %get3A_620 : vector<1x1x16xf32> to vector<16xf32>
      %get3A_622 = arith.constant 1 : i32
      %get3A_623 = arith.index_cast %get3A_622 : i32 to index
      %get3A_624 = arith.index_cast %add3A_561 : i32 to index
      %get3A_625 = arith.constant 32 : index
      %get3A_626 = tpu.vector_load %arg13[%get3A_623, %get3A_624, %get3A_625] {strides = array<i32>} : memref<2x128x64xf32, #tpu.memory_space<vmem>>, vector<1x1x16xf32>,
      %get3A_627 = vector.shape_cast %get3A_626 : vector<1x1x16xf32> to vector<16xf32>
      %get3A_628 = arith.constant 1 : i32
      %get3A_629 = arith.index_cast %get3A_628 : i32 to index
      %get3A_630 = arith.index_cast %add3A_561 : i32 to index
      %get3A_631 = arith.constant 32 : index
      %get3A_632 = tpu.vector_load %arg14[%get3A_629, %get3A_630, %get3A_631] {strides = array<i32>} : memref<2x128x64xf32, #tpu.memory_space<vmem>>, vector<1x1x16xf32>,
      %get3A_633 = vector.shape_cast %get3A_632 : vector<1x1x16xf32> to vector<16xf32>
      %sub3A_634 = arith.subf %get3A_627, %get3A_633 : vector<16xf32>
      %mul3A_635 = arith.mulf %get3A_621, %sub3A_634 : vector<16xf32>
      %add3A_636 = arith.addf %add3A_609, %mul3A_635 : vector<16xf32>
      %mul3A_637 = arith.mulf %get3A_621, %get3A_621 : vector<16xf32>
      %mul3A_638 = arith.mulf %get3A_627, %get3A_627 : vector<16xf32>
      %add3A_639 = arith.addf %mul3A_637, %mul3A_638 : vector<16xf32>
      %mul3A_640 = arith.mulf %get3A_633, %get3A_633 : vector<16xf32>
      %add3A_641 = arith.addf %add3A_639, %mul3A_640 : vector<16xf32>
      %add3A_642 = arith.addf %add3A_615, %add3A_641 : vector<16xf32>
      %get3A_643 = arith.constant 1 : i32
      %get3A_644 = arith.index_cast %get3A_643 : i32 to index
      %get3A_645 = arith.index_cast %add3A_561 : i32 to index
      %get3A_646 = arith.constant 48 : index
      %get3A_647 = tpu.vector_load %arg12[%get3A_644, %get3A_645, %get3A_646] {strides = array<i32>} : memref<2x128x64xf32, #tpu.memory_space<vmem>>, vector<1x1x16xf32>,
      %get3A_648 = vector.shape_cast %get3A_647 : vector<1x1x16xf32> to vector<16xf32>
      %get3A_649 = arith.constant 1 : i32
      %get3A_650 = arith.index_cast %get3A_649 : i32 to index
      %get3A_651 = arith.index_cast %add3A_561 : i32 to index
      %get3A_652 = arith.constant 48 : index
      %get3A_653 = tpu.vector_load %arg13[%get3A_650, %get3A_651, %get3A_652] {strides = array<i32>} : memref<2x128x64xf32, #tpu.memory_space<vmem>>, vector<1x1x16xf32>,
      %get3A_654 = vector.shape_cast %get3A_653 : vector<1x1x16xf32> to vector<16xf32>
      %get3A_655 = arith.constant 1 : i32
      %get3A_656 = arith.index_cast %get3A_655 : i32 to index
      %get3A_657 = arith.index_cast %add3A_561 : i32 to index
      %get3A_658 = arith.constant 48 : index
      %get3A_659 = tpu.vector_load %arg14[%get3A_656, %get3A_657, %get3A_658] {strides = array<i32>} : memref<2x128x64xf32, #tpu.memory_space<vmem>>, vector<1x1x16xf32>,
      %get3A_660 = vector.shape_cast %get3A_659 : vector<1x1x16xf32> to vector<16xf32>
      %sub3A_661 = arith.subf %get3A_654, %get3A_660 : vector<16xf32>
      %mul3A_662 = arith.mulf %get3A_648, %sub3A_661 : vector<16xf32>
      %add3A_663 = arith.addf %add3A_636, %mul3A_662 : vector<16xf32>
      %mul3A_664 = arith.mulf %get3A_648, %get3A_648 : vector<16xf32>
      %mul3A_665 = arith.mulf %get3A_654, %get3A_654 : vector<16xf32>
      %add3A_666 = arith.addf %mul3A_664, %mul3A_665 : vector<16xf32>
      %mul3A_667 = arith.mulf %get3A_660, %get3A_660 : vector<16xf32>
      %add3A_668 = arith.addf %add3A_666, %mul3A_667 : vector<16xf32>
      %add3A_669 = arith.addf %add3A_642, %add3A_668 : vector<16xf32>
      %add3A_670 = arith.constant 128 : i32
      %add3A_671 = arith.addi %add3A_670, %add3A_561 : i32
      %swap3A_672 = arith.index_cast %add3A_671 : i32 to index
      %swap3A_673 = arith.constant 0 : index
      %swap3A_674 = tpu.vector_load %arg15[%swap3A_672, %swap3A_673] {strides = array<i32>} : memref<512x16xf32, #tpu.memory_space<vmem>>, vector<1x16xf32>,
      %swap3A_675 = vector.shape_cast %swap3A_674 : vector<1x16xf32> to vector<16xf32>
      %swap3A_676 = vector.shape_cast %add3A_663 : vector<16xf32> to vector<1x16xf32>
      tpu.vector_store %arg15[%swap3A_672, %swap3A_673], %swap3A_676 {strides = array<i32>} : memref<512x16xf32, #tpu.memory_space<vmem>>, vector<1x16xf32>,
      %mul3A_677 = arith.constant 4 : i32
      %mul3A_678 = arith.muli %scan3A_556, %mul3A_677 : i32
      %add3A_679 = arith.constant 1 : i32
      %add3A_680 = arith.addi %mul3A_678, %add3A_679 : i32
      %broadcast_in_dim3A_681 = arith.constant 0.000000e+00 : f32
      %broadcast_in_dim3A_682 = vector.broadcast %broadcast_in_dim3A_681 : f32 to vector<16xf32>
      %get3A_683 = arith.constant 1 : i32
      %get3A_684 = arith.index_cast %get3A_683 : i32 to index
      %get3A_685 = arith.index_cast %add3A_680 : i32 to index
      %get3A_686 = arith.constant 0 : index
      %get3A_687 = tpu.vector_load %arg12[%get3A_684, %get3A_685, %get3A_686] {strides = array<i32>} : memref<2x128x64xf32, #tpu.memory_space<vmem>>, vector<1x1x16xf32>,
      %get3A_688 = vector.shape_cast %get3A_687 : vector<1x1x16xf32> to vector<16xf32>
      %get3A_689 = arith.constant 1 : i32
      %get3A_690 = arith.index_cast %get3A_689 : i32 to index
      %get3A_691 = arith.index_cast %add3A_680 : i32 to index
      %get3A_692 = arith.constant 0 : index
      %get3A_693 = tpu.vector_load %arg13[%get3A_690, %get3A_691, %get3A_692] {strides = array<i32>} : memref<2x128x64xf32, #tpu.memory_space<vmem>>, vector<1x1x16xf32>,
      %get3A_694 = vector.shape_cast %get3A_693 : vector<1x1x16xf32> to vector<16xf32>
      %get3A_695 = arith.constant 1 : i32
      %get3A_696 = arith.index_cast %get3A_695 : i32 to index
      %get3A_697 = arith.index_cast %add3A_680 : i32 to index
      %get3A_698 = arith.constant 0 : index
      %get3A_699 = tpu.vector_load %arg14[%get3A_696, %get3A_697, %get3A_698] {strides = array<i32>} : memref<2x128x64xf32, #tpu.memory_space<vmem>>, vector<1x1x16xf32>,
      %get3A_700 = vector.shape_cast %get3A_699 : vector<1x1x16xf32> to vector<16xf32>
      %sub3A_701 = arith.subf %get3A_694, %get3A_700 : vector<16xf32>
      %mul3A_702 = arith.mulf %get3A_688, %sub3A_701 : vector<16xf32>
      %add3A_703 = arith.addf %broadcast_in_dim3A_682, %mul3A_702 : vector<16xf32>
      %mul3A_704 = arith.mulf %get3A_688, %get3A_688 : vector<16xf32>
      %mul3A_705 = arith.mulf %get3A_694, %get3A_694 : vector<16xf32>
      %add3A_706 = arith.addf %mul3A_704, %mul3A_705 : vector<16xf32>
      %mul3A_707 = arith.mulf %get3A_700, %get3A_700 : vector<16xf32>
      %add3A_708 = arith.addf %add3A_706, %mul3A_707 : vector<16xf32>
      %add3A_709 = arith.addf %add3A_669, %add3A_708 : vector<16xf32>
      %get3A_710 = arith.constant 1 : i32
      %get3A_711 = arith.index_cast %get3A_710 : i32 to index
      %get3A_712 = arith.index_cast %add3A_680 : i32 to index
      %get3A_713 = arith.constant 16 : index
      %get3A_714 = tpu.vector_load %arg12[%get3A_711, %get3A_712, %get3A_713] {strides = array<i32>} : memref<2x128x64xf32, #tpu.memory_space<vmem>>, vector<1x1x16xf32>,
      %get3A_715 = vector.shape_cast %get3A_714 : vector<1x1x16xf32> to vector<16xf32>
      %get3A_716 = arith.constant 1 : i32
      %get3A_717 = arith.index_cast %get3A_716 : i32 to index
      %get3A_718 = arith.index_cast %add3A_680 : i32 to index
      %get3A_719 = arith.constant 16 : index
      %get3A_720 = tpu.vector_load %arg13[%get3A_717, %get3A_718, %get3A_719] {strides = array<i32>} : memref<2x128x64xf32, #tpu.memory_space<vmem>>, vector<1x1x16xf32>,
      %get3A_721 = vector.shape_cast %get3A_720 : vector<1x1x16xf32> to vector<16xf32>
      %get3A_722 = arith.constant 1 : i32
      %get3A_723 = arith.index_cast %get3A_722 : i32 to index
      %get3A_724 = arith.index_cast %add3A_680 : i32 to index
      %get3A_725 = arith.constant 16 : index
      %get3A_726 = tpu.vector_load %arg14[%get3A_723, %get3A_724, %get3A_725] {strides = array<i32>} : memref<2x128x64xf32, #tpu.memory_space<vmem>>, vector<1x1x16xf32>,
      %get3A_727 = vector.shape_cast %get3A_726 : vector<1x1x16xf32> to vector<16xf32>
      %sub3A_728 = arith.subf %get3A_721, %get3A_727 : vector<16xf32>
      %mul3A_729 = arith.mulf %get3A_715, %sub3A_728 : vector<16xf32>
      %add3A_730 = arith.addf %add3A_703, %mul3A_729 : vector<16xf32>
      %mul3A_731 = arith.mulf %get3A_715, %get3A_715 : vector<16xf32>
      %mul3A_732 = arith.mulf %get3A_721, %get3A_721 : vector<16xf32>
      %add3A_733 = arith.addf %mul3A_731, %mul3A_732 : vector<16xf32>
      %mul3A_734 = arith.mulf %get3A_727, %get3A_727 : vector<16xf32>
      %add3A_735 = arith.addf %add3A_733, %mul3A_734 : vector<16xf32>
      %add3A_736 = arith.addf %add3A_709, %add3A_735 : vector<16xf32>
      %get3A_737 = arith.constant 1 : i32
      %get3A_738 = arith.index_cast %get3A_737 : i32 to index
      %get3A_739 = arith.index_cast %add3A_680 : i32 to index
      %get3A_740 = arith.constant 32 : index
      %get3A_741 = tpu.vector_load %arg12[%get3A_738, %get3A_739, %get3A_740] {strides = array<i32>} : memref<2x128x64xf32, #tpu.memory_space<vmem>>, vector<1x1x16xf32>,
      %get3A_742 = vector.shape_cast %get3A_741 : vector<1x1x16xf32> to vector<16xf32>
      %get3A_743 = arith.constant 1 : i32
      %get3A_744 = arith.index_cast %get3A_743 : i32 to index
      %get3A_745 = arith.index_cast %add3A_680 : i32 to index
      %get3A_746 = arith.constant 32 : index
      %get3A_747 = tpu.vector_load %arg13[%get3A_744, %get3A_745, %get3A_746] {strides = array<i32>} : memref<2x128x64xf32, #tpu.memory_space<vmem>>, vector<1x1x16xf32>,
      %get3A_748 = vector.shape_cast %get3A_747 : vector<1x1x16xf32> to vector<16xf32>
      %get3A_749 = arith.constant 1 : i32
      %get3A_750 = arith.index_cast %get3A_749 : i32 to index
      %get3A_751 = arith.index_cast %add3A_680 : i32 to index
      %get3A_752 = arith.constant 32 : index
      %get3A_753 = tpu.vector_load %arg14[%get3A_750, %get3A_751, %get3A_752] {strides = array<i32>} : memref<2x128x64xf32, #tpu.memory_space<vmem>>, vector<1x1x16xf32>,
      %get3A_754 = vector.shape_cast %get3A_753 : vector<1x1x16xf32> to vector<16xf32>
      %sub3A_755 = arith.subf %get3A_748, %get3A_754 : vector<16xf32>
      %mul3A_756 = arith.mulf %get3A_742, %sub3A_755 : vector<16xf32>
      %add3A_757 = arith.addf %add3A_730, %mul3A_756 : vector<16xf32>
      %mul3A_758 = arith.mulf %get3A_742, %get3A_742 : vector<16xf32>
      %mul3A_759 = arith.mulf %get3A_748, %get3A_748 : vector<16xf32>
      %add3A_760 = arith.addf %mul3A_758, %mul3A_759 : vector<16xf32>
      %mul3A_761 = arith.mulf %get3A_754, %get3A_754 : vector<16xf32>
      %add3A_762 = arith.addf %add3A_760, %mul3A_761 : vector<16xf32>
      %add3A_763 = arith.addf %add3A_736, %add3A_762 : vector<16xf32>
      %get3A_764 = arith.constant 1 : i32
      %get3A_765 = arith.index_cast %get3A_764 : i32 to index
      %get3A_766 = arith.index_cast %add3A_680 : i32 to index
      %get3A_767 = arith.constant 48 : index
      %get3A_768 = tpu.vector_load %arg12[%get3A_765, %get3A_766, %get3A_767] {strides = array<i32>} : memref<2x128x64xf32, #tpu.memory_space<vmem>>, vector<1x1x16xf32>,
      %get3A_769 = vector.shape_cast %get3A_768 : vector<1x1x16xf32> to vector<16xf32>
      %get3A_770 = arith.constant 1 : i32
      %get3A_771 = arith.index_cast %get3A_770 : i32 to index
      %get3A_772 = arith.index_cast %add3A_680 : i32 to index
      %get3A_773 = arith.constant 48 : index
      %get3A_774 = tpu.vector_load %arg13[%get3A_771, %get3A_772, %get3A_773] {strides = array<i32>} : memref<2x128x64xf32, #tpu.memory_space<vmem>>, vector<1x1x16xf32>,
      %get3A_775 = vector.shape_cast %get3A_774 : vector<1x1x16xf32> to vector<16xf32>
      %get3A_776 = arith.constant 1 : i32
      %get3A_777 = arith.index_cast %get3A_776 : i32 to index
      %get3A_778 = arith.index_cast %add3A_680 : i32 to index
      %get3A_779 = arith.constant 48 : index
      %get3A_780 = tpu.vector_load %arg14[%get3A_777, %get3A_778, %get3A_779] {strides = array<i32>} : memref<2x128x64xf32, #tpu.memory_space<vmem>>, vector<1x1x16xf32>,
      %get3A_781 = vector.shape_cast %get3A_780 : vector<1x1x16xf32> to vector<16xf32>
      %sub3A_782 = arith.subf %get3A_775, %get3A_781 : vector<16xf32>
      %mul3A_783 = arith.mulf %get3A_769, %sub3A_782 : vector<16xf32>
      %add3A_784 = arith.addf %add3A_757, %mul3A_783 : vector<16xf32>
      %mul3A_785 = arith.mulf %get3A_769, %get3A_769 : vector<16xf32>
      %mul3A_786 = arith.mulf %get3A_775, %get3A_775 : vector<16xf32>
      %add3A_787 = arith.addf %mul3A_785, %mul3A_786 : vector<16xf32>
      %mul3A_788 = arith.mulf %get3A_781, %get3A_781 : vector<16xf32>
      %add3A_789 = arith.addf %add3A_787, %mul3A_788 : vector<16xf32>
      %add3A_790 = arith.addf %add3A_763, %add3A_789 : vector<16xf32>
      %add3A_791 = arith.constant 128 : i32
      %add3A_792 = arith.addi %add3A_791, %add3A_680 : i32
      %swap3A_793 = arith.index_cast %add3A_792 : i32 to index
      %swap3A_794 = arith.constant 0 : index
      %swap3A_795 = tpu.vector_load %arg15[%swap3A_793, %swap3A_794] {strides = array<i32>} : memref<512x16xf32, #tpu.memory_space<vmem>>, vector<1x16xf32>,
      %swap3A_796 = vector.shape_cast %swap3A_795 : vector<1x16xf32> to vector<16xf32>
      %swap3A_797 = vector.shape_cast %add3A_784 : vector<16xf32> to vector<1x16xf32>
      tpu.vector_store %arg15[%swap3A_793, %swap3A_794], %swap3A_797 {strides = array<i32>} : memref<512x16xf32, #tpu.memory_space<vmem>>, vector<1x16xf32>,
      %mul3A_798 = arith.constant 4 : i32
      %mul3A_799 = arith.muli %scan3A_556, %mul3A_798 : i32
      %add3A_800 = arith.constant 2 : i32
      %add3A_801 = arith.addi %mul3A_799, %add3A_800 : i32
      %broadcast_in_dim3A_802 = arith.constant 0.000000e+00 : f32
      %broadcast_in_dim3A_803 = vector.broadcast %broadcast_in_dim3A_802 : f32 to vector<16xf32>
      %get3A_804 = arith.constant 1 : i32
      %get3A_805 = arith.index_cast %get3A_804 : i32 to index
      %get3A_806 = arith.index_cast %add3A_801 : i32 to index
      %get3A_807 = arith.constant 0 : index
      %get3A_808 = tpu.vector_load %arg12[%get3A_805, %get3A_806, %get3A_807] {strides = array<i32>} : memref<2x128x64xf32, #tpu.memory_space<vmem>>, vector<1x1x16xf32>,
      %get3A_809 = vector.shape_cast %get3A_808 : vector<1x1x16xf32> to vector<16xf32>
      %get3A_810 = arith.constant 1 : i32
      %get3A_811 = arith.index_cast %get3A_810 : i32 to index
      %get3A_812 = arith.index_cast %add3A_801 : i32 to index
      %get3A_813 = arith.constant 0 : index
      %get3A_814 = tpu.vector_load %arg13[%get3A_811, %get3A_812, %get3A_813] {strides = array<i32>} : memref<2x128x64xf32, #tpu.memory_space<vmem>>, vector<1x1x16xf32>,
      %get3A_815 = vector.shape_cast %get3A_814 : vector<1x1x16xf32> to vector<16xf32>
      %get3A_816 = arith.constant 1 : i32
      %get3A_817 = arith.index_cast %get3A_816 : i32 to index
      %get3A_818 = arith.index_cast %add3A_801 : i32 to index
      %get3A_819 = arith.constant 0 : index
      %get3A_820 = tpu.vector_load %arg14[%get3A_817, %get3A_818, %get3A_819] {strides = array<i32>} : memref<2x128x64xf32, #tpu.memory_space<vmem>>, vector<1x1x16xf32>,
      %get3A_821 = vector.shape_cast %get3A_820 : vector<1x1x16xf32> to vector<16xf32>
      %sub3A_822 = arith.subf %get3A_815, %get3A_821 : vector<16xf32>
      %mul3A_823 = arith.mulf %get3A_809, %sub3A_822 : vector<16xf32>
      %add3A_824 = arith.addf %broadcast_in_dim3A_803, %mul3A_823 : vector<16xf32>
      %mul3A_825 = arith.mulf %get3A_809, %get3A_809 : vector<16xf32>
      %mul3A_826 = arith.mulf %get3A_815, %get3A_815 : vector<16xf32>
      %add3A_827 = arith.addf %mul3A_825, %mul3A_826 : vector<16xf32>
      %mul3A_828 = arith.mulf %get3A_821, %get3A_821 : vector<16xf32>
      %add3A_829 = arith.addf %add3A_827, %mul3A_828 : vector<16xf32>
      %add3A_830 = arith.addf %add3A_790, %add3A_829 : vector<16xf32>
      %get3A_831 = arith.constant 1 : i32
      %get3A_832 = arith.index_cast %get3A_831 : i32 to index
      %get3A_833 = arith.index_cast %add3A_801 : i32 to index
      %get3A_834 = arith.constant 16 : index
      %get3A_835 = tpu.vector_load %arg12[%get3A_832, %get3A_833, %get3A_834] {strides = array<i32>} : memref<2x128x64xf32, #tpu.memory_space<vmem>>, vector<1x1x16xf32>,
      %get3A_836 = vector.shape_cast %get3A_835 : vector<1x1x16xf32> to vector<16xf32>
      %get3A_837 = arith.constant 1 : i32
      %get3A_838 = arith.index_cast %get3A_837 : i32 to index
      %get3A_839 = arith.index_cast %add3A_801 : i32 to index
      %get3A_840 = arith.constant 16 : index
      %get3A_841 = tpu.vector_load %arg13[%get3A_838, %get3A_839, %get3A_840] {strides = array<i32>} : memref<2x128x64xf32, #tpu.memory_space<vmem>>, vector<1x1x16xf32>,
      %get3A_842 = vector.shape_cast %get3A_841 : vector<1x1x16xf32> to vector<16xf32>
      %get3A_843 = arith.constant 1 : i32
      %get3A_844 = arith.index_cast %get3A_843 : i32 to index
      %get3A_845 = arith.index_cast %add3A_801 : i32 to index
      %get3A_846 = arith.constant 16 : index
      %get3A_847 = tpu.vector_load %arg14[%get3A_844, %get3A_845, %get3A_846] {strides = array<i32>} : memref<2x128x64xf32, #tpu.memory_space<vmem>>, vector<1x1x16xf32>,
      %get3A_848 = vector.shape_cast %get3A_847 : vector<1x1x16xf32> to vector<16xf32>
      %sub3A_849 = arith.subf %get3A_842, %get3A_848 : vector<16xf32>
      %mul3A_850 = arith.mulf %get3A_836, %sub3A_849 : vector<16xf32>
      %add3A_851 = arith.addf %add3A_824, %mul3A_850 : vector<16xf32>
      %mul3A_852 = arith.mulf %get3A_836, %get3A_836 : vector<16xf32>
      %mul3A_853 = arith.mulf %get3A_842, %get3A_842 : vector<16xf32>
      %add3A_854 = arith.addf %mul3A_852, %mul3A_853 : vector<16xf32>
      %mul3A_855 = arith.mulf %get3A_848, %get3A_848 : vector<16xf32>
      %add3A_856 = arith.addf %add3A_854, %mul3A_855 : vector<16xf32>
      %add3A_857 = arith.addf %add3A_830, %add3A_856 : vector<16xf32>
      %get3A_858 = arith.constant 1 : i32
      %get3A_859 = arith.index_cast %get3A_858 : i32 to index
      %get3A_860 = arith.index_cast %add3A_801 : i32 to index
      %get3A_861 = arith.constant 32 : index
      %get3A_862 = tpu.vector_load %arg12[%get3A_859, %get3A_860, %get3A_861] {strides = array<i32>} : memref<2x128x64xf32, #tpu.memory_space<vmem>>, vector<1x1x16xf32>,
      %get3A_863 = vector.shape_cast %get3A_862 : vector<1x1x16xf32> to vector<16xf32>
      %get3A_864 = arith.constant 1 : i32
      %get3A_865 = arith.index_cast %get3A_864 : i32 to index
      %get3A_866 = arith.index_cast %add3A_801 : i32 to index
      %get3A_867 = arith.constant 32 : index
      %get3A_868 = tpu.vector_load %arg13[%get3A_865, %get3A_866, %get3A_867] {strides = array<i32>} : memref<2x128x64xf32, #tpu.memory_space<vmem>>, vector<1x1x16xf32>,
      %get3A_869 = vector.shape_cast %get3A_868 : vector<1x1x16xf32> to vector<16xf32>
      %get3A_870 = arith.constant 1 : i32
      %get3A_871 = arith.index_cast %get3A_870 : i32 to index
      %get3A_872 = arith.index_cast %add3A_801 : i32 to index
      %get3A_873 = arith.constant 32 : index
      %get3A_874 = tpu.vector_load %arg14[%get3A_871, %get3A_872, %get3A_873] {strides = array<i32>} : memref<2x128x64xf32, #tpu.memory_space<vmem>>, vector<1x1x16xf32>,
      %get3A_875 = vector.shape_cast %get3A_874 : vector<1x1x16xf32> to vector<16xf32>
      %sub3A_876 = arith.subf %get3A_869, %get3A_875 : vector<16xf32>
      %mul3A_877 = arith.mulf %get3A_863, %sub3A_876 : vector<16xf32>
      %add3A_878 = arith.addf %add3A_851, %mul3A_877 : vector<16xf32>
      %mul3A_879 = arith.mulf %get3A_863, %get3A_863 : vector<16xf32>
      %mul3A_880 = arith.mulf %get3A_869, %get3A_869 : vector<16xf32>
      %add3A_881 = arith.addf %mul3A_879, %mul3A_880 : vector<16xf32>
      %mul3A_882 = arith.mulf %get3A_875, %get3A_875 : vector<16xf32>
      %add3A_883 = arith.addf %add3A_881, %mul3A_882 : vector<16xf32>
      %add3A_884 = arith.addf %add3A_857, %add3A_883 : vector<16xf32>
      %get3A_885 = arith.constant 1 : i32
      %get3A_886 = arith.index_cast %get3A_885 : i32 to index
      %get3A_887 = arith.index_cast %add3A_801 : i32 to index
      %get3A_888 = arith.constant 48 : index
      %get3A_889 = tpu.vector_load %arg12[%get3A_886, %get3A_887, %get3A_888] {strides = array<i32>} : memref<2x128x64xf32, #tpu.memory_space<vmem>>, vector<1x1x16xf32>,
      %get3A_890 = vector.shape_cast %get3A_889 : vector<1x1x16xf32> to vector<16xf32>
      %get3A_891 = arith.constant 1 : i32
      %get3A_892 = arith.index_cast %get3A_891 : i32 to index
      %get3A_893 = arith.index_cast %add3A_801 : i32 to index
      %get3A_894 = arith.constant 48 : index
      %get3A_895 = tpu.vector_load %arg13[%get3A_892, %get3A_893, %get3A_894] {strides = array<i32>} : memref<2x128x64xf32, #tpu.memory_space<vmem>>, vector<1x1x16xf32>,
      %get3A_896 = vector.shape_cast %get3A_895 : vector<1x1x16xf32> to vector<16xf32>
      %get3A_897 = arith.constant 1 : i32
      %get3A_898 = arith.index_cast %get3A_897 : i32 to index
      %get3A_899 = arith.index_cast %add3A_801 : i32 to index
      %get3A_900 = arith.constant 48 : index
      %get3A_901 = tpu.vector_load %arg14[%get3A_898, %get3A_899, %get3A_900] {strides = array<i32>} : memref<2x128x64xf32, #tpu.memory_space<vmem>>, vector<1x1x16xf32>,
      %get3A_902 = vector.shape_cast %get3A_901 : vector<1x1x16xf32> to vector<16xf32>
      %sub3A_903 = arith.subf %get3A_896, %get3A_902 : vector<16xf32>
      %mul3A_904 = arith.mulf %get3A_890, %sub3A_903 : vector<16xf32>
      %add3A_905 = arith.addf %add3A_878, %mul3A_904 : vector<16xf32>
      %mul3A_906 = arith.mulf %get3A_890, %get3A_890 : vector<16xf32>
      %mul3A_907 = arith.mulf %get3A_896, %get3A_896 : vector<16xf32>
      %add3A_908 = arith.addf %mul3A_906, %mul3A_907 : vector<16xf32>
      %mul3A_909 = arith.mulf %get3A_902, %get3A_902 : vector<16xf32>
      %add3A_910 = arith.addf %add3A_908, %mul3A_909 : vector<16xf32>
      %add3A_911 = arith.addf %add3A_884, %add3A_910 : vector<16xf32>
      %add3A_912 = arith.constant 128 : i32
      %add3A_913 = arith.addi %add3A_912, %add3A_801 : i32
      %swap3A_914 = arith.index_cast %add3A_913 : i32 to index
      %swap3A_915 = arith.constant 0 : index
      %swap3A_916 = tpu.vector_load %arg15[%swap3A_914, %swap3A_915] {strides = array<i32>} : memref<512x16xf32, #tpu.memory_space<vmem>>, vector<1x16xf32>,
      %swap3A_917 = vector.shape_cast %swap3A_916 : vector<1x16xf32> to vector<16xf32>
      %swap3A_918 = vector.shape_cast %add3A_905 : vector<16xf32> to vector<1x16xf32>
      tpu.vector_store %arg15[%swap3A_914, %swap3A_915], %swap3A_918 {strides = array<i32>} : memref<512x16xf32, #tpu.memory_space<vmem>>, vector<1x16xf32>,
      %mul3A_919 = arith.constant 4 : i32
      %mul3A_920 = arith.muli %scan3A_556, %mul3A_919 : i32
      %add3A_921 = arith.constant 3 : i32
      %add3A_922 = arith.addi %mul3A_920, %add3A_921 : i32
      %broadcast_in_dim3A_923 = arith.constant 0.000000e+00 : f32
      %broadcast_in_dim3A_924 = vector.broadcast %broadcast_in_dim3A_923 : f32 to vector<16xf32>
      %get3A_925 = arith.constant 1 : i32
      %get3A_926 = arith.index_cast %get3A_925 : i32 to index
      %get3A_927 = arith.index_cast %add3A_922 : i32 to index
      %get3A_928 = arith.constant 0 : index
      %get3A_929 = tpu.vector_load %arg12[%get3A_926, %get3A_927, %get3A_928] {strides = array<i32>} : memref<2x128x64xf32, #tpu.memory_space<vmem>>, vector<1x1x16xf32>,
      %get3A_930 = vector.shape_cast %get3A_929 : vector<1x1x16xf32> to vector<16xf32>
      %get3A_931 = arith.constant 1 : i32
      %get3A_932 = arith.index_cast %get3A_931 : i32 to index
      %get3A_933 = arith.index_cast %add3A_922 : i32 to index
      %get3A_934 = arith.constant 0 : index
      %get3A_935 = tpu.vector_load %arg13[%get3A_932, %get3A_933, %get3A_934] {strides = array<i32>} : memref<2x128x64xf32, #tpu.memory_space<vmem>>, vector<1x1x16xf32>,
      %get3A_936 = vector.shape_cast %get3A_935 : vector<1x1x16xf32> to vector<16xf32>
      %get3A_937 = arith.constant 1 : i32
      %get3A_938 = arith.index_cast %get3A_937 : i32 to index
      %get3A_939 = arith.index_cast %add3A_922 : i32 to index
      %get3A_940 = arith.constant 0 : index
      %get3A_941 = tpu.vector_load %arg14[%get3A_938, %get3A_939, %get3A_940] {strides = array<i32>} : memref<2x128x64xf32, #tpu.memory_space<vmem>>, vector<1x1x16xf32>,
      %get3A_942 = vector.shape_cast %get3A_941 : vector<1x1x16xf32> to vector<16xf32>
      %sub3A_943 = arith.subf %get3A_936, %get3A_942 : vector<16xf32>
      %mul3A_944 = arith.mulf %get3A_930, %sub3A_943 : vector<16xf32>
      %add3A_945 = arith.addf %broadcast_in_dim3A_924, %mul3A_944 : vector<16xf32>
      %mul3A_946 = arith.mulf %get3A_930, %get3A_930 : vector<16xf32>
      %mul3A_947 = arith.mulf %get3A_936, %get3A_936 : vector<16xf32>
      %add3A_948 = arith.addf %mul3A_946, %mul3A_947 : vector<16xf32>
      %mul3A_949 = arith.mulf %get3A_942, %get3A_942 : vector<16xf32>
      %add3A_950 = arith.addf %add3A_948, %mul3A_949 : vector<16xf32>
      %add3A_951 = arith.addf %add3A_911, %add3A_950 : vector<16xf32>
      %get3A_952 = arith.constant 1 : i32
      %get3A_953 = arith.index_cast %get3A_952 : i32 to index
      %get3A_954 = arith.index_cast %add3A_922 : i32 to index
      %get3A_955 = arith.constant 16 : index
      %get3A_956 = tpu.vector_load %arg12[%get3A_953, %get3A_954, %get3A_955] {strides = array<i32>} : memref<2x128x64xf32, #tpu.memory_space<vmem>>, vector<1x1x16xf32>,
      %get3A_957 = vector.shape_cast %get3A_956 : vector<1x1x16xf32> to vector<16xf32>
      %get3A_958 = arith.constant 1 : i32
      %get3A_959 = arith.index_cast %get3A_958 : i32 to index
      %get3A_960 = arith.index_cast %add3A_922 : i32 to index
      %get3A_961 = arith.constant 16 : index
      %get3A_962 = tpu.vector_load %arg13[%get3A_959, %get3A_960, %get3A_961] {strides = array<i32>} : memref<2x128x64xf32, #tpu.memory_space<vmem>>, vector<1x1x16xf32>,
      %get3A_963 = vector.shape_cast %get3A_962 : vector<1x1x16xf32> to vector<16xf32>
      %get3A_964 = arith.constant 1 : i32
      %get3A_965 = arith.index_cast %get3A_964 : i32 to index
      %get3A_966 = arith.index_cast %add3A_922 : i32 to index
      %get3A_967 = arith.constant 16 : index
      %get3A_968 = tpu.vector_load %arg14[%get3A_965, %get3A_966, %get3A_967] {strides = array<i32>} : memref<2x128x64xf32, #tpu.memory_space<vmem>>, vector<1x1x16xf32>,
      %get3A_969 = vector.shape_cast %get3A_968 : vector<1x1x16xf32> to vector<16xf32>
      %sub3A_970 = arith.subf %get3A_963, %get3A_969 : vector<16xf32>
      %mul3A_971 = arith.mulf %get3A_957, %sub3A_970 : vector<16xf32>
      %add3A_972 = arith.addf %add3A_945, %mul3A_971 : vector<16xf32>
      %mul3A_973 = arith.mulf %get3A_957, %get3A_957 : vector<16xf32>
      %mul3A_974 = arith.mulf %get3A_963, %get3A_963 : vector<16xf32>
      %add3A_975 = arith.addf %mul3A_973, %mul3A_974 : vector<16xf32>
      %mul3A_976 = arith.mulf %get3A_969, %get3A_969 : vector<16xf32>
      %add3A_977 = arith.addf %add3A_975, %mul3A_976 : vector<16xf32>
      %add3A_978 = arith.addf %add3A_951, %add3A_977 : vector<16xf32>
      %get3A_979 = arith.constant 1 : i32
      %get3A_980 = arith.index_cast %get3A_979 : i32 to index
      %get3A_981 = arith.index_cast %add3A_922 : i32 to index
      %get3A_982 = arith.constant 32 : index
      %get3A_983 = tpu.vector_load %arg12[%get3A_980, %get3A_981, %get3A_982] {strides = array<i32>} : memref<2x128x64xf32, #tpu.memory_space<vmem>>, vector<1x1x16xf32>,
      %get3A_984 = vector.shape_cast %get3A_983 : vector<1x1x16xf32> to vector<16xf32>
      %get3A_985 = arith.constant 1 : i32
      %get3A_986 = arith.index_cast %get3A_985 : i32 to index
      %get3A_987 = arith.index_cast %add3A_922 : i32 to index
      %get3A_988 = arith.constant 32 : index
      %get3A_989 = tpu.vector_load %arg13[%get3A_986, %get3A_987, %get3A_988] {strides = array<i32>} : memref<2x128x64xf32, #tpu.memory_space<vmem>>, vector<1x1x16xf32>,
      %get3A_990 = vector.shape_cast %get3A_989 : vector<1x1x16xf32> to vector<16xf32>
      %get3A_991 = arith.constant 1 : i32
      %get3A_992 = arith.index_cast %get3A_991 : i32 to index
      %get3A_993 = arith.index_cast %add3A_922 : i32 to index
      %get3A_994 = arith.constant 32 : index
      %get3A_995 = tpu.vector_load %arg14[%get3A_992, %get3A_993, %get3A_994] {strides = array<i32>} : memref<2x128x64xf32, #tpu.memory_space<vmem>>, vector<1x1x16xf32>,
      %get3A_996 = vector.shape_cast %get3A_995 : vector<1x1x16xf32> to vector<16xf32>
      %sub3A_997 = arith.subf %get3A_990, %get3A_996 : vector<16xf32>
      %mul3A_998 = arith.mulf %get3A_984, %sub3A_997 : vector<16xf32>
      %add3A_999 = arith.addf %add3A_972, %mul3A_998 : vector<16xf32>
      %mul3A_1000 = arith.mulf %get3A_984, %get3A_984 : vector<16xf32>
      %mul3A_1001 = arith.mulf %get3A_990, %get3A_990 : vector<16xf32>
      %add3A_1002 = arith.addf %mul3A_1000, %mul3A_1001 : vector<16xf32>
      %mul3A_1003 = arith.mulf %get3A_996, %get3A_996 : vector<16xf32>
      %add3A_1004 = arith.addf %add3A_1002, %mul3A_1003 : vector<16xf32>
      %add3A_1005 = arith.addf %add3A_978, %add3A_1004 : vector<16xf32>
      %get3A_1006 = arith.constant 1 : i32
      %get3A_1007 = arith.index_cast %get3A_1006 : i32 to index
      %get3A_1008 = arith.index_cast %add3A_922 : i32 to index
      %get3A_1009 = arith.constant 48 : index
      %get3A_1010 = tpu.vector_load %arg12[%get3A_1007, %get3A_1008, %get3A_1009] {strides = array<i32>} : memref<2x128x64xf32, #tpu.memory_space<vmem>>, vector<1x1x16xf32>,
      %get3A_1011 = vector.shape_cast %get3A_1010 : vector<1x1x16xf32> to vector<16xf32>
      %get3A_1012 = arith.constant 1 : i32
      %get3A_1013 = arith.index_cast %get3A_1012 : i32 to index
      %get3A_1014 = arith.index_cast %add3A_922 : i32 to index
      %get3A_1015 = arith.constant 48 : index
      %get3A_1016 = tpu.vector_load %arg13[%get3A_1013, %get3A_1014, %get3A_1015] {strides = array<i32>} : memref<2x128x64xf32, #tpu.memory_space<vmem>>, vector<1x1x16xf32>,
      %get3A_1017 = vector.shape_cast %get3A_1016 : vector<1x1x16xf32> to vector<16xf32>
      %get3A_1018 = arith.constant 1 : i32
      %get3A_1019 = arith.index_cast %get3A_1018 : i32 to index
      %get3A_1020 = arith.index_cast %add3A_922 : i32 to index
      %get3A_1021 = arith.constant 48 : index
      %get3A_1022 = tpu.vector_load %arg14[%get3A_1019, %get3A_1020, %get3A_1021] {strides = array<i32>} : memref<2x128x64xf32, #tpu.memory_space<vmem>>, vector<1x1x16xf32>,
      %get3A_1023 = vector.shape_cast %get3A_1022 : vector<1x1x16xf32> to vector<16xf32>
      %sub3A_1024 = arith.subf %get3A_1017, %get3A_1023 : vector<16xf32>
      %mul3A_1025 = arith.mulf %get3A_1011, %sub3A_1024 : vector<16xf32>
      %add3A_1026 = arith.addf %add3A_999, %mul3A_1025 : vector<16xf32>
      %mul3A_1027 = arith.mulf %get3A_1011, %get3A_1011 : vector<16xf32>
      %mul3A_1028 = arith.mulf %get3A_1017, %get3A_1017 : vector<16xf32>
      %add3A_1029 = arith.addf %mul3A_1027, %mul3A_1028 : vector<16xf32>
      %mul3A_1030 = arith.mulf %get3A_1023, %get3A_1023 : vector<16xf32>
      %add3A_1031 = arith.addf %add3A_1029, %mul3A_1030 : vector<16xf32>
      %add3A_1032 = arith.addf %add3A_1005, %add3A_1031 : vector<16xf32>
      %add3A_1033 = arith.constant 128 : i32
      %add3A_1034 = arith.addi %add3A_1033, %add3A_922 : i32
      %swap3A_1035 = arith.index_cast %add3A_1034 : i32 to index
      %swap3A_1036 = arith.constant 0 : index
      %swap3A_1037 = tpu.vector_load %arg15[%swap3A_1035, %swap3A_1036] {strides = array<i32>} : memref<512x16xf32, #tpu.memory_space<vmem>>, vector<1x16xf32>,
      %swap3A_1038 = vector.shape_cast %swap3A_1037 : vector<1x16xf32> to vector<16xf32>
      %swap3A_1039 = vector.shape_cast %add3A_1026 : vector<16xf32> to vector<1x16xf32>
      tpu.vector_store %arg15[%swap3A_1035, %swap3A_1036], %swap3A_1039 {strides = array<i32>} : memref<512x16xf32, #tpu.memory_space<vmem>>, vector<1x16xf32>,
      scf.yield %add3A_1032 : vector<16xf32>
    }
    %scan3A_432 = arith.constant 32 : i32
    %dma_wait3A_433 = arith.constant 2 : i32
    %dma_wait3A_434 = arith.constant 0 : i32
    %dma_wait3A_435 = arith.constant 0 : i32
    %dma_wait3A_436 = arith.constant 0 : i32
    %dma_wait3A_437 = tpu.memref_slice %arg12[%dma_wait3A_434, %dma_wait3A_435, %dma_wait3A_436] : memref<2x128x64xf32, #tpu.memory_space<vmem>> -> memref<1x128x64xf32, #tpu.memory_space<vmem>>
    %dma_wait3A_438 = tpu.memref_squeeze %dma_wait3A_437 : memref<1x128x64xf32, #tpu.memory_space<vmem>> -> memref<128x64xf32, #tpu.memory_space<vmem>>
    %dma_wait3A_439 = arith.constant 0 : i32
    %dma_wait3A_440 = tpu.memref_slice %arg9[%dma_wait3A_433, %dma_wait3A_439] : memref<4x128xi32, #tpu.memory_space<vmem>> -> memref<1x128xi32, #tpu.memory_space<vmem>>
    %dma_wait3A_441 = tpu.memref_squeeze %dma_wait3A_440 : memref<1x128xi32, #tpu.memory_space<vmem>> -> memref<128xi32, #tpu.memory_space<vmem>>
    %dma_wait3A_442 = arith.constant 0 : i32
    %dma_wait3A_443 = arith.constant 0 : i32
    %dma_wait3A_444 = tpu.memref_slice %arg5[%dma_wait3A_442, %dma_wait3A_443] : memref<100000x64xf32, #tpu.memory_space<hbm>> -> memref<100000x64xf32, #tpu.memory_space<hbm>>
    tpu.wait_indirect_dma semaphore(%arg17 : memref<!tpu.dma_semaphore, #tpu.memory_space<semaphore_mem>>) src(%dma_wait3A_444 : memref<100000x64xf32, #tpu.memory_space<hbm>>) dst(%dma_wait3A_438 : memref<128x64xf32, #tpu.memory_space<vmem>>)
    %dma_wait3A_445 = arith.constant 2 : i32
    %dma_wait3A_446 = arith.constant 0 : i32
    %dma_wait3A_447 = arith.constant 0 : i32
    %dma_wait3A_448 = arith.constant 0 : i32
    %dma_wait3A_449 = tpu.memref_slice %arg13[%dma_wait3A_446, %dma_wait3A_447, %dma_wait3A_448] : memref<2x128x64xf32, #tpu.memory_space<vmem>> -> memref<1x128x64xf32, #tpu.memory_space<vmem>>
    %dma_wait3A_450 = tpu.memref_squeeze %dma_wait3A_449 : memref<1x128x64xf32, #tpu.memory_space<vmem>> -> memref<128x64xf32, #tpu.memory_space<vmem>>
    %dma_wait3A_451 = arith.constant 0 : i32
    %dma_wait3A_452 = tpu.memref_slice %arg10[%dma_wait3A_445, %dma_wait3A_451] : memref<4x128xi32, #tpu.memory_space<vmem>> -> memref<1x128xi32, #tpu.memory_space<vmem>>
    %dma_wait3A_453 = tpu.memref_squeeze %dma_wait3A_452 : memref<1x128xi32, #tpu.memory_space<vmem>> -> memref<128xi32, #tpu.memory_space<vmem>>
    %dma_wait3A_454 = arith.constant 0 : i32
    %dma_wait3A_455 = arith.constant 0 : i32
    %dma_wait3A_456 = tpu.memref_slice %arg6[%dma_wait3A_454, %dma_wait3A_455] : memref<100000x64xf32, #tpu.memory_space<hbm>> -> memref<100000x64xf32, #tpu.memory_space<hbm>>
    tpu.wait_indirect_dma semaphore(%arg17 : memref<!tpu.dma_semaphore, #tpu.memory_space<semaphore_mem>>) src(%dma_wait3A_456 : memref<100000x64xf32, #tpu.memory_space<hbm>>) dst(%dma_wait3A_450 : memref<128x64xf32, #tpu.memory_space<vmem>>)
    %dma_wait3A_457 = arith.constant 2 : i32
    %dma_wait3A_458 = arith.constant 0 : i32
    %dma_wait3A_459 = arith.constant 0 : i32
    %dma_wait3A_460 = arith.constant 0 : i32
    %dma_wait3A_461 = tpu.memref_slice %arg14[%dma_wait3A_458, %dma_wait3A_459, %dma_wait3A_460] : memref<2x128x64xf32, #tpu.memory_space<vmem>> -> memref<1x128x64xf32, #tpu.memory_space<vmem>>
    %dma_wait3A_462 = tpu.memref_squeeze %dma_wait3A_461 : memref<1x128x64xf32, #tpu.memory_space<vmem>> -> memref<128x64xf32, #tpu.memory_space<vmem>>
    %dma_wait3A_463 = arith.constant 0 : i32
    %dma_wait3A_464 = tpu.memref_slice %arg11[%dma_wait3A_457, %dma_wait3A_463] : memref<4x128xi32, #tpu.memory_space<vmem>> -> memref<1x128xi32, #tpu.memory_space<vmem>>
    %dma_wait3A_465 = tpu.memref_squeeze %dma_wait3A_464 : memref<1x128xi32, #tpu.memory_space<vmem>> -> memref<128xi32, #tpu.memory_space<vmem>>
    %dma_wait3A_466 = arith.constant 0 : i32
    %dma_wait3A_467 = arith.constant 0 : i32
    %dma_wait3A_468 = tpu.memref_slice %arg6[%dma_wait3A_466, %dma_wait3A_467] : memref<100000x64xf32, #tpu.memory_space<hbm>> -> memref<100000x64xf32, #tpu.memory_space<hbm>>
    tpu.wait_indirect_dma semaphore(%arg17 : memref<!tpu.dma_semaphore, #tpu.memory_space<semaphore_mem>>) src(%dma_wait3A_468 : memref<100000x64xf32, #tpu.memory_space<hbm>>) dst(%dma_wait3A_462 : memref<128x64xf32, #tpu.memory_space<vmem>>)
    %dma_start3A_469 = arith.constant 3 : i32
    %dma_start3A_470 = arith.constant 1 : i32
    %dma_start3A_471 = arith.constant 0 : i32
    %dma_start3A_472 = arith.constant 0 : i32
    %dma_start3A_473 = tpu.memref_slice %arg12[%dma_start3A_470, %dma_start3A_471, %dma_start3A_472] : memref<2x128x64xf32, #tpu.memory_space<vmem>> -> memref<1x128x64xf32, #tpu.memory_space<vmem>>
    %dma_start3A_474 = tpu.memref_squeeze %dma_start3A_473 : memref<1x128x64xf32, #tpu.memory_space<vmem>> -> memref<128x64xf32, #tpu.memory_space<vmem>>
    %dma_start3A_475 = arith.constant 0 : i32
    %dma_start3A_476 = tpu.memref_slice %arg9[%dma_start3A_469, %dma_start3A_475] : memref<4x128xi32, #tpu.memory_space<vmem>> -> memref<1x128xi32, #tpu.memory_space<vmem>>
    %dma_start3A_477 = tpu.memref_squeeze %dma_start3A_476 : memref<1x128xi32, #tpu.memory_space<vmem>> -> memref<128xi32, #tpu.memory_space<vmem>>
    %dma_start3A_478 = arith.constant 0 : i32
    %dma_start3A_479 = arith.constant 0 : i32
    %dma_start3A_480 = tpu.memref_slice %arg5[%dma_start3A_478, %dma_start3A_479] : memref<100000x64xf32, #tpu.memory_space<hbm>> -> memref<100000x64xf32, #tpu.memory_space<hbm>>
    tpu.enqueue_indirect_dma source(%dma_start3A_480 : memref<100000x64xf32, #tpu.memory_space<hbm>>) target(%dma_start3A_474 : memref<128x64xf32, #tpu.memory_space<vmem>>) offsets(%dma_start3A_477 : memref<128xi32, #tpu.memory_space<vmem>>) semaphore(%arg17 : memref<!tpu.dma_semaphore, #tpu.memory_space<semaphore_mem>>)
    %dma_start3A_481 = arith.constant 3 : i32
    %dma_start3A_482 = arith.constant 1 : i32
    %dma_start3A_483 = arith.constant 0 : i32
    %dma_start3A_484 = arith.constant 0 : i32
    %dma_start3A_485 = tpu.memref_slice %arg13[%dma_start3A_482, %dma_start3A_483, %dma_start3A_484] : memref<2x128x64xf32, #tpu.memory_space<vmem>> -> memref<1x128x64xf32, #tpu.memory_space<vmem>>
    %dma_start3A_486 = tpu.memref_squeeze %dma_start3A_485 : memref<1x128x64xf32, #tpu.memory_space<vmem>> -> memref<128x64xf32, #tpu.memory_space<vmem>>
    %dma_start3A_487 = arith.constant 0 : i32
    %dma_start3A_488 = tpu.memref_slice %arg10[%dma_start3A_481, %dma_start3A_487] : memref<4x128xi32, #tpu.memory_space<vmem>> -> memref<1x128xi32, #tpu.memory_space<vmem>>
    %dma_start3A_489 = tpu.memref_squeeze %dma_start3A_488 : memref<1x128xi32, #tpu.memory_space<vmem>> -> memref<128xi32, #tpu.memory_space<vmem>>
    %dma_start3A_490 = arith.constant 0 : i32
    %dma_start3A_491 = arith.constant 0 : i32
    %dma_start3A_492 = tpu.memref_slice %arg6[%dma_start3A_490, %dma_start3A_491] : memref<100000x64xf32, #tpu.memory_space<hbm>> -> memref<100000x64xf32, #tpu.memory_space<hbm>>
    tpu.enqueue_indirect_dma source(%dma_start3A_492 : memref<100000x64xf32, #tpu.memory_space<hbm>>) target(%dma_start3A_486 : memref<128x64xf32, #tpu.memory_space<vmem>>) offsets(%dma_start3A_489 : memref<128xi32, #tpu.memory_space<vmem>>) semaphore(%arg17 : memref<!tpu.dma_semaphore, #tpu.memory_space<semaphore_mem>>)
    %dma_start3A_493 = arith.constant 3 : i32
    %dma_start3A_494 = arith.constant 1 : i32
    %dma_start3A_495 = arith.constant 0 : i32
    %dma_start3A_496 = arith.constant 0 : i32
    %dma_start3A_497 = tpu.memref_slice %arg14[%dma_start3A_494, %dma_start3A_495, %dma_start3A_496] : memref<2x128x64xf32, #tpu.memory_space<vmem>> -> memref<1x128x64xf32, #tpu.memory_space<vmem>>
    %dma_start3A_498 = tpu.memref_squeeze %dma_start3A_497 : memref<1x128x64xf32, #tpu.memory_space<vmem>> -> memref<128x64xf32, #tpu.memory_space<vmem>>
    %dma_start3A_499 = arith.constant 0 : i32
    %dma_start3A_500 = tpu.memref_slice %arg11[%dma_start3A_493, %dma_start3A_499] : memref<4x128xi32, #tpu.memory_space<vmem>> -> memref<1x128xi32, #tpu.memory_space<vmem>>
    %dma_start3A_501 = tpu.memref_squeeze %dma_start3A_500 : memref<1x128xi32, #tpu.memory_space<vmem>> -> memref<128xi32, #tpu.memory_space<vmem>>
    %dma_start3A_502 = arith.constant 0 : i32
    %dma_start3A_503 = arith.constant 0 : i32
    %dma_start3A_504 = tpu.memref_slice %arg6[%dma_start3A_502, %dma_start3A_503] : memref<100000x64xf32, #tpu.memory_space<hbm>> -> memref<100000x64xf32, #tpu.memory_space<hbm>>
    tpu.enqueue_indirect_dma source(%dma_start3A_504 : memref<100000x64xf32, #tpu.memory_space<hbm>>) target(%dma_start3A_498 : memref<128x64xf32, #tpu.memory_space<vmem>>) offsets(%dma_start3A_501 : memref<128xi32, #tpu.memory_space<vmem>>) semaphore(%arg17 : memref<!tpu.dma_semaphore, #tpu.memory_space<semaphore_mem>>)
    %scan3A_505 = arith.constant 0 : i32
    %scan3A_506 = arith.constant 32 : i32
    %scan3A_507 = arith.addi %scan3A_505, %scan3A_506 : i32
    %scan3A_508 = arith.constant 1 : i32
    %scan3A_509 = scf.for %scan3A_556 = %scan3A_505 to %scan3A_507 step %scan3A_508 iter_args(%scan3A_557 = %scan3A_431) -> (vector<16xf32>)  : i32 {
      %mul3A_558 = arith.constant 4 : i32
      %mul3A_559 = arith.muli %scan3A_556, %mul3A_558 : i32
      %add3A_560 = arith.constant 0 : i32
      %add3A_561 = arith.addi %mul3A_559, %add3A_560 : i32
      %broadcast_in_dim3A_562 = arith.constant 0.000000e+00 : f32
      %broadcast_in_dim3A_563 = vector.broadcast %broadcast_in_dim3A_562 : f32 to vector<16xf32>
      %get3A = arith.constant 0 : i32
      %get3A_564 = arith.index_cast %get3A : i32 to index
      %get3A_565 = arith.index_cast %add3A_561 : i32 to index
      %get3A_566 = arith.constant 0 : index
      %get3A_567 = tpu.vector_load %arg12[%get3A_564, %get3A_565, %get3A_566] {strides = array<i32>} : memref<2x128x64xf32, #tpu.memory_space<vmem>>, vector<1x1x16xf32>,
      %get3A_568 = vector.shape_cast %get3A_567 : vector<1x1x16xf32> to vector<16xf32>
      %get3A_569 = arith.constant 0 : i32
      %get3A_570 = arith.index_cast %get3A_569 : i32 to index
      %get3A_571 = arith.index_cast %add3A_561 : i32 to index
      %get3A_572 = arith.constant 0 : index
      %get3A_573 = tpu.vector_load %arg13[%get3A_570, %get3A_571, %get3A_572] {strides = array<i32>} : memref<2x128x64xf32, #tpu.memory_space<vmem>>, vector<1x1x16xf32>,
      %get3A_574 = vector.shape_cast %get3A_573 : vector<1x1x16xf32> to vector<16xf32>
      %get3A_575 = arith.constant 0 : i32
      %get3A_576 = arith.index_cast %get3A_575 : i32 to index
      %get3A_577 = arith.index_cast %add3A_561 : i32 to index
      %get3A_578 = arith.constant 0 : index
      %get3A_579 = tpu.vector_load %arg14[%get3A_576, %get3A_577, %get3A_578] {strides = array<i32>} : memref<2x128x64xf32, #tpu.memory_space<vmem>>, vector<1x1x16xf32>,
      %get3A_580 = vector.shape_cast %get3A_579 : vector<1x1x16xf32> to vector<16xf32>
      %sub3A = arith.subf %get3A_574, %get3A_580 : vector<16xf32>
      %mul3A_581 = arith.mulf %get3A_568, %sub3A : vector<16xf32>
      %add3A_582 = arith.addf %broadcast_in_dim3A_563, %mul3A_581 : vector<16xf32>
      %mul3A_583 = arith.mulf %get3A_568, %get3A_568 : vector<16xf32>
      %mul3A_584 = arith.mulf %get3A_574, %get3A_574 : vector<16xf32>
      %add3A_585 = arith.addf %mul3A_583, %mul3A_584 : vector<16xf32>
      %mul3A_586 = arith.mulf %get3A_580, %get3A_580 : vector<16xf32>
      %add3A_587 = arith.addf %add3A_585, %mul3A_586 : vector<16xf32>
      %add3A_588 = arith.addf %scan3A_557, %add3A_587 : vector<16xf32>
      %get3A_589 = arith.constant 0 : i32
      %get3A_590 = arith.index_cast %get3A_589 : i32 to index
      %get3A_591 = arith.index_cast %add3A_561 : i32 to index
      %get3A_592 = arith.constant 16 : index
      %get3A_593 = tpu.vector_load %arg12[%get3A_590, %get3A_591, %get3A_592] {strides = array<i32>} : memref<2x128x64xf32, #tpu.memory_space<vmem>>, vector<1x1x16xf32>,
      %get3A_594 = vector.shape_cast %get3A_593 : vector<1x1x16xf32> to vector<16xf32>
      %get3A_595 = arith.constant 0 : i32
      %get3A_596 = arith.index_cast %get3A_595 : i32 to index
      %get3A_597 = arith.index_cast %add3A_561 : i32 to index
      %get3A_598 = arith.constant 16 : index
      %get3A_599 = tpu.vector_load %arg13[%get3A_596, %get3A_597, %get3A_598] {strides = array<i32>} : memref<2x128x64xf32, #tpu.memory_space<vmem>>, vector<1x1x16xf32>,
      %get3A_600 = vector.shape_cast %get3A_599 : vector<1x1x16xf32> to vector<16xf32>
      %get3A_601 = arith.constant 0 : i32
      %get3A_602 = arith.index_cast %get3A_601 : i32 to index
      %get3A_603 = arith.index_cast %add3A_561 : i32 to index
      %get3A_604 = arith.constant 16 : index
      %get3A_605 = tpu.vector_load %arg14[%get3A_602, %get3A_603, %get3A_604] {strides = array<i32>} : memref<2x128x64xf32, #tpu.memory_space<vmem>>, vector<1x1x16xf32>,
      %get3A_606 = vector.shape_cast %get3A_605 : vector<1x1x16xf32> to vector<16xf32>
      %sub3A_607 = arith.subf %get3A_600, %get3A_606 : vector<16xf32>
      %mul3A_608 = arith.mulf %get3A_594, %sub3A_607 : vector<16xf32>
      %add3A_609 = arith.addf %add3A_582, %mul3A_608 : vector<16xf32>
      %mul3A_610 = arith.mulf %get3A_594, %get3A_594 : vector<16xf32>
      %mul3A_611 = arith.mulf %get3A_600, %get3A_600 : vector<16xf32>
      %add3A_612 = arith.addf %mul3A_610, %mul3A_611 : vector<16xf32>
      %mul3A_613 = arith.mulf %get3A_606, %get3A_606 : vector<16xf32>
      %add3A_614 = arith.addf %add3A_612, %mul3A_613 : vector<16xf32>
      %add3A_615 = arith.addf %add3A_588, %add3A_614 : vector<16xf32>
      %get3A_616 = arith.constant 0 : i32
      %get3A_617 = arith.index_cast %get3A_616 : i32 to index
      %get3A_618 = arith.index_cast %add3A_561 : i32 to index
      %get3A_619 = arith.constant 32 : index
      %get3A_620 = tpu.vector_load %arg12[%get3A_617, %get3A_618, %get3A_619] {strides = array<i32>} : memref<2x128x64xf32, #tpu.memory_space<vmem>>, vector<1x1x16xf32>,
      %get3A_621 = vector.shape_cast %get3A_620 : vector<1x1x16xf32> to vector<16xf32>
      %get3A_622 = arith.constant 0 : i32
      %get3A_623 = arith.index_cast %get3A_622 : i32 to index
      %get3A_624 = arith.index_cast %add3A_561 : i32 to index
      %get3A_625 = arith.constant 32 : index
      %get3A_626 = tpu.vector_load %arg13[%get3A_623, %get3A_624, %get3A_625] {strides = array<i32>} : memref<2x128x64xf32, #tpu.memory_space<vmem>>, vector<1x1x16xf32>,
      %get3A_627 = vector.shape_cast %get3A_626 : vector<1x1x16xf32> to vector<16xf32>
      %get3A_628 = arith.constant 0 : i32
      %get3A_629 = arith.index_cast %get3A_628 : i32 to index
      %get3A_630 = arith.index_cast %add3A_561 : i32 to index
      %get3A_631 = arith.constant 32 : index
      %get3A_632 = tpu.vector_load %arg14[%get3A_629, %get3A_630, %get3A_631] {strides = array<i32>} : memref<2x128x64xf32, #tpu.memory_space<vmem>>, vector<1x1x16xf32>,
      %get3A_633 = vector.shape_cast %get3A_632 : vector<1x1x16xf32> to vector<16xf32>
      %sub3A_634 = arith.subf %get3A_627, %get3A_633 : vector<16xf32>
      %mul3A_635 = arith.mulf %get3A_621, %sub3A_634 : vector<16xf32>
      %add3A_636 = arith.addf %add3A_609, %mul3A_635 : vector<16xf32>
      %mul3A_637 = arith.mulf %get3A_621, %get3A_621 : vector<16xf32>
      %mul3A_638 = arith.mulf %get3A_627, %get3A_627 : vector<16xf32>
      %add3A_639 = arith.addf %mul3A_637, %mul3A_638 : vector<16xf32>
      %mul3A_640 = arith.mulf %get3A_633, %get3A_633 : vector<16xf32>
      %add3A_641 = arith.addf %add3A_639, %mul3A_640 : vector<16xf32>
      %add3A_642 = arith.addf %add3A_615, %add3A_641 : vector<16xf32>
      %get3A_643 = arith.constant 0 : i32
      %get3A_644 = arith.index_cast %get3A_643 : i32 to index
      %get3A_645 = arith.index_cast %add3A_561 : i32 to index
      %get3A_646 = arith.constant 48 : index
      %get3A_647 = tpu.vector_load %arg12[%get3A_644, %get3A_645, %get3A_646] {strides = array<i32>} : memref<2x128x64xf32, #tpu.memory_space<vmem>>, vector<1x1x16xf32>,
      %get3A_648 = vector.shape_cast %get3A_647 : vector<1x1x16xf32> to vector<16xf32>
      %get3A_649 = arith.constant 0 : i32
      %get3A_650 = arith.index_cast %get3A_649 : i32 to index
      %get3A_651 = arith.index_cast %add3A_561 : i32 to index
      %get3A_652 = arith.constant 48 : index
      %get3A_653 = tpu.vector_load %arg13[%get3A_650, %get3A_651, %get3A_652] {strides = array<i32>} : memref<2x128x64xf32, #tpu.memory_space<vmem>>, vector<1x1x16xf32>,
      %get3A_654 = vector.shape_cast %get3A_653 : vector<1x1x16xf32> to vector<16xf32>
      %get3A_655 = arith.constant 0 : i32
      %get3A_656 = arith.index_cast %get3A_655 : i32 to index
      %get3A_657 = arith.index_cast %add3A_561 : i32 to index
      %get3A_658 = arith.constant 48 : index
      %get3A_659 = tpu.vector_load %arg14[%get3A_656, %get3A_657, %get3A_658] {strides = array<i32>} : memref<2x128x64xf32, #tpu.memory_space<vmem>>, vector<1x1x16xf32>,
      %get3A_660 = vector.shape_cast %get3A_659 : vector<1x1x16xf32> to vector<16xf32>
      %sub3A_661 = arith.subf %get3A_654, %get3A_660 : vector<16xf32>
      %mul3A_662 = arith.mulf %get3A_648, %sub3A_661 : vector<16xf32>
      %add3A_663 = arith.addf %add3A_636, %mul3A_662 : vector<16xf32>
      %mul3A_664 = arith.mulf %get3A_648, %get3A_648 : vector<16xf32>
      %mul3A_665 = arith.mulf %get3A_654, %get3A_654 : vector<16xf32>
      %add3A_666 = arith.addf %mul3A_664, %mul3A_665 : vector<16xf32>
      %mul3A_667 = arith.mulf %get3A_660, %get3A_660 : vector<16xf32>
      %add3A_668 = arith.addf %add3A_666, %mul3A_667 : vector<16xf32>
      %add3A_669 = arith.addf %add3A_642, %add3A_668 : vector<16xf32>
      %add3A_670 = arith.constant 256 : i32
      %add3A_671 = arith.addi %add3A_670, %add3A_561 : i32
      %swap3A_672 = arith.index_cast %add3A_671 : i32 to index
      %swap3A_673 = arith.constant 0 : index
      %swap3A_674 = tpu.vector_load %arg15[%swap3A_672, %swap3A_673] {strides = array<i32>} : memref<512x16xf32, #tpu.memory_space<vmem>>, vector<1x16xf32>,
      %swap3A_675 = vector.shape_cast %swap3A_674 : vector<1x16xf32> to vector<16xf32>
      %swap3A_676 = vector.shape_cast %add3A_663 : vector<16xf32> to vector<1x16xf32>
      tpu.vector_store %arg15[%swap3A_672, %swap3A_673], %swap3A_676 {strides = array<i32>} : memref<512x16xf32, #tpu.memory_space<vmem>>, vector<1x16xf32>,
      %mul3A_677 = arith.constant 4 : i32
      %mul3A_678 = arith.muli %scan3A_556, %mul3A_677 : i32
      %add3A_679 = arith.constant 1 : i32
      %add3A_680 = arith.addi %mul3A_678, %add3A_679 : i32
      %broadcast_in_dim3A_681 = arith.constant 0.000000e+00 : f32
      %broadcast_in_dim3A_682 = vector.broadcast %broadcast_in_dim3A_681 : f32 to vector<16xf32>
      %get3A_683 = arith.constant 0 : i32
      %get3A_684 = arith.index_cast %get3A_683 : i32 to index
      %get3A_685 = arith.index_cast %add3A_680 : i32 to index
      %get3A_686 = arith.constant 0 : index
      %get3A_687 = tpu.vector_load %arg12[%get3A_684, %get3A_685, %get3A_686] {strides = array<i32>} : memref<2x128x64xf32, #tpu.memory_space<vmem>>, vector<1x1x16xf32>,
      %get3A_688 = vector.shape_cast %get3A_687 : vector<1x1x16xf32> to vector<16xf32>
      %get3A_689 = arith.constant 0 : i32
      %get3A_690 = arith.index_cast %get3A_689 : i32 to index
      %get3A_691 = arith.index_cast %add3A_680 : i32 to index
      %get3A_692 = arith.constant 0 : index
      %get3A_693 = tpu.vector_load %arg13[%get3A_690, %get3A_691, %get3A_692] {strides = array<i32>} : memref<2x128x64xf32, #tpu.memory_space<vmem>>, vector<1x1x16xf32>,
      %get3A_694 = vector.shape_cast %get3A_693 : vector<1x1x16xf32> to vector<16xf32>
      %get3A_695 = arith.constant 0 : i32
      %get3A_696 = arith.index_cast %get3A_695 : i32 to index
      %get3A_697 = arith.index_cast %add3A_680 : i32 to index
      %get3A_698 = arith.constant 0 : index
      %get3A_699 = tpu.vector_load %arg14[%get3A_696, %get3A_697, %get3A_698] {strides = array<i32>} : memref<2x128x64xf32, #tpu.memory_space<vmem>>, vector<1x1x16xf32>,
      %get3A_700 = vector.shape_cast %get3A_699 : vector<1x1x16xf32> to vector<16xf32>
      %sub3A_701 = arith.subf %get3A_694, %get3A_700 : vector<16xf32>
      %mul3A_702 = arith.mulf %get3A_688, %sub3A_701 : vector<16xf32>
      %add3A_703 = arith.addf %broadcast_in_dim3A_682, %mul3A_702 : vector<16xf32>
      %mul3A_704 = arith.mulf %get3A_688, %get3A_688 : vector<16xf32>
      %mul3A_705 = arith.mulf %get3A_694, %get3A_694 : vector<16xf32>
      %add3A_706 = arith.addf %mul3A_704, %mul3A_705 : vector<16xf32>
      %mul3A_707 = arith.mulf %get3A_700, %get3A_700 : vector<16xf32>
      %add3A_708 = arith.addf %add3A_706, %mul3A_707 : vector<16xf32>
      %add3A_709 = arith.addf %add3A_669, %add3A_708 : vector<16xf32>
      %get3A_710 = arith.constant 0 : i32
      %get3A_711 = arith.index_cast %get3A_710 : i32 to index
      %get3A_712 = arith.index_cast %add3A_680 : i32 to index
      %get3A_713 = arith.constant 16 : index
      %get3A_714 = tpu.vector_load %arg12[%get3A_711, %get3A_712, %get3A_713] {strides = array<i32>} : memref<2x128x64xf32, #tpu.memory_space<vmem>>, vector<1x1x16xf32>,
      %get3A_715 = vector.shape_cast %get3A_714 : vector<1x1x16xf32> to vector<16xf32>
      %get3A_716 = arith.constant 0 : i32
      %get3A_717 = arith.index_cast %get3A_716 : i32 to index
      %get3A_718 = arith.index_cast %add3A_680 : i32 to index
      %get3A_719 = arith.constant 16 : index
      %get3A_720 = tpu.vector_load %arg13[%get3A_717, %get3A_718, %get3A_719] {strides = array<i32>} : memref<2x128x64xf32, #tpu.memory_space<vmem>>, vector<1x1x16xf32>,
      %get3A_721 = vector.shape_cast %get3A_720 : vector<1x1x16xf32> to vector<16xf32>
      %get3A_722 = arith.constant 0 : i32
      %get3A_723 = arith.index_cast %get3A_722 : i32 to index
      %get3A_724 = arith.index_cast %add3A_680 : i32 to index
      %get3A_725 = arith.constant 16 : index
      %get3A_726 = tpu.vector_load %arg14[%get3A_723, %get3A_724, %get3A_725] {strides = array<i32>} : memref<2x128x64xf32, #tpu.memory_space<vmem>>, vector<1x1x16xf32>,
      %get3A_727 = vector.shape_cast %get3A_726 : vector<1x1x16xf32> to vector<16xf32>
      %sub3A_728 = arith.subf %get3A_721, %get3A_727 : vector<16xf32>
      %mul3A_729 = arith.mulf %get3A_715, %sub3A_728 : vector<16xf32>
      %add3A_730 = arith.addf %add3A_703, %mul3A_729 : vector<16xf32>
      %mul3A_731 = arith.mulf %get3A_715, %get3A_715 : vector<16xf32>
      %mul3A_732 = arith.mulf %get3A_721, %get3A_721 : vector<16xf32>
      %add3A_733 = arith.addf %mul3A_731, %mul3A_732 : vector<16xf32>
      %mul3A_734 = arith.mulf %get3A_727, %get3A_727 : vector<16xf32>
      %add3A_735 = arith.addf %add3A_733, %mul3A_734 : vector<16xf32>
      %add3A_736 = arith.addf %add3A_709, %add3A_735 : vector<16xf32>
      %get3A_737 = arith.constant 0 : i32
      %get3A_738 = arith.index_cast %get3A_737 : i32 to index
      %get3A_739 = arith.index_cast %add3A_680 : i32 to index
      %get3A_740 = arith.constant 32 : index
      %get3A_741 = tpu.vector_load %arg12[%get3A_738, %get3A_739, %get3A_740] {strides = array<i32>} : memref<2x128x64xf32, #tpu.memory_space<vmem>>, vector<1x1x16xf32>,
      %get3A_742 = vector.shape_cast %get3A_741 : vector<1x1x16xf32> to vector<16xf32>
      %get3A_743 = arith.constant 0 : i32
      %get3A_744 = arith.index_cast %get3A_743 : i32 to index
      %get3A_745 = arith.index_cast %add3A_680 : i32 to index
      %get3A_746 = arith.constant 32 : index
      %get3A_747 = tpu.vector_load %arg13[%get3A_744, %get3A_745, %get3A_746] {strides = array<i32>} : memref<2x128x64xf32, #tpu.memory_space<vmem>>, vector<1x1x16xf32>,
      %get3A_748 = vector.shape_cast %get3A_747 : vector<1x1x16xf32> to vector<16xf32>
      %get3A_749 = arith.constant 0 : i32
      %get3A_750 = arith.index_cast %get3A_749 : i32 to index
      %get3A_751 = arith.index_cast %add3A_680 : i32 to index
      %get3A_752 = arith.constant 32 : index
      %get3A_753 = tpu.vector_load %arg14[%get3A_750, %get3A_751, %get3A_752] {strides = array<i32>} : memref<2x128x64xf32, #tpu.memory_space<vmem>>, vector<1x1x16xf32>,
      %get3A_754 = vector.shape_cast %get3A_753 : vector<1x1x16xf32> to vector<16xf32>
      %sub3A_755 = arith.subf %get3A_748, %get3A_754 : vector<16xf32>
      %mul3A_756 = arith.mulf %get3A_742, %sub3A_755 : vector<16xf32>
      %add3A_757 = arith.addf %add3A_730, %mul3A_756 : vector<16xf32>
      %mul3A_758 = arith.mulf %get3A_742, %get3A_742 : vector<16xf32>
      %mul3A_759 = arith.mulf %get3A_748, %get3A_748 : vector<16xf32>
      %add3A_760 = arith.addf %mul3A_758, %mul3A_759 : vector<16xf32>
      %mul3A_761 = arith.mulf %get3A_754, %get3A_754 : vector<16xf32>
      %add3A_762 = arith.addf %add3A_760, %mul3A_761 : vector<16xf32>
      %add3A_763 = arith.addf %add3A_736, %add3A_762 : vector<16xf32>
      %get3A_764 = arith.constant 0 : i32
      %get3A_765 = arith.index_cast %get3A_764 : i32 to index
      %get3A_766 = arith.index_cast %add3A_680 : i32 to index
      %get3A_767 = arith.constant 48 : index
      %get3A_768 = tpu.vector_load %arg12[%get3A_765, %get3A_766, %get3A_767] {strides = array<i32>} : memref<2x128x64xf32, #tpu.memory_space<vmem>>, vector<1x1x16xf32>,
      %get3A_769 = vector.shape_cast %get3A_768 : vector<1x1x16xf32> to vector<16xf32>
      %get3A_770 = arith.constant 0 : i32
      %get3A_771 = arith.index_cast %get3A_770 : i32 to index
      %get3A_772 = arith.index_cast %add3A_680 : i32 to index
      %get3A_773 = arith.constant 48 : index
      %get3A_774 = tpu.vector_load %arg13[%get3A_771, %get3A_772, %get3A_773] {strides = array<i32>} : memref<2x128x64xf32, #tpu.memory_space<vmem>>, vector<1x1x16xf32>,
      %get3A_775 = vector.shape_cast %get3A_774 : vector<1x1x16xf32> to vector<16xf32>
      %get3A_776 = arith.constant 0 : i32
      %get3A_777 = arith.index_cast %get3A_776 : i32 to index
      %get3A_778 = arith.index_cast %add3A_680 : i32 to index
      %get3A_779 = arith.constant 48 : index
      %get3A_780 = tpu.vector_load %arg14[%get3A_777, %get3A_778, %get3A_779] {strides = array<i32>} : memref<2x128x64xf32, #tpu.memory_space<vmem>>, vector<1x1x16xf32>,
      %get3A_781 = vector.shape_cast %get3A_780 : vector<1x1x16xf32> to vector<16xf32>
      %sub3A_782 = arith.subf %get3A_775, %get3A_781 : vector<16xf32>
      %mul3A_783 = arith.mulf %get3A_769, %sub3A_782 : vector<16xf32>
      %add3A_784 = arith.addf %add3A_757, %mul3A_783 : vector<16xf32>
      %mul3A_785 = arith.mulf %get3A_769, %get3A_769 : vector<16xf32>
      %mul3A_786 = arith.mulf %get3A_775, %get3A_775 : vector<16xf32>
      %add3A_787 = arith.addf %mul3A_785, %mul3A_786 : vector<16xf32>
      %mul3A_788 = arith.mulf %get3A_781, %get3A_781 : vector<16xf32>
      %add3A_789 = arith.addf %add3A_787, %mul3A_788 : vector<16xf32>
      %add3A_790 = arith.addf %add3A_763, %add3A_789 : vector<16xf32>
      %add3A_791 = arith.constant 256 : i32
      %add3A_792 = arith.addi %add3A_791, %add3A_680 : i32
      %swap3A_793 = arith.index_cast %add3A_792 : i32 to index
      %swap3A_794 = arith.constant 0 : index
      %swap3A_795 = tpu.vector_load %arg15[%swap3A_793, %swap3A_794] {strides = array<i32>} : memref<512x16xf32, #tpu.memory_space<vmem>>, vector<1x16xf32>,
      %swap3A_796 = vector.shape_cast %swap3A_795 : vector<1x16xf32> to vector<16xf32>
      %swap3A_797 = vector.shape_cast %add3A_784 : vector<16xf32> to vector<1x16xf32>
      tpu.vector_store %arg15[%swap3A_793, %swap3A_794], %swap3A_797 {strides = array<i32>} : memref<512x16xf32, #tpu.memory_space<vmem>>, vector<1x16xf32>,
      %mul3A_798 = arith.constant 4 : i32
      %mul3A_799 = arith.muli %scan3A_556, %mul3A_798 : i32
      %add3A_800 = arith.constant 2 : i32
      %add3A_801 = arith.addi %mul3A_799, %add3A_800 : i32
      %broadcast_in_dim3A_802 = arith.constant 0.000000e+00 : f32
      %broadcast_in_dim3A_803 = vector.broadcast %broadcast_in_dim3A_802 : f32 to vector<16xf32>
      %get3A_804 = arith.constant 0 : i32
      %get3A_805 = arith.index_cast %get3A_804 : i32 to index
      %get3A_806 = arith.index_cast %add3A_801 : i32 to index
      %get3A_807 = arith.constant 0 : index
      %get3A_808 = tpu.vector_load %arg12[%get3A_805, %get3A_806, %get3A_807] {strides = array<i32>} : memref<2x128x64xf32, #tpu.memory_space<vmem>>, vector<1x1x16xf32>,
      %get3A_809 = vector.shape_cast %get3A_808 : vector<1x1x16xf32> to vector<16xf32>
      %get3A_810 = arith.constant 0 : i32
      %get3A_811 = arith.index_cast %get3A_810 : i32 to index
      %get3A_812 = arith.index_cast %add3A_801 : i32 to index
      %get3A_813 = arith.constant 0 : index
      %get3A_814 = tpu.vector_load %arg13[%get3A_811, %get3A_812, %get3A_813] {strides = array<i32>} : memref<2x128x64xf32, #tpu.memory_space<vmem>>, vector<1x1x16xf32>,
      %get3A_815 = vector.shape_cast %get3A_814 : vector<1x1x16xf32> to vector<16xf32>
      %get3A_816 = arith.constant 0 : i32
      %get3A_817 = arith.index_cast %get3A_816 : i32 to index
      %get3A_818 = arith.index_cast %add3A_801 : i32 to index
      %get3A_819 = arith.constant 0 : index
      %get3A_820 = tpu.vector_load %arg14[%get3A_817, %get3A_818, %get3A_819] {strides = array<i32>} : memref<2x128x64xf32, #tpu.memory_space<vmem>>, vector<1x1x16xf32>,
      %get3A_821 = vector.shape_cast %get3A_820 : vector<1x1x16xf32> to vector<16xf32>
      %sub3A_822 = arith.subf %get3A_815, %get3A_821 : vector<16xf32>
      %mul3A_823 = arith.mulf %get3A_809, %sub3A_822 : vector<16xf32>
      %add3A_824 = arith.addf %broadcast_in_dim3A_803, %mul3A_823 : vector<16xf32>
      %mul3A_825 = arith.mulf %get3A_809, %get3A_809 : vector<16xf32>
      %mul3A_826 = arith.mulf %get3A_815, %get3A_815 : vector<16xf32>
      %add3A_827 = arith.addf %mul3A_825, %mul3A_826 : vector<16xf32>
      %mul3A_828 = arith.mulf %get3A_821, %get3A_821 : vector<16xf32>
      %add3A_829 = arith.addf %add3A_827, %mul3A_828 : vector<16xf32>
      %add3A_830 = arith.addf %add3A_790, %add3A_829 : vector<16xf32>
      %get3A_831 = arith.constant 0 : i32
      %get3A_832 = arith.index_cast %get3A_831 : i32 to index
      %get3A_833 = arith.index_cast %add3A_801 : i32 to index
      %get3A_834 = arith.constant 16 : index
      %get3A_835 = tpu.vector_load %arg12[%get3A_832, %get3A_833, %get3A_834] {strides = array<i32>} : memref<2x128x64xf32, #tpu.memory_space<vmem>>, vector<1x1x16xf32>,
      %get3A_836 = vector.shape_cast %get3A_835 : vector<1x1x16xf32> to vector<16xf32>
      %get3A_837 = arith.constant 0 : i32
      %get3A_838 = arith.index_cast %get3A_837 : i32 to index
      %get3A_839 = arith.index_cast %add3A_801 : i32 to index
      %get3A_840 = arith.constant 16 : index
      %get3A_841 = tpu.vector_load %arg13[%get3A_838, %get3A_839, %get3A_840] {strides = array<i32>} : memref<2x128x64xf32, #tpu.memory_space<vmem>>, vector<1x1x16xf32>,
      %get3A_842 = vector.shape_cast %get3A_841 : vector<1x1x16xf32> to vector<16xf32>
      %get3A_843 = arith.constant 0 : i32
      %get3A_844 = arith.index_cast %get3A_843 : i32 to index
      %get3A_845 = arith.index_cast %add3A_801 : i32 to index
      %get3A_846 = arith.constant 16 : index
      %get3A_847 = tpu.vector_load %arg14[%get3A_844, %get3A_845, %get3A_846] {strides = array<i32>} : memref<2x128x64xf32, #tpu.memory_space<vmem>>, vector<1x1x16xf32>,
      %get3A_848 = vector.shape_cast %get3A_847 : vector<1x1x16xf32> to vector<16xf32>
      %sub3A_849 = arith.subf %get3A_842, %get3A_848 : vector<16xf32>
      %mul3A_850 = arith.mulf %get3A_836, %sub3A_849 : vector<16xf32>
      %add3A_851 = arith.addf %add3A_824, %mul3A_850 : vector<16xf32>
      %mul3A_852 = arith.mulf %get3A_836, %get3A_836 : vector<16xf32>
      %mul3A_853 = arith.mulf %get3A_842, %get3A_842 : vector<16xf32>
      %add3A_854 = arith.addf %mul3A_852, %mul3A_853 : vector<16xf32>
      %mul3A_855 = arith.mulf %get3A_848, %get3A_848 : vector<16xf32>
      %add3A_856 = arith.addf %add3A_854, %mul3A_855 : vector<16xf32>
      %add3A_857 = arith.addf %add3A_830, %add3A_856 : vector<16xf32>
      %get3A_858 = arith.constant 0 : i32
      %get3A_859 = arith.index_cast %get3A_858 : i32 to index
      %get3A_860 = arith.index_cast %add3A_801 : i32 to index
      %get3A_861 = arith.constant 32 : index
      %get3A_862 = tpu.vector_load %arg12[%get3A_859, %get3A_860, %get3A_861] {strides = array<i32>} : memref<2x128x64xf32, #tpu.memory_space<vmem>>, vector<1x1x16xf32>,
      %get3A_863 = vector.shape_cast %get3A_862 : vector<1x1x16xf32> to vector<16xf32>
      %get3A_864 = arith.constant 0 : i32
      %get3A_865 = arith.index_cast %get3A_864 : i32 to index
      %get3A_866 = arith.index_cast %add3A_801 : i32 to index
      %get3A_867 = arith.constant 32 : index
      %get3A_868 = tpu.vector_load %arg13[%get3A_865, %get3A_866, %get3A_867] {strides = array<i32>} : memref<2x128x64xf32, #tpu.memory_space<vmem>>, vector<1x1x16xf32>,
      %get3A_869 = vector.shape_cast %get3A_868 : vector<1x1x16xf32> to vector<16xf32>
      %get3A_870 = arith.constant 0 : i32
      %get3A_871 = arith.index_cast %get3A_870 : i32 to index
      %get3A_872 = arith.index_cast %add3A_801 : i32 to index
      %get3A_873 = arith.constant 32 : index
      %get3A_874 = tpu.vector_load %arg14[%get3A_871, %get3A_872, %get3A_873] {strides = array<i32>} : memref<2x128x64xf32, #tpu.memory_space<vmem>>, vector<1x1x16xf32>,
      %get3A_875 = vector.shape_cast %get3A_874 : vector<1x1x16xf32> to vector<16xf32>
      %sub3A_876 = arith.subf %get3A_869, %get3A_875 : vector<16xf32>
      %mul3A_877 = arith.mulf %get3A_863, %sub3A_876 : vector<16xf32>
      %add3A_878 = arith.addf %add3A_851, %mul3A_877 : vector<16xf32>
      %mul3A_879 = arith.mulf %get3A_863, %get3A_863 : vector<16xf32>
      %mul3A_880 = arith.mulf %get3A_869, %get3A_869 : vector<16xf32>
      %add3A_881 = arith.addf %mul3A_879, %mul3A_880 : vector<16xf32>
      %mul3A_882 = arith.mulf %get3A_875, %get3A_875 : vector<16xf32>
      %add3A_883 = arith.addf %add3A_881, %mul3A_882 : vector<16xf32>
      %add3A_884 = arith.addf %add3A_857, %add3A_883 : vector<16xf32>
      %get3A_885 = arith.constant 0 : i32
      %get3A_886 = arith.index_cast %get3A_885 : i32 to index
      %get3A_887 = arith.index_cast %add3A_801 : i32 to index
      %get3A_888 = arith.constant 48 : index
      %get3A_889 = tpu.vector_load %arg12[%get3A_886, %get3A_887, %get3A_888] {strides = array<i32>} : memref<2x128x64xf32, #tpu.memory_space<vmem>>, vector<1x1x16xf32>,
      %get3A_890 = vector.shape_cast %get3A_889 : vector<1x1x16xf32> to vector<16xf32>
      %get3A_891 = arith.constant 0 : i32
      %get3A_892 = arith.index_cast %get3A_891 : i32 to index
      %get3A_893 = arith.index_cast %add3A_801 : i32 to index
      %get3A_894 = arith.constant 48 : index
      %get3A_895 = tpu.vector_load %arg13[%get3A_892, %get3A_893, %get3A_894] {strides = array<i32>} : memref<2x128x64xf32, #tpu.memory_space<vmem>>, vector<1x1x16xf32>,
      %get3A_896 = vector.shape_cast %get3A_895 : vector<1x1x16xf32> to vector<16xf32>
      %get3A_897 = arith.constant 0 : i32
      %get3A_898 = arith.index_cast %get3A_897 : i32 to index
      %get3A_899 = arith.index_cast %add3A_801 : i32 to index
      %get3A_900 = arith.constant 48 : index
      %get3A_901 = tpu.vector_load %arg14[%get3A_898, %get3A_899, %get3A_900] {strides = array<i32>} : memref<2x128x64xf32, #tpu.memory_space<vmem>>, vector<1x1x16xf32>,
      %get3A_902 = vector.shape_cast %get3A_901 : vector<1x1x16xf32> to vector<16xf32>
      %sub3A_903 = arith.subf %get3A_896, %get3A_902 : vector<16xf32>
      %mul3A_904 = arith.mulf %get3A_890, %sub3A_903 : vector<16xf32>
      %add3A_905 = arith.addf %add3A_878, %mul3A_904 : vector<16xf32>
      %mul3A_906 = arith.mulf %get3A_890, %get3A_890 : vector<16xf32>
      %mul3A_907 = arith.mulf %get3A_896, %get3A_896 : vector<16xf32>
      %add3A_908 = arith.addf %mul3A_906, %mul3A_907 : vector<16xf32>
      %mul3A_909 = arith.mulf %get3A_902, %get3A_902 : vector<16xf32>
      %add3A_910 = arith.addf %add3A_908, %mul3A_909 : vector<16xf32>
      %add3A_911 = arith.addf %add3A_884, %add3A_910 : vector<16xf32>
      %add3A_912 = arith.constant 256 : i32
      %add3A_913 = arith.addi %add3A_912, %add3A_801 : i32
      %swap3A_914 = arith.index_cast %add3A_913 : i32 to index
      %swap3A_915 = arith.constant 0 : index
      %swap3A_916 = tpu.vector_load %arg15[%swap3A_914, %swap3A_915] {strides = array<i32>} : memref<512x16xf32, #tpu.memory_space<vmem>>, vector<1x16xf32>,
      %swap3A_917 = vector.shape_cast %swap3A_916 : vector<1x16xf32> to vector<16xf32>
      %swap3A_918 = vector.shape_cast %add3A_905 : vector<16xf32> to vector<1x16xf32>
      tpu.vector_store %arg15[%swap3A_914, %swap3A_915], %swap3A_918 {strides = array<i32>} : memref<512x16xf32, #tpu.memory_space<vmem>>, vector<1x16xf32>,
      %mul3A_919 = arith.constant 4 : i32
      %mul3A_920 = arith.muli %scan3A_556, %mul3A_919 : i32
      %add3A_921 = arith.constant 3 : i32
      %add3A_922 = arith.addi %mul3A_920, %add3A_921 : i32
      %broadcast_in_dim3A_923 = arith.constant 0.000000e+00 : f32
      %broadcast_in_dim3A_924 = vector.broadcast %broadcast_in_dim3A_923 : f32 to vector<16xf32>
      %get3A_925 = arith.constant 0 : i32
      %get3A_926 = arith.index_cast %get3A_925 : i32 to index
      %get3A_927 = arith.index_cast %add3A_922 : i32 to index
      %get3A_928 = arith.constant 0 : index
      %get3A_929 = tpu.vector_load %arg12[%get3A_926, %get3A_927, %get3A_928] {strides = array<i32>} : memref<2x128x64xf32, #tpu.memory_space<vmem>>, vector<1x1x16xf32>,
      %get3A_930 = vector.shape_cast %get3A_929 : vector<1x1x16xf32> to vector<16xf32>
      %get3A_931 = arith.constant 0 : i32
      %get3A_932 = arith.index_cast %get3A_931 : i32 to index
      %get3A_933 = arith.index_cast %add3A_922 : i32 to index
      %get3A_934 = arith.constant 0 : index
      %get3A_935 = tpu.vector_load %arg13[%get3A_932, %get3A_933, %get3A_934] {strides = array<i32>} : memref<2x128x64xf32, #tpu.memory_space<vmem>>, vector<1x1x16xf32>,
      %get3A_936 = vector.shape_cast %get3A_935 : vector<1x1x16xf32> to vector<16xf32>
      %get3A_937 = arith.constant 0 : i32
      %get3A_938 = arith.index_cast %get3A_937 : i32 to index
      %get3A_939 = arith.index_cast %add3A_922 : i32 to index
      %get3A_940 = arith.constant 0 : index
      %get3A_941 = tpu.vector_load %arg14[%get3A_938, %get3A_939, %get3A_940] {strides = array<i32>} : memref<2x128x64xf32, #tpu.memory_space<vmem>>, vector<1x1x16xf32>,
      %get3A_942 = vector.shape_cast %get3A_941 : vector<1x1x16xf32> to vector<16xf32>
      %sub3A_943 = arith.subf %get3A_936, %get3A_942 : vector<16xf32>
      %mul3A_944 = arith.mulf %get3A_930, %sub3A_943 : vector<16xf32>
      %add3A_945 = arith.addf %broadcast_in_dim3A_924, %mul3A_944 : vector<16xf32>
      %mul3A_946 = arith.mulf %get3A_930, %get3A_930 : vector<16xf32>
      %mul3A_947 = arith.mulf %get3A_936, %get3A_936 : vector<16xf32>
      %add3A_948 = arith.addf %mul3A_946, %mul3A_947 : vector<16xf32>
      %mul3A_949 = arith.mulf %get3A_942, %get3A_942 : vector<16xf32>
      %add3A_950 = arith.addf %add3A_948, %mul3A_949 : vector<16xf32>
      %add3A_951 = arith.addf %add3A_911, %add3A_950 : vector<16xf32>
      %get3A_952 = arith.constant 0 : i32
      %get3A_953 = arith.index_cast %get3A_952 : i32 to index
      %get3A_954 = arith.index_cast %add3A_922 : i32 to index
      %get3A_955 = arith.constant 16 : index
      %get3A_956 = tpu.vector_load %arg12[%get3A_953, %get3A_954, %get3A_955] {strides = array<i32>} : memref<2x128x64xf32, #tpu.memory_space<vmem>>, vector<1x1x16xf32>,
      %get3A_957 = vector.shape_cast %get3A_956 : vector<1x1x16xf32> to vector<16xf32>
      %get3A_958 = arith.constant 0 : i32
      %get3A_959 = arith.index_cast %get3A_958 : i32 to index
      %get3A_960 = arith.index_cast %add3A_922 : i32 to index
      %get3A_961 = arith.constant 16 : index
      %get3A_962 = tpu.vector_load %arg13[%get3A_959, %get3A_960, %get3A_961] {strides = array<i32>} : memref<2x128x64xf32, #tpu.memory_space<vmem>>, vector<1x1x16xf32>,
      %get3A_963 = vector.shape_cast %get3A_962 : vector<1x1x16xf32> to vector<16xf32>
      %get3A_964 = arith.constant 0 : i32
      %get3A_965 = arith.index_cast %get3A_964 : i32 to index
      %get3A_966 = arith.index_cast %add3A_922 : i32 to index
      %get3A_967 = arith.constant 16 : index
      %get3A_968 = tpu.vector_load %arg14[%get3A_965, %get3A_966, %get3A_967] {strides = array<i32>} : memref<2x128x64xf32, #tpu.memory_space<vmem>>, vector<1x1x16xf32>,
      %get3A_969 = vector.shape_cast %get3A_968 : vector<1x1x16xf32> to vector<16xf32>
      %sub3A_970 = arith.subf %get3A_963, %get3A_969 : vector<16xf32>
      %mul3A_971 = arith.mulf %get3A_957, %sub3A_970 : vector<16xf32>
      %add3A_972 = arith.addf %add3A_945, %mul3A_971 : vector<16xf32>
      %mul3A_973 = arith.mulf %get3A_957, %get3A_957 : vector<16xf32>
      %mul3A_974 = arith.mulf %get3A_963, %get3A_963 : vector<16xf32>
      %add3A_975 = arith.addf %mul3A_973, %mul3A_974 : vector<16xf32>
      %mul3A_976 = arith.mulf %get3A_969, %get3A_969 : vector<16xf32>
      %add3A_977 = arith.addf %add3A_975, %mul3A_976 : vector<16xf32>
      %add3A_978 = arith.addf %add3A_951, %add3A_977 : vector<16xf32>
      %get3A_979 = arith.constant 0 : i32
      %get3A_980 = arith.index_cast %get3A_979 : i32 to index
      %get3A_981 = arith.index_cast %add3A_922 : i32 to index
      %get3A_982 = arith.constant 32 : index
      %get3A_983 = tpu.vector_load %arg12[%get3A_980, %get3A_981, %get3A_982] {strides = array<i32>} : memref<2x128x64xf32, #tpu.memory_space<vmem>>, vector<1x1x16xf32>,
      %get3A_984 = vector.shape_cast %get3A_983 : vector<1x1x16xf32> to vector<16xf32>
      %get3A_985 = arith.constant 0 : i32
      %get3A_986 = arith.index_cast %get3A_985 : i32 to index
      %get3A_987 = arith.index_cast %add3A_922 : i32 to index
      %get3A_988 = arith.constant 32 : index
      %get3A_989 = tpu.vector_load %arg13[%get3A_986, %get3A_987, %get3A_988] {strides = array<i32>} : memref<2x128x64xf32, #tpu.memory_space<vmem>>, vector<1x1x16xf32>,
      %get3A_990 = vector.shape_cast %get3A_989 : vector<1x1x16xf32> to vector<16xf32>
      %get3A_991 = arith.constant 0 : i32
      %get3A_992 = arith.index_cast %get3A_991 : i32 to index
      %get3A_993 = arith.index_cast %add3A_922 : i32 to index
      %get3A_994 = arith.constant 32 : index
      %get3A_995 = tpu.vector_load %arg14[%get3A_992, %get3A_993, %get3A_994] {strides = array<i32>} : memref<2x128x64xf32, #tpu.memory_space<vmem>>, vector<1x1x16xf32>,
      %get3A_996 = vector.shape_cast %get3A_995 : vector<1x1x16xf32> to vector<16xf32>
      %sub3A_997 = arith.subf %get3A_990, %get3A_996 : vector<16xf32>
      %mul3A_998 = arith.mulf %get3A_984, %sub3A_997 : vector<16xf32>
      %add3A_999 = arith.addf %add3A_972, %mul3A_998 : vector<16xf32>
      %mul3A_1000 = arith.mulf %get3A_984, %get3A_984 : vector<16xf32>
      %mul3A_1001 = arith.mulf %get3A_990, %get3A_990 : vector<16xf32>
      %add3A_1002 = arith.addf %mul3A_1000, %mul3A_1001 : vector<16xf32>
      %mul3A_1003 = arith.mulf %get3A_996, %get3A_996 : vector<16xf32>
      %add3A_1004 = arith.addf %add3A_1002, %mul3A_1003 : vector<16xf32>
      %add3A_1005 = arith.addf %add3A_978, %add3A_1004 : vector<16xf32>
      %get3A_1006 = arith.constant 0 : i32
      %get3A_1007 = arith.index_cast %get3A_1006 : i32 to index
      %get3A_1008 = arith.index_cast %add3A_922 : i32 to index
      %get3A_1009 = arith.constant 48 : index
      %get3A_1010 = tpu.vector_load %arg12[%get3A_1007, %get3A_1008, %get3A_1009] {strides = array<i32>} : memref<2x128x64xf32, #tpu.memory_space<vmem>>, vector<1x1x16xf32>,
      %get3A_1011 = vector.shape_cast %get3A_1010 : vector<1x1x16xf32> to vector<16xf32>
      %get3A_1012 = arith.constant 0 : i32
      %get3A_1013 = arith.index_cast %get3A_1012 : i32 to index
      %get3A_1014 = arith.index_cast %add3A_922 : i32 to index
      %get3A_1015 = arith.constant 48 : index
      %get3A_1016 = tpu.vector_load %arg13[%get3A_1013, %get3A_1014, %get3A_1015] {strides = array<i32>} : memref<2x128x64xf32, #tpu.memory_space<vmem>>, vector<1x1x16xf32>,
      %get3A_1017 = vector.shape_cast %get3A_1016 : vector<1x1x16xf32> to vector<16xf32>
      %get3A_1018 = arith.constant 0 : i32
      %get3A_1019 = arith.index_cast %get3A_1018 : i32 to index
      %get3A_1020 = arith.index_cast %add3A_922 : i32 to index
      %get3A_1021 = arith.constant 48 : index
      %get3A_1022 = tpu.vector_load %arg14[%get3A_1019, %get3A_1020, %get3A_1021] {strides = array<i32>} : memref<2x128x64xf32, #tpu.memory_space<vmem>>, vector<1x1x16xf32>,
      %get3A_1023 = vector.shape_cast %get3A_1022 : vector<1x1x16xf32> to vector<16xf32>
      %sub3A_1024 = arith.subf %get3A_1017, %get3A_1023 : vector<16xf32>
      %mul3A_1025 = arith.mulf %get3A_1011, %sub3A_1024 : vector<16xf32>
      %add3A_1026 = arith.addf %add3A_999, %mul3A_1025 : vector<16xf32>
      %mul3A_1027 = arith.mulf %get3A_1011, %get3A_1011 : vector<16xf32>
      %mul3A_1028 = arith.mulf %get3A_1017, %get3A_1017 : vector<16xf32>
      %add3A_1029 = arith.addf %mul3A_1027, %mul3A_1028 : vector<16xf32>
      %mul3A_1030 = arith.mulf %get3A_1023, %get3A_1023 : vector<16xf32>
      %add3A_1031 = arith.addf %add3A_1029, %mul3A_1030 : vector<16xf32>
      %add3A_1032 = arith.addf %add3A_1005, %add3A_1031 : vector<16xf32>
      %add3A_1033 = arith.constant 256 : i32
      %add3A_1034 = arith.addi %add3A_1033, %add3A_922 : i32
      %swap3A_1035 = arith.index_cast %add3A_1034 : i32 to index
      %swap3A_1036 = arith.constant 0 : index
      %swap3A_1037 = tpu.vector_load %arg15[%swap3A_1035, %swap3A_1036] {strides = array<i32>} : memref<512x16xf32, #tpu.memory_space<vmem>>, vector<1x16xf32>,
      %swap3A_1038 = vector.shape_cast %swap3A_1037 : vector<1x16xf32> to vector<16xf32>
      %swap3A_1039 = vector.shape_cast %add3A_1026 : vector<16xf32> to vector<1x16xf32>
      tpu.vector_store %arg15[%swap3A_1035, %swap3A_1036], %swap3A_1039 {strides = array<i32>} : memref<512x16xf32, #tpu.memory_space<vmem>>, vector<1x16xf32>,
      scf.yield %add3A_1032 : vector<16xf32>
    }
    %scan3A_510 = arith.constant 32 : i32
    %dma_wait3A_511 = arith.constant 3 : i32
    %dma_wait3A_512 = arith.constant 1 : i32
    %dma_wait3A_513 = arith.constant 0 : i32
    %dma_wait3A_514 = arith.constant 0 : i32
    %dma_wait3A_515 = tpu.memref_slice %arg12[%dma_wait3A_512, %dma_wait3A_513, %dma_wait3A_514] : memref<2x128x64xf32, #tpu.memory_space<vmem>> -> memref<1x128x64xf32, #tpu.memory_space<vmem>>
    %dma_wait3A_516 = tpu.memref_squeeze %dma_wait3A_515 : memref<1x128x64xf32, #tpu.memory_space<vmem>> -> memref<128x64xf32, #tpu.memory_space<vmem>>
    %dma_wait3A_517 = arith.constant 0 : i32
    %dma_wait3A_518 = tpu.memref_slice %arg9[%dma_wait3A_511, %dma_wait3A_517] : memref<4x128xi32, #tpu.memory_space<vmem>> -> memref<1x128xi32, #tpu.memory_space<vmem>>
    %dma_wait3A_519 = tpu.memref_squeeze %dma_wait3A_518 : memref<1x128xi32, #tpu.memory_space<vmem>> -> memref<128xi32, #tpu.memory_space<vmem>>
    %dma_wait3A_520 = arith.constant 0 : i32
    %dma_wait3A_521 = arith.constant 0 : i32
    %dma_wait3A_522 = tpu.memref_slice %arg5[%dma_wait3A_520, %dma_wait3A_521] : memref<100000x64xf32, #tpu.memory_space<hbm>> -> memref<100000x64xf32, #tpu.memory_space<hbm>>
    tpu.wait_indirect_dma semaphore(%arg17 : memref<!tpu.dma_semaphore, #tpu.memory_space<semaphore_mem>>) src(%dma_wait3A_522 : memref<100000x64xf32, #tpu.memory_space<hbm>>) dst(%dma_wait3A_516 : memref<128x64xf32, #tpu.memory_space<vmem>>)
    %dma_wait3A_523 = arith.constant 3 : i32
    %dma_wait3A_524 = arith.constant 1 : i32
    %dma_wait3A_525 = arith.constant 0 : i32
    %dma_wait3A_526 = arith.constant 0 : i32
    %dma_wait3A_527 = tpu.memref_slice %arg13[%dma_wait3A_524, %dma_wait3A_525, %dma_wait3A_526] : memref<2x128x64xf32, #tpu.memory_space<vmem>> -> memref<1x128x64xf32, #tpu.memory_space<vmem>>
    %dma_wait3A_528 = tpu.memref_squeeze %dma_wait3A_527 : memref<1x128x64xf32, #tpu.memory_space<vmem>> -> memref<128x64xf32, #tpu.memory_space<vmem>>
    %dma_wait3A_529 = arith.constant 0 : i32
    %dma_wait3A_530 = tpu.memref_slice %arg10[%dma_wait3A_523, %dma_wait3A_529] : memref<4x128xi32, #tpu.memory_space<vmem>> -> memref<1x128xi32, #tpu.memory_space<vmem>>
    %dma_wait3A_531 = tpu.memref_squeeze %dma_wait3A_530 : memref<1x128xi32, #tpu.memory_space<vmem>> -> memref<128xi32, #tpu.memory_space<vmem>>
    %dma_wait3A_532 = arith.constant 0 : i32
    %dma_wait3A_533 = arith.constant 0 : i32
    %dma_wait3A_534 = tpu.memref_slice %arg6[%dma_wait3A_532, %dma_wait3A_533] : memref<100000x64xf32, #tpu.memory_space<hbm>> -> memref<100000x64xf32, #tpu.memory_space<hbm>>
    tpu.wait_indirect_dma semaphore(%arg17 : memref<!tpu.dma_semaphore, #tpu.memory_space<semaphore_mem>>) src(%dma_wait3A_534 : memref<100000x64xf32, #tpu.memory_space<hbm>>) dst(%dma_wait3A_528 : memref<128x64xf32, #tpu.memory_space<vmem>>)
    %dma_wait3A_535 = arith.constant 3 : i32
    %dma_wait3A_536 = arith.constant 1 : i32
    %dma_wait3A_537 = arith.constant 0 : i32
    %dma_wait3A_538 = arith.constant 0 : i32
    %dma_wait3A_539 = tpu.memref_slice %arg14[%dma_wait3A_536, %dma_wait3A_537, %dma_wait3A_538] : memref<2x128x64xf32, #tpu.memory_space<vmem>> -> memref<1x128x64xf32, #tpu.memory_space<vmem>>
    %dma_wait3A_540 = tpu.memref_squeeze %dma_wait3A_539 : memref<1x128x64xf32, #tpu.memory_space<vmem>> -> memref<128x64xf32, #tpu.memory_space<vmem>>
    %dma_wait3A_541 = arith.constant 0 : i32
    %dma_wait3A_542 = tpu.memref_slice %arg11[%dma_wait3A_535, %dma_wait3A_541] : memref<4x128xi32, #tpu.memory_space<vmem>> -> memref<1x128xi32, #tpu.memory_space<vmem>>
    %dma_wait3A_543 = tpu.memref_squeeze %dma_wait3A_542 : memref<1x128xi32, #tpu.memory_space<vmem>> -> memref<128xi32, #tpu.memory_space<vmem>>
    %dma_wait3A_544 = arith.constant 0 : i32
    %dma_wait3A_545 = arith.constant 0 : i32
    %dma_wait3A_546 = tpu.memref_slice %arg6[%dma_wait3A_544, %dma_wait3A_545] : memref<100000x64xf32, #tpu.memory_space<hbm>> -> memref<100000x64xf32, #tpu.memory_space<hbm>>
    tpu.wait_indirect_dma semaphore(%arg17 : memref<!tpu.dma_semaphore, #tpu.memory_space<semaphore_mem>>) src(%dma_wait3A_546 : memref<100000x64xf32, #tpu.memory_space<hbm>>) dst(%dma_wait3A_540 : memref<128x64xf32, #tpu.memory_space<vmem>>)
    %scan3A_547 = arith.constant 0 : i32
    %scan3A_548 = arith.constant 32 : i32
    %scan3A_549 = arith.addi %scan3A_547, %scan3A_548 : i32
    %scan3A_550 = arith.constant 1 : i32
    %scan3A_551 = scf.for %scan3A_556 = %scan3A_547 to %scan3A_549 step %scan3A_550 iter_args(%scan3A_557 = %scan3A_509) -> (vector<16xf32>)  : i32 {
      %mul3A_558 = arith.constant 4 : i32
      %mul3A_559 = arith.muli %scan3A_556, %mul3A_558 : i32
      %add3A_560 = arith.constant 0 : i32
      %add3A_561 = arith.addi %mul3A_559, %add3A_560 : i32
      %broadcast_in_dim3A_562 = arith.constant 0.000000e+00 : f32
      %broadcast_in_dim3A_563 = vector.broadcast %broadcast_in_dim3A_562 : f32 to vector<16xf32>
      %get3A = arith.constant 1 : i32
      %get3A_564 = arith.index_cast %get3A : i32 to index
      %get3A_565 = arith.index_cast %add3A_561 : i32 to index
      %get3A_566 = arith.constant 0 : index
      %get3A_567 = tpu.vector_load %arg12[%get3A_564, %get3A_565, %get3A_566] {strides = array<i32>} : memref<2x128x64xf32, #tpu.memory_space<vmem>>, vector<1x1x16xf32>,
      %get3A_568 = vector.shape_cast %get3A_567 : vector<1x1x16xf32> to vector<16xf32>
      %get3A_569 = arith.constant 1 : i32
      %get3A_570 = arith.index_cast %get3A_569 : i32 to index
      %get3A_571 = arith.index_cast %add3A_561 : i32 to index
      %get3A_572 = arith.constant 0 : index
      %get3A_573 = tpu.vector_load %arg13[%get3A_570, %get3A_571, %get3A_572] {strides = array<i32>} : memref<2x128x64xf32, #tpu.memory_space<vmem>>, vector<1x1x16xf32>,
      %get3A_574 = vector.shape_cast %get3A_573 : vector<1x1x16xf32> to vector<16xf32>
      %get3A_575 = arith.constant 1 : i32
      %get3A_576 = arith.index_cast %get3A_575 : i32 to index
      %get3A_577 = arith.index_cast %add3A_561 : i32 to index
      %get3A_578 = arith.constant 0 : index
      %get3A_579 = tpu.vector_load %arg14[%get3A_576, %get3A_577, %get3A_578] {strides = array<i32>} : memref<2x128x64xf32, #tpu.memory_space<vmem>>, vector<1x1x16xf32>,
      %get3A_580 = vector.shape_cast %get3A_579 : vector<1x1x16xf32> to vector<16xf32>
      %sub3A = arith.subf %get3A_574, %get3A_580 : vector<16xf32>
      %mul3A_581 = arith.mulf %get3A_568, %sub3A : vector<16xf32>
      %add3A_582 = arith.addf %broadcast_in_dim3A_563, %mul3A_581 : vector<16xf32>
      %mul3A_583 = arith.mulf %get3A_568, %get3A_568 : vector<16xf32>
      %mul3A_584 = arith.mulf %get3A_574, %get3A_574 : vector<16xf32>
      %add3A_585 = arith.addf %mul3A_583, %mul3A_584 : vector<16xf32>
      %mul3A_586 = arith.mulf %get3A_580, %get3A_580 : vector<16xf32>
      %add3A_587 = arith.addf %add3A_585, %mul3A_586 : vector<16xf32>
      %add3A_588 = arith.addf %scan3A_557, %add3A_587 : vector<16xf32>
      %get3A_589 = arith.constant 1 : i32
      %get3A_590 = arith.index_cast %get3A_589 : i32 to index
      %get3A_591 = arith.index_cast %add3A_561 : i32 to index
      %get3A_592 = arith.constant 16 : index
      %get3A_593 = tpu.vector_load %arg12[%get3A_590, %get3A_591, %get3A_592] {strides = array<i32>} : memref<2x128x64xf32, #tpu.memory_space<vmem>>, vector<1x1x16xf32>,
      %get3A_594 = vector.shape_cast %get3A_593 : vector<1x1x16xf32> to vector<16xf32>
      %get3A_595 = arith.constant 1 : i32
      %get3A_596 = arith.index_cast %get3A_595 : i32 to index
      %get3A_597 = arith.index_cast %add3A_561 : i32 to index
      %get3A_598 = arith.constant 16 : index
      %get3A_599 = tpu.vector_load %arg13[%get3A_596, %get3A_597, %get3A_598] {strides = array<i32>} : memref<2x128x64xf32, #tpu.memory_space<vmem>>, vector<1x1x16xf32>,
      %get3A_600 = vector.shape_cast %get3A_599 : vector<1x1x16xf32> to vector<16xf32>
      %get3A_601 = arith.constant 1 : i32
      %get3A_602 = arith.index_cast %get3A_601 : i32 to index
      %get3A_603 = arith.index_cast %add3A_561 : i32 to index
      %get3A_604 = arith.constant 16 : index
      %get3A_605 = tpu.vector_load %arg14[%get3A_602, %get3A_603, %get3A_604] {strides = array<i32>} : memref<2x128x64xf32, #tpu.memory_space<vmem>>, vector<1x1x16xf32>,
      %get3A_606 = vector.shape_cast %get3A_605 : vector<1x1x16xf32> to vector<16xf32>
      %sub3A_607 = arith.subf %get3A_600, %get3A_606 : vector<16xf32>
      %mul3A_608 = arith.mulf %get3A_594, %sub3A_607 : vector<16xf32>
      %add3A_609 = arith.addf %add3A_582, %mul3A_608 : vector<16xf32>
      %mul3A_610 = arith.mulf %get3A_594, %get3A_594 : vector<16xf32>
      %mul3A_611 = arith.mulf %get3A_600, %get3A_600 : vector<16xf32>
      %add3A_612 = arith.addf %mul3A_610, %mul3A_611 : vector<16xf32>
      %mul3A_613 = arith.mulf %get3A_606, %get3A_606 : vector<16xf32>
      %add3A_614 = arith.addf %add3A_612, %mul3A_613 : vector<16xf32>
      %add3A_615 = arith.addf %add3A_588, %add3A_614 : vector<16xf32>
      %get3A_616 = arith.constant 1 : i32
      %get3A_617 = arith.index_cast %get3A_616 : i32 to index
      %get3A_618 = arith.index_cast %add3A_561 : i32 to index
      %get3A_619 = arith.constant 32 : index
      %get3A_620 = tpu.vector_load %arg12[%get3A_617, %get3A_618, %get3A_619] {strides = array<i32>} : memref<2x128x64xf32, #tpu.memory_space<vmem>>, vector<1x1x16xf32>,
      %get3A_621 = vector.shape_cast %get3A_620 : vector<1x1x16xf32> to vector<16xf32>
      %get3A_622 = arith.constant 1 : i32
      %get3A_623 = arith.index_cast %get3A_622 : i32 to index
      %get3A_624 = arith.index_cast %add3A_561 : i32 to index
      %get3A_625 = arith.constant 32 : index
      %get3A_626 = tpu.vector_load %arg13[%get3A_623, %get3A_624, %get3A_625] {strides = array<i32>} : memref<2x128x64xf32, #tpu.memory_space<vmem>>, vector<1x1x16xf32>,
      %get3A_627 = vector.shape_cast %get3A_626 : vector<1x1x16xf32> to vector<16xf32>
      %get3A_628 = arith.constant 1 : i32
      %get3A_629 = arith.index_cast %get3A_628 : i32 to index
      %get3A_630 = arith.index_cast %add3A_561 : i32 to index
      %get3A_631 = arith.constant 32 : index
      %get3A_632 = tpu.vector_load %arg14[%get3A_629, %get3A_630, %get3A_631] {strides = array<i32>} : memref<2x128x64xf32, #tpu.memory_space<vmem>>, vector<1x1x16xf32>,
      %get3A_633 = vector.shape_cast %get3A_632 : vector<1x1x16xf32> to vector<16xf32>
      %sub3A_634 = arith.subf %get3A_627, %get3A_633 : vector<16xf32>
      %mul3A_635 = arith.mulf %get3A_621, %sub3A_634 : vector<16xf32>
      %add3A_636 = arith.addf %add3A_609, %mul3A_635 : vector<16xf32>
      %mul3A_637 = arith.mulf %get3A_621, %get3A_621 : vector<16xf32>
      %mul3A_638 = arith.mulf %get3A_627, %get3A_627 : vector<16xf32>
      %add3A_639 = arith.addf %mul3A_637, %mul3A_638 : vector<16xf32>
      %mul3A_640 = arith.mulf %get3A_633, %get3A_633 : vector<16xf32>
      %add3A_641 = arith.addf %add3A_639, %mul3A_640 : vector<16xf32>
      %add3A_642 = arith.addf %add3A_615, %add3A_641 : vector<16xf32>
      %get3A_643 = arith.constant 1 : i32
      %get3A_644 = arith.index_cast %get3A_643 : i32 to index
      %get3A_645 = arith.index_cast %add3A_561 : i32 to index
      %get3A_646 = arith.constant 48 : index
      %get3A_647 = tpu.vector_load %arg12[%get3A_644, %get3A_645, %get3A_646] {strides = array<i32>} : memref<2x128x64xf32, #tpu.memory_space<vmem>>, vector<1x1x16xf32>,
      %get3A_648 = vector.shape_cast %get3A_647 : vector<1x1x16xf32> to vector<16xf32>
      %get3A_649 = arith.constant 1 : i32
      %get3A_650 = arith.index_cast %get3A_649 : i32 to index
      %get3A_651 = arith.index_cast %add3A_561 : i32 to index
      %get3A_652 = arith.constant 48 : index
      %get3A_653 = tpu.vector_load %arg13[%get3A_650, %get3A_651, %get3A_652] {strides = array<i32>} : memref<2x128x64xf32, #tpu.memory_space<vmem>>, vector<1x1x16xf32>,
      %get3A_654 = vector.shape_cast %get3A_653 : vector<1x1x16xf32> to vector<16xf32>
      %get3A_655 = arith.constant 1 : i32
      %get3A_656 = arith.index_cast %get3A_655 : i32 to index
      %get3A_657 = arith.index_cast %add3A_561 : i32 to index
      %get3A_658 = arith.constant 48 : index
      %get3A_659 = tpu.vector_load %arg14[%get3A_656, %get3A_657, %get3A_658] {strides = array<i32>} : memref<2x128x64xf32, #tpu.memory_space<vmem>>, vector<1x1x16xf32>,
      %get3A_660 = vector.shape_cast %get3A_659 : vector<1x1x16xf32> to vector<16xf32>
      %sub3A_661 = arith.subf %get3A_654, %get3A_660 : vector<16xf32>
      %mul3A_662 = arith.mulf %get3A_648, %sub3A_661 : vector<16xf32>
      %add3A_663 = arith.addf %add3A_636, %mul3A_662 : vector<16xf32>
      %mul3A_664 = arith.mulf %get3A_648, %get3A_648 : vector<16xf32>
      %mul3A_665 = arith.mulf %get3A_654, %get3A_654 : vector<16xf32>
      %add3A_666 = arith.addf %mul3A_664, %mul3A_665 : vector<16xf32>
      %mul3A_667 = arith.mulf %get3A_660, %get3A_660 : vector<16xf32>
      %add3A_668 = arith.addf %add3A_666, %mul3A_667 : vector<16xf32>
      %add3A_669 = arith.addf %add3A_642, %add3A_668 : vector<16xf32>
      %add3A_670 = arith.constant 384 : i32
      %add3A_671 = arith.addi %add3A_670, %add3A_561 : i32
      %swap3A_672 = arith.index_cast %add3A_671 : i32 to index
      %swap3A_673 = arith.constant 0 : index
      %swap3A_674 = tpu.vector_load %arg15[%swap3A_672, %swap3A_673] {strides = array<i32>} : memref<512x16xf32, #tpu.memory_space<vmem>>, vector<1x16xf32>,
      %swap3A_675 = vector.shape_cast %swap3A_674 : vector<1x16xf32> to vector<16xf32>
      %swap3A_676 = vector.shape_cast %add3A_663 : vector<16xf32> to vector<1x16xf32>
      tpu.vector_store %arg15[%swap3A_672, %swap3A_673], %swap3A_676 {strides = array<i32>} : memref<512x16xf32, #tpu.memory_space<vmem>>, vector<1x16xf32>,
      %mul3A_677 = arith.constant 4 : i32
      %mul3A_678 = arith.muli %scan3A_556, %mul3A_677 : i32
      %add3A_679 = arith.constant 1 : i32
      %add3A_680 = arith.addi %mul3A_678, %add3A_679 : i32
      %broadcast_in_dim3A_681 = arith.constant 0.000000e+00 : f32
      %broadcast_in_dim3A_682 = vector.broadcast %broadcast_in_dim3A_681 : f32 to vector<16xf32>
      %get3A_683 = arith.constant 1 : i32
      %get3A_684 = arith.index_cast %get3A_683 : i32 to index
      %get3A_685 = arith.index_cast %add3A_680 : i32 to index
      %get3A_686 = arith.constant 0 : index
      %get3A_687 = tpu.vector_load %arg12[%get3A_684, %get3A_685, %get3A_686] {strides = array<i32>} : memref<2x128x64xf32, #tpu.memory_space<vmem>>, vector<1x1x16xf32>,
      %get3A_688 = vector.shape_cast %get3A_687 : vector<1x1x16xf32> to vector<16xf32>
      %get3A_689 = arith.constant 1 : i32
      %get3A_690 = arith.index_cast %get3A_689 : i32 to index
      %get3A_691 = arith.index_cast %add3A_680 : i32 to index
      %get3A_692 = arith.constant 0 : index
      %get3A_693 = tpu.vector_load %arg13[%get3A_690, %get3A_691, %get3A_692] {strides = array<i32>} : memref<2x128x64xf32, #tpu.memory_space<vmem>>, vector<1x1x16xf32>,
      %get3A_694 = vector.shape_cast %get3A_693 : vector<1x1x16xf32> to vector<16xf32>
      %get3A_695 = arith.constant 1 : i32
      %get3A_696 = arith.index_cast %get3A_695 : i32 to index
      %get3A_697 = arith.index_cast %add3A_680 : i32 to index
      %get3A_698 = arith.constant 0 : index
      %get3A_699 = tpu.vector_load %arg14[%get3A_696, %get3A_697, %get3A_698] {strides = array<i32>} : memref<2x128x64xf32, #tpu.memory_space<vmem>>, vector<1x1x16xf32>,
      %get3A_700 = vector.shape_cast %get3A_699 : vector<1x1x16xf32> to vector<16xf32>
      %sub3A_701 = arith.subf %get3A_694, %get3A_700 : vector<16xf32>
      %mul3A_702 = arith.mulf %get3A_688, %sub3A_701 : vector<16xf32>
      %add3A_703 = arith.addf %broadcast_in_dim3A_682, %mul3A_702 : vector<16xf32>
      %mul3A_704 = arith.mulf %get3A_688, %get3A_688 : vector<16xf32>
      %mul3A_705 = arith.mulf %get3A_694, %get3A_694 : vector<16xf32>
      %add3A_706 = arith.addf %mul3A_704, %mul3A_705 : vector<16xf32>
      %mul3A_707 = arith.mulf %get3A_700, %get3A_700 : vector<16xf32>
      %add3A_708 = arith.addf %add3A_706, %mul3A_707 : vector<16xf32>
      %add3A_709 = arith.addf %add3A_669, %add3A_708 : vector<16xf32>
      %get3A_710 = arith.constant 1 : i32
      %get3A_711 = arith.index_cast %get3A_710 : i32 to index
      %get3A_712 = arith.index_cast %add3A_680 : i32 to index
      %get3A_713 = arith.constant 16 : index
      %get3A_714 = tpu.vector_load %arg12[%get3A_711, %get3A_712, %get3A_713] {strides = array<i32>} : memref<2x128x64xf32, #tpu.memory_space<vmem>>, vector<1x1x16xf32>,
      %get3A_715 = vector.shape_cast %get3A_714 : vector<1x1x16xf32> to vector<16xf32>
      %get3A_716 = arith.constant 1 : i32
      %get3A_717 = arith.index_cast %get3A_716 : i32 to index
      %get3A_718 = arith.index_cast %add3A_680 : i32 to index
      %get3A_719 = arith.constant 16 : index
      %get3A_720 = tpu.vector_load %arg13[%get3A_717, %get3A_718, %get3A_719] {strides = array<i32>} : memref<2x128x64xf32, #tpu.memory_space<vmem>>, vector<1x1x16xf32>,
      %get3A_721 = vector.shape_cast %get3A_720 : vector<1x1x16xf32> to vector<16xf32>
      %get3A_722 = arith.constant 1 : i32
      %get3A_723 = arith.index_cast %get3A_722 : i32 to index
      %get3A_724 = arith.index_cast %add3A_680 : i32 to index
      %get3A_725 = arith.constant 16 : index
      %get3A_726 = tpu.vector_load %arg14[%get3A_723, %get3A_724, %get3A_725] {strides = array<i32>} : memref<2x128x64xf32, #tpu.memory_space<vmem>>, vector<1x1x16xf32>,
      %get3A_727 = vector.shape_cast %get3A_726 : vector<1x1x16xf32> to vector<16xf32>
      %sub3A_728 = arith.subf %get3A_721, %get3A_727 : vector<16xf32>
      %mul3A_729 = arith.mulf %get3A_715, %sub3A_728 : vector<16xf32>
      %add3A_730 = arith.addf %add3A_703, %mul3A_729 : vector<16xf32>
      %mul3A_731 = arith.mulf %get3A_715, %get3A_715 : vector<16xf32>
      %mul3A_732 = arith.mulf %get3A_721, %get3A_721 : vector<16xf32>
      %add3A_733 = arith.addf %mul3A_731, %mul3A_732 : vector<16xf32>
      %mul3A_734 = arith.mulf %get3A_727, %get3A_727 : vector<16xf32>
      %add3A_735 = arith.addf %add3A_733, %mul3A_734 : vector<16xf32>
      %add3A_736 = arith.addf %add3A_709, %add3A_735 : vector<16xf32>
      %get3A_737 = arith.constant 1 : i32
      %get3A_738 = arith.index_cast %get3A_737 : i32 to index
      %get3A_739 = arith.index_cast %add3A_680 : i32 to index
      %get3A_740 = arith.constant 32 : index
      %get3A_741 = tpu.vector_load %arg12[%get3A_738, %get3A_739, %get3A_740] {strides = array<i32>} : memref<2x128x64xf32, #tpu.memory_space<vmem>>, vector<1x1x16xf32>,
      %get3A_742 = vector.shape_cast %get3A_741 : vector<1x1x16xf32> to vector<16xf32>
      %get3A_743 = arith.constant 1 : i32
      %get3A_744 = arith.index_cast %get3A_743 : i32 to index
      %get3A_745 = arith.index_cast %add3A_680 : i32 to index
      %get3A_746 = arith.constant 32 : index
      %get3A_747 = tpu.vector_load %arg13[%get3A_744, %get3A_745, %get3A_746] {strides = array<i32>} : memref<2x128x64xf32, #tpu.memory_space<vmem>>, vector<1x1x16xf32>,
      %get3A_748 = vector.shape_cast %get3A_747 : vector<1x1x16xf32> to vector<16xf32>
      %get3A_749 = arith.constant 1 : i32
      %get3A_750 = arith.index_cast %get3A_749 : i32 to index
      %get3A_751 = arith.index_cast %add3A_680 : i32 to index
      %get3A_752 = arith.constant 32 : index
      %get3A_753 = tpu.vector_load %arg14[%get3A_750, %get3A_751, %get3A_752] {strides = array<i32>} : memref<2x128x64xf32, #tpu.memory_space<vmem>>, vector<1x1x16xf32>,
      %get3A_754 = vector.shape_cast %get3A_753 : vector<1x1x16xf32> to vector<16xf32>
      %sub3A_755 = arith.subf %get3A_748, %get3A_754 : vector<16xf32>
      %mul3A_756 = arith.mulf %get3A_742, %sub3A_755 : vector<16xf32>
      %add3A_757 = arith.addf %add3A_730, %mul3A_756 : vector<16xf32>
      %mul3A_758 = arith.mulf %get3A_742, %get3A_742 : vector<16xf32>
      %mul3A_759 = arith.mulf %get3A_748, %get3A_748 : vector<16xf32>
      %add3A_760 = arith.addf %mul3A_758, %mul3A_759 : vector<16xf32>
      %mul3A_761 = arith.mulf %get3A_754, %get3A_754 : vector<16xf32>
      %add3A_762 = arith.addf %add3A_760, %mul3A_761 : vector<16xf32>
      %add3A_763 = arith.addf %add3A_736, %add3A_762 : vector<16xf32>
      %get3A_764 = arith.constant 1 : i32
      %get3A_765 = arith.index_cast %get3A_764 : i32 to index
      %get3A_766 = arith.index_cast %add3A_680 : i32 to index
      %get3A_767 = arith.constant 48 : index
      %get3A_768 = tpu.vector_load %arg12[%get3A_765, %get3A_766, %get3A_767] {strides = array<i32>} : memref<2x128x64xf32, #tpu.memory_space<vmem>>, vector<1x1x16xf32>,
      %get3A_769 = vector.shape_cast %get3A_768 : vector<1x1x16xf32> to vector<16xf32>
      %get3A_770 = arith.constant 1 : i32
      %get3A_771 = arith.index_cast %get3A_770 : i32 to index
      %get3A_772 = arith.index_cast %add3A_680 : i32 to index
      %get3A_773 = arith.constant 48 : index
      %get3A_774 = tpu.vector_load %arg13[%get3A_771, %get3A_772, %get3A_773] {strides = array<i32>} : memref<2x128x64xf32, #tpu.memory_space<vmem>>, vector<1x1x16xf32>,
      %get3A_775 = vector.shape_cast %get3A_774 : vector<1x1x16xf32> to vector<16xf32>
      %get3A_776 = arith.constant 1 : i32
      %get3A_777 = arith.index_cast %get3A_776 : i32 to index
      %get3A_778 = arith.index_cast %add3A_680 : i32 to index
      %get3A_779 = arith.constant 48 : index
      %get3A_780 = tpu.vector_load %arg14[%get3A_777, %get3A_778, %get3A_779] {strides = array<i32>} : memref<2x128x64xf32, #tpu.memory_space<vmem>>, vector<1x1x16xf32>,
      %get3A_781 = vector.shape_cast %get3A_780 : vector<1x1x16xf32> to vector<16xf32>
      %sub3A_782 = arith.subf %get3A_775, %get3A_781 : vector<16xf32>
      %mul3A_783 = arith.mulf %get3A_769, %sub3A_782 : vector<16xf32>
      %add3A_784 = arith.addf %add3A_757, %mul3A_783 : vector<16xf32>
      %mul3A_785 = arith.mulf %get3A_769, %get3A_769 : vector<16xf32>
      %mul3A_786 = arith.mulf %get3A_775, %get3A_775 : vector<16xf32>
      %add3A_787 = arith.addf %mul3A_785, %mul3A_786 : vector<16xf32>
      %mul3A_788 = arith.mulf %get3A_781, %get3A_781 : vector<16xf32>
      %add3A_789 = arith.addf %add3A_787, %mul3A_788 : vector<16xf32>
      %add3A_790 = arith.addf %add3A_763, %add3A_789 : vector<16xf32>
      %add3A_791 = arith.constant 384 : i32
      %add3A_792 = arith.addi %add3A_791, %add3A_680 : i32
      %swap3A_793 = arith.index_cast %add3A_792 : i32 to index
      %swap3A_794 = arith.constant 0 : index
      %swap3A_795 = tpu.vector_load %arg15[%swap3A_793, %swap3A_794] {strides = array<i32>} : memref<512x16xf32, #tpu.memory_space<vmem>>, vector<1x16xf32>,
      %swap3A_796 = vector.shape_cast %swap3A_795 : vector<1x16xf32> to vector<16xf32>
      %swap3A_797 = vector.shape_cast %add3A_784 : vector<16xf32> to vector<1x16xf32>
      tpu.vector_store %arg15[%swap3A_793, %swap3A_794], %swap3A_797 {strides = array<i32>} : memref<512x16xf32, #tpu.memory_space<vmem>>, vector<1x16xf32>,
      %mul3A_798 = arith.constant 4 : i32
      %mul3A_799 = arith.muli %scan3A_556, %mul3A_798 : i32
      %add3A_800 = arith.constant 2 : i32
      %add3A_801 = arith.addi %mul3A_799, %add3A_800 : i32
      %broadcast_in_dim3A_802 = arith.constant 0.000000e+00 : f32
      %broadcast_in_dim3A_803 = vector.broadcast %broadcast_in_dim3A_802 : f32 to vector<16xf32>
      %get3A_804 = arith.constant 1 : i32
      %get3A_805 = arith.index_cast %get3A_804 : i32 to index
      %get3A_806 = arith.index_cast %add3A_801 : i32 to index
      %get3A_807 = arith.constant 0 : index
      %get3A_808 = tpu.vector_load %arg12[%get3A_805, %get3A_806, %get3A_807] {strides = array<i32>} : memref<2x128x64xf32, #tpu.memory_space<vmem>>, vector<1x1x16xf32>,
      %get3A_809 = vector.shape_cast %get3A_808 : vector<1x1x16xf32> to vector<16xf32>
      %get3A_810 = arith.constant 1 : i32
      %get3A_811 = arith.index_cast %get3A_810 : i32 to index
      %get3A_812 = arith.index_cast %add3A_801 : i32 to index
      %get3A_813 = arith.constant 0 : index
      %get3A_814 = tpu.vector_load %arg13[%get3A_811, %get3A_812, %get3A_813] {strides = array<i32>} : memref<2x128x64xf32, #tpu.memory_space<vmem>>, vector<1x1x16xf32>,
      %get3A_815 = vector.shape_cast %get3A_814 : vector<1x1x16xf32> to vector<16xf32>
      %get3A_816 = arith.constant 1 : i32
      %get3A_817 = arith.index_cast %get3A_816 : i32 to index
      %get3A_818 = arith.index_cast %add3A_801 : i32 to index
      %get3A_819 = arith.constant 0 : index
      %get3A_820 = tpu.vector_load %arg14[%get3A_817, %get3A_818, %get3A_819] {strides = array<i32>} : memref<2x128x64xf32, #tpu.memory_space<vmem>>, vector<1x1x16xf32>,
      %get3A_821 = vector.shape_cast %get3A_820 : vector<1x1x16xf32> to vector<16xf32>
      %sub3A_822 = arith.subf %get3A_815, %get3A_821 : vector<16xf32>
      %mul3A_823 = arith.mulf %get3A_809, %sub3A_822 : vector<16xf32>
      %add3A_824 = arith.addf %broadcast_in_dim3A_803, %mul3A_823 : vector<16xf32>
      %mul3A_825 = arith.mulf %get3A_809, %get3A_809 : vector<16xf32>
      %mul3A_826 = arith.mulf %get3A_815, %get3A_815 : vector<16xf32>
      %add3A_827 = arith.addf %mul3A_825, %mul3A_826 : vector<16xf32>
      %mul3A_828 = arith.mulf %get3A_821, %get3A_821 : vector<16xf32>
      %add3A_829 = arith.addf %add3A_827, %mul3A_828 : vector<16xf32>
      %add3A_830 = arith.addf %add3A_790, %add3A_829 : vector<16xf32>
      %get3A_831 = arith.constant 1 : i32
      %get3A_832 = arith.index_cast %get3A_831 : i32 to index
      %get3A_833 = arith.index_cast %add3A_801 : i32 to index
      %get3A_834 = arith.constant 16 : index
      %get3A_835 = tpu.vector_load %arg12[%get3A_832, %get3A_833, %get3A_834] {strides = array<i32>} : memref<2x128x64xf32, #tpu.memory_space<vmem>>, vector<1x1x16xf32>,
      %get3A_836 = vector.shape_cast %get3A_835 : vector<1x1x16xf32> to vector<16xf32>
      %get3A_837 = arith.constant 1 : i32
      %get3A_838 = arith.index_cast %get3A_837 : i32 to index
      %get3A_839 = arith.index_cast %add3A_801 : i32 to index
      %get3A_840 = arith.constant 16 : index
      %get3A_841 = tpu.vector_load %arg13[%get3A_838, %get3A_839, %get3A_840] {strides = array<i32>} : memref<2x128x64xf32, #tpu.memory_space<vmem>>, vector<1x1x16xf32>,
      %get3A_842 = vector.shape_cast %get3A_841 : vector<1x1x16xf32> to vector<16xf32>
      %get3A_843 = arith.constant 1 : i32
      %get3A_844 = arith.index_cast %get3A_843 : i32 to index
      %get3A_845 = arith.index_cast %add3A_801 : i32 to index
      %get3A_846 = arith.constant 16 : index
      %get3A_847 = tpu.vector_load %arg14[%get3A_844, %get3A_845, %get3A_846] {strides = array<i32>} : memref<2x128x64xf32, #tpu.memory_space<vmem>>, vector<1x1x16xf32>,
      %get3A_848 = vector.shape_cast %get3A_847 : vector<1x1x16xf32> to vector<16xf32>
      %sub3A_849 = arith.subf %get3A_842, %get3A_848 : vector<16xf32>
      %mul3A_850 = arith.mulf %get3A_836, %sub3A_849 : vector<16xf32>
      %add3A_851 = arith.addf %add3A_824, %mul3A_850 : vector<16xf32>
      %mul3A_852 = arith.mulf %get3A_836, %get3A_836 : vector<16xf32>
      %mul3A_853 = arith.mulf %get3A_842, %get3A_842 : vector<16xf32>
      %add3A_854 = arith.addf %mul3A_852, %mul3A_853 : vector<16xf32>
      %mul3A_855 = arith.mulf %get3A_848, %get3A_848 : vector<16xf32>
      %add3A_856 = arith.addf %add3A_854, %mul3A_855 : vector<16xf32>
      %add3A_857 = arith.addf %add3A_830, %add3A_856 : vector<16xf32>
      %get3A_858 = arith.constant 1 : i32
      %get3A_859 = arith.index_cast %get3A_858 : i32 to index
      %get3A_860 = arith.index_cast %add3A_801 : i32 to index
      %get3A_861 = arith.constant 32 : index
      %get3A_862 = tpu.vector_load %arg12[%get3A_859, %get3A_860, %get3A_861] {strides = array<i32>} : memref<2x128x64xf32, #tpu.memory_space<vmem>>, vector<1x1x16xf32>,
      %get3A_863 = vector.shape_cast %get3A_862 : vector<1x1x16xf32> to vector<16xf32>
      %get3A_864 = arith.constant 1 : i32
      %get3A_865 = arith.index_cast %get3A_864 : i32 to index
      %get3A_866 = arith.index_cast %add3A_801 : i32 to index
      %get3A_867 = arith.constant 32 : index
      %get3A_868 = tpu.vector_load %arg13[%get3A_865, %get3A_866, %get3A_867] {strides = array<i32>} : memref<2x128x64xf32, #tpu.memory_space<vmem>>, vector<1x1x16xf32>,
      %get3A_869 = vector.shape_cast %get3A_868 : vector<1x1x16xf32> to vector<16xf32>
      %get3A_870 = arith.constant 1 : i32
      %get3A_871 = arith.index_cast %get3A_870 : i32 to index
      %get3A_872 = arith.index_cast %add3A_801 : i32 to index
      %get3A_873 = arith.constant 32 : index
      %get3A_874 = tpu.vector_load %arg14[%get3A_871, %get3A_872, %get3A_873] {strides = array<i32>} : memref<2x128x64xf32, #tpu.memory_space<vmem>>, vector<1x1x16xf32>,
      %get3A_875 = vector.shape_cast %get3A_874 : vector<1x1x16xf32> to vector<16xf32>
      %sub3A_876 = arith.subf %get3A_869, %get3A_875 : vector<16xf32>
      %mul3A_877 = arith.mulf %get3A_863, %sub3A_876 : vector<16xf32>
      %add3A_878 = arith.addf %add3A_851, %mul3A_877 : vector<16xf32>
      %mul3A_879 = arith.mulf %get3A_863, %get3A_863 : vector<16xf32>
      %mul3A_880 = arith.mulf %get3A_869, %get3A_869 : vector<16xf32>
      %add3A_881 = arith.addf %mul3A_879, %mul3A_880 : vector<16xf32>
      %mul3A_882 = arith.mulf %get3A_875, %get3A_875 : vector<16xf32>
      %add3A_883 = arith.addf %add3A_881, %mul3A_882 : vector<16xf32>
      %add3A_884 = arith.addf %add3A_857, %add3A_883 : vector<16xf32>
      %get3A_885 = arith.constant 1 : i32
      %get3A_886 = arith.index_cast %get3A_885 : i32 to index
      %get3A_887 = arith.index_cast %add3A_801 : i32 to index
      %get3A_888 = arith.constant 48 : index
      %get3A_889 = tpu.vector_load %arg12[%get3A_886, %get3A_887, %get3A_888] {strides = array<i32>} : memref<2x128x64xf32, #tpu.memory_space<vmem>>, vector<1x1x16xf32>,
      %get3A_890 = vector.shape_cast %get3A_889 : vector<1x1x16xf32> to vector<16xf32>
      %get3A_891 = arith.constant 1 : i32
      %get3A_892 = arith.index_cast %get3A_891 : i32 to index
      %get3A_893 = arith.index_cast %add3A_801 : i32 to index
      %get3A_894 = arith.constant 48 : index
      %get3A_895 = tpu.vector_load %arg13[%get3A_892, %get3A_893, %get3A_894] {strides = array<i32>} : memref<2x128x64xf32, #tpu.memory_space<vmem>>, vector<1x1x16xf32>,
      %get3A_896 = vector.shape_cast %get3A_895 : vector<1x1x16xf32> to vector<16xf32>
      %get3A_897 = arith.constant 1 : i32
      %get3A_898 = arith.index_cast %get3A_897 : i32 to index
      %get3A_899 = arith.index_cast %add3A_801 : i32 to index
      %get3A_900 = arith.constant 48 : index
      %get3A_901 = tpu.vector_load %arg14[%get3A_898, %get3A_899, %get3A_900] {strides = array<i32>} : memref<2x128x64xf32, #tpu.memory_space<vmem>>, vector<1x1x16xf32>,
      %get3A_902 = vector.shape_cast %get3A_901 : vector<1x1x16xf32> to vector<16xf32>
      %sub3A_903 = arith.subf %get3A_896, %get3A_902 : vector<16xf32>
      %mul3A_904 = arith.mulf %get3A_890, %sub3A_903 : vector<16xf32>
      %add3A_905 = arith.addf %add3A_878, %mul3A_904 : vector<16xf32>
      %mul3A_906 = arith.mulf %get3A_890, %get3A_890 : vector<16xf32>
      %mul3A_907 = arith.mulf %get3A_896, %get3A_896 : vector<16xf32>
      %add3A_908 = arith.addf %mul3A_906, %mul3A_907 : vector<16xf32>
      %mul3A_909 = arith.mulf %get3A_902, %get3A_902 : vector<16xf32>
      %add3A_910 = arith.addf %add3A_908, %mul3A_909 : vector<16xf32>
      %add3A_911 = arith.addf %add3A_884, %add3A_910 : vector<16xf32>
      %add3A_912 = arith.constant 384 : i32
      %add3A_913 = arith.addi %add3A_912, %add3A_801 : i32
      %swap3A_914 = arith.index_cast %add3A_913 : i32 to index
      %swap3A_915 = arith.constant 0 : index
      %swap3A_916 = tpu.vector_load %arg15[%swap3A_914, %swap3A_915] {strides = array<i32>} : memref<512x16xf32, #tpu.memory_space<vmem>>, vector<1x16xf32>,
      %swap3A_917 = vector.shape_cast %swap3A_916 : vector<1x16xf32> to vector<16xf32>
      %swap3A_918 = vector.shape_cast %add3A_905 : vector<16xf32> to vector<1x16xf32>
      tpu.vector_store %arg15[%swap3A_914, %swap3A_915], %swap3A_918 {strides = array<i32>} : memref<512x16xf32, #tpu.memory_space<vmem>>, vector<1x16xf32>,
      %mul3A_919 = arith.constant 4 : i32
      %mul3A_920 = arith.muli %scan3A_556, %mul3A_919 : i32
      %add3A_921 = arith.constant 3 : i32
      %add3A_922 = arith.addi %mul3A_920, %add3A_921 : i32
      %broadcast_in_dim3A_923 = arith.constant 0.000000e+00 : f32
      %broadcast_in_dim3A_924 = vector.broadcast %broadcast_in_dim3A_923 : f32 to vector<16xf32>
      %get3A_925 = arith.constant 1 : i32
      %get3A_926 = arith.index_cast %get3A_925 : i32 to index
      %get3A_927 = arith.index_cast %add3A_922 : i32 to index
      %get3A_928 = arith.constant 0 : index
      %get3A_929 = tpu.vector_load %arg12[%get3A_926, %get3A_927, %get3A_928] {strides = array<i32>} : memref<2x128x64xf32, #tpu.memory_space<vmem>>, vector<1x1x16xf32>,
      %get3A_930 = vector.shape_cast %get3A_929 : vector<1x1x16xf32> to vector<16xf32>
      %get3A_931 = arith.constant 1 : i32
      %get3A_932 = arith.index_cast %get3A_931 : i32 to index
      %get3A_933 = arith.index_cast %add3A_922 : i32 to index
      %get3A_934 = arith.constant 0 : index
      %get3A_935 = tpu.vector_load %arg13[%get3A_932, %get3A_933, %get3A_934] {strides = array<i32>} : memref<2x128x64xf32, #tpu.memory_space<vmem>>, vector<1x1x16xf32>,
      %get3A_936 = vector.shape_cast %get3A_935 : vector<1x1x16xf32> to vector<16xf32>
      %get3A_937 = arith.constant 1 : i32
      %get3A_938 = arith.index_cast %get3A_937 : i32 to index
      %get3A_939 = arith.index_cast %add3A_922 : i32 to index
      %get3A_940 = arith.constant 0 : index
      %get3A_941 = tpu.vector_load %arg14[%get3A_938, %get3A_939, %get3A_940] {strides = array<i32>} : memref<2x128x64xf32, #tpu.memory_space<vmem>>, vector<1x1x16xf32>,
      %get3A_942 = vector.shape_cast %get3A_941 : vector<1x1x16xf32> to vector<16xf32>
      %sub3A_943 = arith.subf %get3A_936, %get3A_942 : vector<16xf32>
      %mul3A_944 = arith.mulf %get3A_930, %sub3A_943 : vector<16xf32>
      %add3A_945 = arith.addf %broadcast_in_dim3A_924, %mul3A_944 : vector<16xf32>
      %mul3A_946 = arith.mulf %get3A_930, %get3A_930 : vector<16xf32>
      %mul3A_947 = arith.mulf %get3A_936, %get3A_936 : vector<16xf32>
      %add3A_948 = arith.addf %mul3A_946, %mul3A_947 : vector<16xf32>
      %mul3A_949 = arith.mulf %get3A_942, %get3A_942 : vector<16xf32>
      %add3A_950 = arith.addf %add3A_948, %mul3A_949 : vector<16xf32>
      %add3A_951 = arith.addf %add3A_911, %add3A_950 : vector<16xf32>
      %get3A_952 = arith.constant 1 : i32
      %get3A_953 = arith.index_cast %get3A_952 : i32 to index
      %get3A_954 = arith.index_cast %add3A_922 : i32 to index
      %get3A_955 = arith.constant 16 : index
      %get3A_956 = tpu.vector_load %arg12[%get3A_953, %get3A_954, %get3A_955] {strides = array<i32>} : memref<2x128x64xf32, #tpu.memory_space<vmem>>, vector<1x1x16xf32>,
      %get3A_957 = vector.shape_cast %get3A_956 : vector<1x1x16xf32> to vector<16xf32>
      %get3A_958 = arith.constant 1 : i32
      %get3A_959 = arith.index_cast %get3A_958 : i32 to index
      %get3A_960 = arith.index_cast %add3A_922 : i32 to index
      %get3A_961 = arith.constant 16 : index
      %get3A_962 = tpu.vector_load %arg13[%get3A_959, %get3A_960, %get3A_961] {strides = array<i32>} : memref<2x128x64xf32, #tpu.memory_space<vmem>>, vector<1x1x16xf32>,
      %get3A_963 = vector.shape_cast %get3A_962 : vector<1x1x16xf32> to vector<16xf32>
      %get3A_964 = arith.constant 1 : i32
      %get3A_965 = arith.index_cast %get3A_964 : i32 to index
      %get3A_966 = arith.index_cast %add3A_922 : i32 to index
      %get3A_967 = arith.constant 16 : index
      %get3A_968 = tpu.vector_load %arg14[%get3A_965, %get3A_966, %get3A_967] {strides = array<i32>} : memref<2x128x64xf32, #tpu.memory_space<vmem>>, vector<1x1x16xf32>,
      %get3A_969 = vector.shape_cast %get3A_968 : vector<1x1x16xf32> to vector<16xf32>
      %sub3A_970 = arith.subf %get3A_963, %get3A_969 : vector<16xf32>
      %mul3A_971 = arith.mulf %get3A_957, %sub3A_970 : vector<16xf32>
      %add3A_972 = arith.addf %add3A_945, %mul3A_971 : vector<16xf32>
      %mul3A_973 = arith.mulf %get3A_957, %get3A_957 : vector<16xf32>
      %mul3A_974 = arith.mulf %get3A_963, %get3A_963 : vector<16xf32>
      %add3A_975 = arith.addf %mul3A_973, %mul3A_974 : vector<16xf32>
      %mul3A_976 = arith.mulf %get3A_969, %get3A_969 : vector<16xf32>
      %add3A_977 = arith.addf %add3A_975, %mul3A_976 : vector<16xf32>
      %add3A_978 = arith.addf %add3A_951, %add3A_977 : vector<16xf32>
      %get3A_979 = arith.constant 1 : i32
      %get3A_980 = arith.index_cast %get3A_979 : i32 to index
      %get3A_981 = arith.index_cast %add3A_922 : i32 to index
      %get3A_982 = arith.constant 32 : index
      %get3A_983 = tpu.vector_load %arg12[%get3A_980, %get3A_981, %get3A_982] {strides = array<i32>} : memref<2x128x64xf32, #tpu.memory_space<vmem>>, vector<1x1x16xf32>,
      %get3A_984 = vector.shape_cast %get3A_983 : vector<1x1x16xf32> to vector<16xf32>
      %get3A_985 = arith.constant 1 : i32
      %get3A_986 = arith.index_cast %get3A_985 : i32 to index
      %get3A_987 = arith.index_cast %add3A_922 : i32 to index
      %get3A_988 = arith.constant 32 : index
      %get3A_989 = tpu.vector_load %arg13[%get3A_986, %get3A_987, %get3A_988] {strides = array<i32>} : memref<2x128x64xf32, #tpu.memory_space<vmem>>, vector<1x1x16xf32>,
      %get3A_990 = vector.shape_cast %get3A_989 : vector<1x1x16xf32> to vector<16xf32>
      %get3A_991 = arith.constant 1 : i32
      %get3A_992 = arith.index_cast %get3A_991 : i32 to index
      %get3A_993 = arith.index_cast %add3A_922 : i32 to index
      %get3A_994 = arith.constant 32 : index
      %get3A_995 = tpu.vector_load %arg14[%get3A_992, %get3A_993, %get3A_994] {strides = array<i32>} : memref<2x128x64xf32, #tpu.memory_space<vmem>>, vector<1x1x16xf32>,
      %get3A_996 = vector.shape_cast %get3A_995 : vector<1x1x16xf32> to vector<16xf32>
      %sub3A_997 = arith.subf %get3A_990, %get3A_996 : vector<16xf32>
      %mul3A_998 = arith.mulf %get3A_984, %sub3A_997 : vector<16xf32>
      %add3A_999 = arith.addf %add3A_972, %mul3A_998 : vector<16xf32>
      %mul3A_1000 = arith.mulf %get3A_984, %get3A_984 : vector<16xf32>
      %mul3A_1001 = arith.mulf %get3A_990, %get3A_990 : vector<16xf32>
      %add3A_1002 = arith.addf %mul3A_1000, %mul3A_1001 : vector<16xf32>
      %mul3A_1003 = arith.mulf %get3A_996, %get3A_996 : vector<16xf32>
      %add3A_1004 = arith.addf %add3A_1002, %mul3A_1003 : vector<16xf32>
      %add3A_1005 = arith.addf %add3A_978, %add3A_1004 : vector<16xf32>
      %get3A_1006 = arith.constant 1 : i32
      %get3A_1007 = arith.index_cast %get3A_1006 : i32 to index
      %get3A_1008 = arith.index_cast %add3A_922 : i32 to index
      %get3A_1009 = arith.constant 48 : index
      %get3A_1010 = tpu.vector_load %arg12[%get3A_1007, %get3A_1008, %get3A_1009] {strides = array<i32>} : memref<2x128x64xf32, #tpu.memory_space<vmem>>, vector<1x1x16xf32>,
      %get3A_1011 = vector.shape_cast %get3A_1010 : vector<1x1x16xf32> to vector<16xf32>
      %get3A_1012 = arith.constant 1 : i32
      %get3A_1013 = arith.index_cast %get3A_1012 : i32 to index
      %get3A_1014 = arith.index_cast %add3A_922 : i32 to index
      %get3A_1015 = arith.constant 48 : index
      %get3A_1016 = tpu.vector_load %arg13[%get3A_1013, %get3A_1014, %get3A_1015] {strides = array<i32>} : memref<2x128x64xf32, #tpu.memory_space<vmem>>, vector<1x1x16xf32>,
      %get3A_1017 = vector.shape_cast %get3A_1016 : vector<1x1x16xf32> to vector<16xf32>
      %get3A_1018 = arith.constant 1 : i32
      %get3A_1019 = arith.index_cast %get3A_1018 : i32 to index
      %get3A_1020 = arith.index_cast %add3A_922 : i32 to index
      %get3A_1021 = arith.constant 48 : index
      %get3A_1022 = tpu.vector_load %arg14[%get3A_1019, %get3A_1020, %get3A_1021] {strides = array<i32>} : memref<2x128x64xf32, #tpu.memory_space<vmem>>, vector<1x1x16xf32>,
      %get3A_1023 = vector.shape_cast %get3A_1022 : vector<1x1x16xf32> to vector<16xf32>
      %sub3A_1024 = arith.subf %get3A_1017, %get3A_1023 : vector<16xf32>
      %mul3A_1025 = arith.mulf %get3A_1011, %sub3A_1024 : vector<16xf32>
      %add3A_1026 = arith.addf %add3A_999, %mul3A_1025 : vector<16xf32>
      %mul3A_1027 = arith.mulf %get3A_1011, %get3A_1011 : vector<16xf32>
      %mul3A_1028 = arith.mulf %get3A_1017, %get3A_1017 : vector<16xf32>
      %add3A_1029 = arith.addf %mul3A_1027, %mul3A_1028 : vector<16xf32>
      %mul3A_1030 = arith.mulf %get3A_1023, %get3A_1023 : vector<16xf32>
      %add3A_1031 = arith.addf %add3A_1029, %mul3A_1030 : vector<16xf32>
      %add3A_1032 = arith.addf %add3A_1005, %add3A_1031 : vector<16xf32>
      %add3A_1033 = arith.constant 384 : i32
      %add3A_1034 = arith.addi %add3A_1033, %add3A_922 : i32
      %swap3A_1035 = arith.index_cast %add3A_1034 : i32 to index
      %swap3A_1036 = arith.constant 0 : index
      %swap3A_1037 = tpu.vector_load %arg15[%swap3A_1035, %swap3A_1036] {strides = array<i32>} : memref<512x16xf32, #tpu.memory_space<vmem>>, vector<1x16xf32>,
      %swap3A_1038 = vector.shape_cast %swap3A_1037 : vector<1x16xf32> to vector<16xf32>
      %swap3A_1039 = vector.shape_cast %add3A_1026 : vector<16xf32> to vector<1x16xf32>
      tpu.vector_store %arg15[%swap3A_1035, %swap3A_1036], %swap3A_1039 {strides = array<i32>} : memref<512x16xf32, #tpu.memory_space<vmem>>, vector<1x16xf32>,
      scf.yield %add3A_1032 : vector<16xf32>
    }
    %scan3A_552 = arith.constant 32 : i32
    %swap3A = arith.constant 0 : index
    %swap3A_553 = tpu.vector_load %arg16[%swap3A] {strides = array<i32>} : memref<16xf32, #tpu.memory_space<vmem>>, vector<16xf32>,
    %swap3A_554 = vector.shape_cast %swap3A_553 : vector<16xf32> to vector<16xf32>
    %swap3A_555 = vector.shape_cast %scan3A_551 : vector<16xf32> to vector<16xf32>
    tpu.vector_store %arg16[%swap3A], %swap3A_555 {strides = array<i32>} : memref<16xf32, #tpu.memory_space<vmem>>, vector<16xf32>,
    "tpu.region"() ({
      %run_scoped3A = tpu.sem_alloc : memref<!tpu.dma_semaphore, #tpu.memory_space<semaphore_mem>>
      %dma_start3A_556 = arith.constant 0 : i32
      %dma_start3A_557 = arith.constant 0 : i32
      %dma_start3A_558 = tpu.memref_slice %arg7[%add3A, %dma_start3A_556, %dma_start3A_557] : memref<32x512x16xf32, #tpu.memory_space<hbm>> -> memref<1x512x16xf32, #tpu.memory_space<hbm>>
      %dma_start3A_559 = tpu.memref_squeeze %dma_start3A_558 : memref<1x512x16xf32, #tpu.memory_space<hbm>> -> memref<512x16xf32, #tpu.memory_space<hbm>>
      %dma_start3A_560 = arith.constant 0 : i32
      %dma_start3A_561 = arith.constant 0 : i32
      %dma_start3A_562 = tpu.memref_slice %arg7[%add3A, %dma_start3A_560, %dma_start3A_561] : memref<32x512x16xf32, #tpu.memory_space<hbm>> -> memref<1x512x16xf32, #tpu.memory_space<hbm>>
      %dma_start3A_563 = tpu.memref_squeeze %dma_start3A_562 : memref<1x512x16xf32, #tpu.memory_space<hbm>> -> memref<512x16xf32, #tpu.memory_space<hbm>>
      tpu.enqueue_dma source(%arg15 : memref<512x16xf32, #tpu.memory_space<vmem>>) target(%dma_start3A_563 : memref<512x16xf32, #tpu.memory_space<hbm>>) target_semaphore(%run_scoped3A : memref<!tpu.dma_semaphore, #tpu.memory_space<semaphore_mem>>)
      %dma_wait3A_564 = arith.constant 0 : i32
      %dma_wait3A_565 = arith.constant 0 : i32
      %dma_wait3A_566 = tpu.memref_slice %arg7[%add3A, %dma_wait3A_564, %dma_wait3A_565] : memref<32x512x16xf32, #tpu.memory_space<hbm>> -> memref<1x512x16xf32, #tpu.memory_space<hbm>>
      %dma_wait3A_567 = tpu.memref_squeeze %dma_wait3A_566 : memref<1x512x16xf32, #tpu.memory_space<hbm>> -> memref<512x16xf32, #tpu.memory_space<hbm>>
      %dma_wait3A_568 = arith.constant 0 : i32
      %dma_wait3A_569 = arith.constant 0 : i32
      %dma_wait3A_570 = tpu.memref_slice %arg7[%add3A, %dma_wait3A_568, %dma_wait3A_569] : memref<32x512x16xf32, #tpu.memory_space<hbm>> -> memref<1x512x16xf32, #tpu.memory_space<hbm>>
      %dma_wait3A_571 = tpu.memref_squeeze %dma_wait3A_570 : memref<1x512x16xf32, #tpu.memory_space<hbm>> -> memref<512x16xf32, #tpu.memory_space<hbm>>
      tpu.wait_dma2 semaphore(%run_scoped3A : memref<!tpu.dma_semaphore, #tpu.memory_space<semaphore_mem>>) src(%arg15 : memref<512x16xf32, #tpu.memory_space<vmem>>) dst(%dma_wait3A_571 : memref<512x16xf32, #tpu.memory_space<hbm>>)
      tpu.yield
    }) : () -> ()
    "tpu.region"() ({
      %run_scoped3A = tpu.sem_alloc : memref<!tpu.dma_semaphore, #tpu.memory_space<semaphore_mem>>
      %dma_start3A_556 = arith.constant 0 : i32
      %dma_start3A_557 = tpu.memref_slice %arg8[%add3A, %dma_start3A_556] : memref<32x16xf32, #tpu.memory_space<hbm>> -> memref<1x16xf32, #tpu.memory_space<hbm>>
      %dma_start3A_558 = tpu.memref_squeeze %dma_start3A_557 : memref<1x16xf32, #tpu.memory_space<hbm>> -> memref<16xf32, #tpu.memory_space<hbm>>
      %dma_start3A_559 = arith.constant 0 : i32
      %dma_start3A_560 = tpu.memref_slice %arg8[%add3A, %dma_start3A_559] : memref<32x16xf32, #tpu.memory_space<hbm>> -> memref<1x16xf32, #tpu.memory_space<hbm>>
      %dma_start3A_561 = tpu.memref_squeeze %dma_start3A_560 : memref<1x16xf32, #tpu.memory_space<hbm>> -> memref<16xf32, #tpu.memory_space<hbm>>
      tpu.enqueue_dma source(%arg16 : memref<16xf32, #tpu.memory_space<vmem>>) target(%dma_start3A_561 : memref<16xf32, #tpu.memory_space<hbm>>) target_semaphore(%run_scoped3A : memref<!tpu.dma_semaphore, #tpu.memory_space<semaphore_mem>>)
      %dma_wait3A_562 = arith.constant 0 : i32
      %dma_wait3A_563 = tpu.memref_slice %arg8[%add3A, %dma_wait3A_562] : memref<32x16xf32, #tpu.memory_space<hbm>> -> memref<1x16xf32, #tpu.memory_space<hbm>>
      %dma_wait3A_564 = tpu.memref_squeeze %dma_wait3A_563 : memref<1x16xf32, #tpu.memory_space<hbm>> -> memref<16xf32, #tpu.memory_space<hbm>>
      %dma_wait3A_565 = arith.constant 0 : i32
      %dma_wait3A_566 = tpu.memref_slice %arg8[%add3A, %dma_wait3A_565] : memref<32x16xf32, #tpu.memory_space<hbm>> -> memref<1x16xf32, #tpu.memory_space<hbm>>
      %dma_wait3A_567 = tpu.memref_squeeze %dma_wait3A_566 : memref<1x16xf32, #tpu.memory_space<hbm>> -> memref<16xf32, #tpu.memory_space<hbm>>
      tpu.wait_dma2 semaphore(%run_scoped3A : memref<!tpu.dma_semaphore, #tpu.memory_space<semaphore_mem>>) src(%arg16 : memref<16xf32, #tpu.memory_space<vmem>>) dst(%dma_wait3A_567 : memref<16xf32, #tpu.memory_space<hbm>>)
      tpu.yield
    }) : () -> ()
    return
  }
}

module attributes {stable_mosaic.version = 14 : i64} {
  func.func @_tc_body(%arg0: memref<2048x128xf32, #tpu.memory_space<vmem>>, %arg1: memref<128x128xf32, #tpu.memory_space<vmem>>, %arg2: memref<4x128xf32, #tpu.memory_space<vmem>>, %arg3: memref<1x1xf32, #tpu.memory_space<smem>>) attributes {dimension_semantics = [], scalar_prefetch = 0 : i64, scratch_operands = 0 : i64, tpu.core_type = #tpu.core_type<tc>} {
    %get3A = arith.constant 0 : index
    %get3A_0 = arith.constant 0 : index
    %get3A_1 = vector.load %arg0[%get3A, %get3A_0] : memref<2048x128xf32, #tpu.memory_space<vmem>>, vector<2048x128xf32>
    %get3A_2 = arith.constant 0 : index
    %get3A_3 = arith.constant 0 : index
    %get3A_4 = vector.load %arg1[%get3A_2, %get3A_3] : memref<128x128xf32, #tpu.memory_space<vmem>>, vector<128x128xf32>
    %dot_general3A = arith.constant dense<0.000000e+00> : vector<2048x128xf32>
    %dot_general3A_5 = tpu.matmul %get3A_1, %get3A_4, %dot_general3A {dimension_numbers = #tpu.dot_dimension_numbers<[1], [0], [0], [1], [0, 0, 1, 1], [], []>, precision = #tpu.contract_precision<fp32>, transpose_lhs_hint = false} : vector<2048x128xf32>, vector<128x128xf32>, vector<2048x128xf32> -> vector<2048x128xf32>
    %ge3A = arith.constant 0.000000e+00 : f32
    %ge3A_6 = vector.broadcast %ge3A : f32 to vector<2048x128xf32>
    %ge3A_7 = arith.cmpf oge, %dot_general3A_5, %ge3A_6 : vector<2048x128xf32>
    %neg3A = arith.constant 0.000000e+00 : f32
    %neg3A_8 = vector.broadcast %neg3A : f32 to vector<2048x128xf32>
    %neg3A_9 = arith.subf %neg3A_8, %dot_general3A_5 : vector<2048x128xf32>
    %exp3A = math.exp %neg3A_9 : vector<2048x128xf32>
    %log1p3A = math.log1p %exp3A : vector<2048x128xf32>
    %neg3A_10 = arith.constant 0.000000e+00 : f32
    %neg3A_11 = vector.broadcast %neg3A_10 : f32 to vector<2048x128xf32>
    %neg3A_12 = arith.subf %neg3A_11, %log1p3A : vector<2048x128xf32>
    %exp3A_13 = math.exp %dot_general3A_5 : vector<2048x128xf32>
    %log1p3A_14 = math.log1p %exp3A_13 : vector<2048x128xf32>
    %sub3A = arith.subf %dot_general3A_5, %log1p3A_14 : vector<2048x128xf32>
    %select_n3A = arith.select %ge3A_7, %neg3A_12, %sub3A : vector<2048x128xi1>, vector<2048x128xf32>
    %iota3A = tpu.iota {dimensions = array<i32: 1>} : vector<2048x128xi32>
    %lt3A = arith.constant 8 : i32
    %lt3A_15 = vector.broadcast %lt3A : i32 to vector<2048x128xi32>
    %lt3A_16 = arith.cmpi slt, %iota3A, %lt3A_15 : vector<2048x128xi32>
    %jit3A = arith.constant 0.000000e+00 : f32
    %broadcast_in_dim3A = vector.broadcast %jit3A : f32 to vector<2048x128xf32>
    %select_n3A_17 = arith.select %lt3A_16, %select_n3A, %broadcast_in_dim3A : vector<2048x128xi1>, vector<2048x128xf32>
    %get3A_18 = arith.constant 0 : index
    %get3A_19 = arith.constant 0 : index
    %get3A_20 = vector.load %arg2[%get3A_18, %get3A_19] : memref<4x128xf32, #tpu.memory_space<vmem>>, vector<4x128xf32>
    %reduce_sum3A = vector.shape_cast %get3A_20 : vector<4x128xf32> to vector<1x4x128xf32>
    %reduce_sum3A_21 = arith.constant dense<0.000000e+00> : vector<1xf32>
    %reduce_sum3A_22 = vector.multi_reduction <add>, %reduce_sum3A, %reduce_sum3A_21 [1, 2] : vector<1x4x128xf32> to vector<1xf32>
    %reduce_sum3A_23 = vector.shape_cast %reduce_sum3A_22 : vector<1xf32> to vector<1x1x1xf32>
    %reduce_sum3A_24 = vector.extract %reduce_sum3A_23[0, 0, 0] : f32 from vector<1x1x1xf32>
    %mul3A = arith.constant 0.00999999977 : f32
    %mul3A_25 = arith.mulf %mul3A, %reduce_sum3A_24 : f32
    %reduce_sum3A_26 = vector.shape_cast %select_n3A_17 : vector<2048x128xf32> to vector<1x2048x128xf32>
    %reduce_sum3A_27 = arith.constant dense<0.000000e+00> : vector<1xf32>
    %reduce_sum3A_28 = vector.multi_reduction <add>, %reduce_sum3A_26, %reduce_sum3A_27 [1, 2] : vector<1x2048x128xf32> to vector<1xf32>
    %reduce_sum3A_29 = vector.shape_cast %reduce_sum3A_28 : vector<1xf32> to vector<1x1x1xf32>
    %reduce_sum3A_30 = vector.extract %reduce_sum3A_29[0, 0, 0] : f32 from vector<1x1x1xf32>
    %sub3A_31 = arith.subf %mul3A_25, %reduce_sum3A_30 : f32
    %swap3A = arith.constant 0 : index
    %swap3A_32 = arith.constant 0 : index
    %swap3A_33 = memref.load %arg3[%swap3A, %swap3A_32] : memref<1x1xf32, #tpu.memory_space<smem>>
    memref.store %sub3A_31, %arg3[%swap3A, %swap3A_32] : memref<1x1xf32, #tpu.memory_space<smem>>
    return
  }
}

</mosaic_0001>

<sc_bundles>
// kernel: kernel.4.cloned.1.call-start
scs
__scs_entry_jumppad:
0x0: {  	(pc) =	sbr.rel $0x88, $3  }
0x1: {  	(tag) =	ssettag $0x0;
	lr =	simm.s32 $0x1  }
0x2: {  	[smem:$0x3F9C] =	sst lr;
	_ =	strace $0xD0000000  }
0x3: {  	_ = 	snop  }
0x4: {  	_ = 	snop  }
0x5: {  	_ = 	snop  }
0x6: {  	_ = 	snop  }
0x7: {  	_ = 	snop  }
__scs_overlays_trampoline_lowered:
0x8: {  	[smem:$0x3FAB] =	sst s0  }
0x9: {  	[smem:$0x3FAC] =	sst s1  }
0xa: {  	[smem:$0x3FAD] =	sst s2  }
0xb: {  	[smem:$0x3FAE] =	sst s3  }
0xc: {  	[smem:$0x3FAF] =	sst s4  }
0xd: {  	[smem:$0x3FB0] =	sst s5  }
0xe: {  	[smem:$0x3FB1] =	sst s6  }
0xf: {  	[smem:$0x3FB2] =	sst s7  }
0x10: {  	[smem:$0x3FB3] =	sst s8  }
0x11: {  	[smem:$0x3FB4] =	sst s9;
	s0 =	simm.s32 @!p0 $0x0  }
0x12: {  	s1 =	sld [smem:$0x3F9A];
	s0 =	simm.s32 @p0 $0x1  }
0x13: {  	[smem:$0x3FB5] =	sst s0;
	s0 =	simm.s32 @!p1 $0x0  }
0x14: {  	s2 =	sld [smem:$0x3F99];
	s0 =	simm.s32 @p1 $0x1  }
0x15: {  	[smem:$0x3FB6] =	sst s0;
	s0 =	simm.s32 @!p2 $0x0  }
0x16: {  	s3 =	sld [smem:$0x3FDB];
	s0 =	simm.s32 @p2 $0x1  }
0x17: {  	s4 =	simm.s32 $0x1BF5;
	[smem:$0x3FB8] =	sst s0  }
0x18: {  	s0 =	sld [smem:$0x3F9B];
	_ =	swait.ge [sflag:s4], $0x0  }
0x19: {  	s7 =	sld [smem:$0x3F9C]  }
0x1a: {  	s8 =	sadd.s32 $0xFFFFE003, lr  }
0x1b: {  	s9 =	sadd.s32 $0xFFFFFEF7, lr;
	s5 =	simm.s32 $0xFFFFFFFF;
	p2 =	slt.u32 s8, $0xFFFFF086  }
0x1c: {  	p1 =	slt.u32 s9, $0xF7A;
	s5 =	simm.s32 @!p2 $0x0  }
0x1d: {  	s5 =	simm.s32 @p1 $0x1;
	p0 =	seq.s32 s7, s2  }
0x1e: {  	s7 =	smul.u32 @!p0 $0xF7A, s2;
	p2 =	seq.s32 @!p0 s5, $0x0  }
0x1f: {  	s9 =	smul.u32 $0xF7A, s1;
	s8 =	simm.s32 @!p0 $0x1BF5;
	p2 =	por !p2, p0  }
0x20: {  	[sflag:s8] =	ssyncset.s32 @!p0 $0xFFFFF086;
	s6 =	sadd.s32 @!p0 s3, s7;
	s7 =	simm.s32 @!p0 $0x108  }
0x21: {  	s3 =	sadd.s32 s3, s9;
	s6 =	sadd.s32 @!p0 $0x88, s6;
	s7 =	simm.s32 @p2 $0x1082  }
0x22: {  	[simem:s7], [sflag:s8] =	dma.local @!p0 [hbm:s6], $0xF7A  }
0x23: {  	s9 =	sor.u32 $0xD0000000, s2;
	s6 =	simm.s32 $0x108;
	_ =	swait.ge @!p0 [sflag:s8], $0x0  }
0x24: {  	s3 =	sadd.s32 $0x88, s3;
	s6 =	simm.s32 @!p1 $0x1082;
	[sflag:s4] =	ssyncset.s32 $0xFFFFF086  }
0x25: {  	[simem:s6], [sflag:s4] =	dma.local [hbm:s3], $0xF7A  }
0x26: {  	[smem:$0x3F9C] =	sst s1;
	(tag) =	ssettag s2;
	_ =	strace s9  }
0x27: {  	s1 =	sld [smem:$0x3FAC]  }
0x28: {  	s2 =	sld [smem:$0x3FAD]  }
0x29: {  	s4 =	sld [smem:$0x3FAF]  }
0x2a: {  	p0 =	seq.s32 s5, $0x0;
	s5 =	sld [smem:$0x3FB0]  }
0x2b: {  	s6 =	sld [smem:$0x3FB1]  }
0x2c: {  	s7 =	sld [smem:$0x3FB2]  }
0x2d: {  	s3 =	simm.s32 $0x108;
	s8 =	sld [smem:$0x3FB3]  }
0x2e: {  	s3 =	simm.s32 @!p0 $0x1082;
	s9 =	sld [smem:$0x3FB4]  }
0x2f: {  	lr =	sadd.s32 s0, s3;
	s0 =	sld [smem:$0x3FAB]  }
0x30: {  	s3 =	sld [smem:$0x3FAE]  }
0x31: {  	[smem:$0x3FB7] =	sst s10  }
0x32: {  	s10 =	sld [smem:$0x3FB5];
	_ =	sdelay $0x3  }
0x33: {  	p0 =	seq.s32 s10, $0x1;
	s10 =	sld [smem:$0x3FB7];
	_ =	sdelay $0x3  }
0x34: {  	[smem:$0x3FB7] =	sst s10  }
0x35: {  	s10 =	sld [smem:$0x3FB6];
	_ =	sdelay $0x3  }
0x36: {  	p1 =	seq.s32 s10, $0x1;
	s10 =	sld [smem:$0x3FB7];
	_ =	sdelay $0x3  }
0x37: {  	[smem:$0x3FB7] =	sst s10  }
0x38: {  	s10 =	sld [smem:$0x3FB8]  }
0x39: {  	_ = 	snop;
	(pc) =	sbr.ind lr, $3  }
0x3a: {  	_ = 	snop  }
0x3b: {  	_ = 	snop  }
0x3c: {  	p2 =	seq.s32 s10, $0x1;
	s10 =	sld [smem:$0x3FB7]  }
0x3d: {  	_ =	shalt  }
0x3e: {  	_ =	shalt  }
0x3f: {  	_ =	shalt  }
0x40: {  	_ =	shalt  }
0x41: {  	_ =	shalt  }
0x42: {  	_ =	shalt  }
0x43: {  	_ =	shalt  }
0x44: {  	_ =	shalt  }
0x45: {  	_ =	shalt  }
0x46: {  	_ =	shalt  }
0x47: {  	_ =	shalt  }
0x48: {  	_ =	shalt  }
0x49: {  	_ =	shalt  }
0x4a: {  	_ =	shalt  }
0x4b: {  	_ =	shalt  }
0x4c: {  	_ =	shalt  }
0x4d: {  	_ =	shalt  }
0x4e: {  	_ =	shalt  }
0x4f: {  	_ =	shalt  }
0x50: {  	_ =	shalt  }
0x51: {  	_ =	shalt  }
0x52: {  	_ =	shalt  }
0x53: {  	_ =	shalt  }
0x54: {  	_ =	shalt  }
0x55: {  	_ =	shalt  }
0x56: {  	_ =	shalt  }
0x57: {  	_ =	shalt  }
0x58: {  	_ =	shalt  }
0x59: {  	_ =	shalt  }
0x5a: {  	_ =	shalt  }
0x5b: {  	_ =	shalt  }
0x5c: {  	_ =	shalt  }
0x5d: {  	_ =	shalt  }
0x5e: {  	_ =	shalt  }
0x5f: {  	_ =	shalt  }
0x60: {  	_ =	shalt  }
0x61: {  	_ =	shalt  }
0x62: {  	_ =	shalt  }
0x63: {  	_ =	shalt  }
0x64: {  	_ =	shalt  }
0x65: {  	_ =	shalt  }
0x66: {  	_ =	shalt  }
0x67: {  	_ =	shalt  }
0x68: {  	_ =	shalt  }
0x69: {  	_ =	shalt  }
0x6a: {  	_ =	shalt  }
0x6b: {  	_ =	shalt  }
0x6c: {  	_ =	shalt  }
0x6d: {  	_ =	shalt  }
0x6e: {  	_ =	shalt  }
0x6f: {  	_ =	shalt  }
0x70: {  	_ =	shalt  }
0x71: {  	_ =	shalt  }
0x72: {  	_ =	shalt  }
0x73: {  	_ =	shalt  }
0x74: {  	_ =	shalt  }
0x75: {  	_ =	shalt  }
0x76: {  	_ =	shalt  }
0x77: {  	_ =	shalt  }
0x78: {  	_ =	shalt  }
0x79: {  	_ =	shalt  }
0x7a: {  	_ =	shalt  }
0x7b: {  	_ =	shalt  }
0x7c: {  	_ =	shalt  }
0x7d: {  	_ =	shalt  }
0x7e: {  	_ =	shalt  }
0x7f: {  	_ =	shalt  }
0x80: {  	_ =	shalt  }
0x81: {  	_ =	shalt  }
0x82: {  	_ =	shalt  }
0x83: {  	_ =	shalt  }
0x84: {  	_ =	shalt  }
0x85: {  	_ =	shalt  }
0x86: {  	_ =	shalt  }
0x87: {  	_ =	shalt  }
.Lfunc_end0:
.L_simem_size_0:
called_computation_lowered:
.L_overlay_start_0:
0x88: {  	s2 =	sld [smem:$0x3FD9]  }
0x89: {  	s3 =	sld [smem:$0x3FFE];
	_ =	sdelay $0x1  }
0x8a: {  	s1 =	srdreg.scid  }
0x8b: {  	s0 =	sand.u32 $0x1, s1  }
0x8c: {  	s17 =	sshll.u32 s0, $0xA;
	s2 =	sadd.s32 s3, s2  }
0x8d: {  	s2 =	sadd.s32 s2, s17  }
0x8e: {  	[smem:$0x3FC3] =	sst s2  }
0x8f: {  	_ = 	snop  }
0x90: {  	s2 =	sld [smem:$0x3FC9]  }
0x91: {  	s18 =	sld [smem:$0x3FC8]  }
0x92: {  	s4 =	sld [smem:$0x3FC7];
	(tm) =	ssettm $0x1  }
0x93: {  	s5 =	sld [smem:$0x3FFB];
	_ =	sdelay $0x3  }
0x94: {  	_ =	strace s5  }
0x95: {  	s5 =	sld [smem:$0x3FFC];
	_ =	sdelay $0x3  }
0x96: {  	_ =	strace s5  }
0x97: {  	s5 =	sld [smem:$0x3FFD];
	_ =	sdelay $0x3  }
0x98: {  	_ =	strace s5  }
0x99: {  	_ =	strace $0x8FFFFFFF  }
0x9a: {  	s19 =	sld [smem:$0x3FDB];
	_ =	sdelay $0x1  }
0x9b: {  	s6 =	simm.s32 $_scs_section_size  }
0x9c: {  	s7 =	simm.s32 $_size__tile_overlayer_lowered;
	s8 =	simm.s32 $_tile_overlayer_lowered  }
0x9d: {  	s22 =	simm.s32 $0x1BFF;
	s21 =	sshll.u32 s8, $0x1;
	s5 =	sadd.s32 s6, s19  }
0x9e: {  	s9 =	simm.s32 $0x0;
	s20 =	sshll.u32 s7, $0x1;
	s7 =	sadd.s32 s21, s5  }
0x9f: {  	[timem:s9], [sflag:s22] =	dma.local [hbm:s7], s20  }
0xa0: {  	_ =	swait.ge [sflag:s22], s20  }
0xa1: {  	s6 =	ssub.s32 $0x0, s20;
	[sflag:s22] =	ssyncset.done $0x0  }
0xa2: {  	[sflag:s22] =	ssyncadd.s32 s6;
	_ =	sdelay $0x1  }
0xa3: {  	s23 =	simm.s32 $0x1B8B  }
0xa4: {  	_ =	swait.ge [sflag:s23], $0x1  }
0xa5: {  	[sflag:s23] =	ssyncset.done $0x0  }
0xa6: {  	s25 =	simm.s32 $0x1B8E;
	s24 =	sld [smem:$0x3FFE];
	[sflag:s23] =	ssyncadd.s32 $0xFFFFFFFF  }
0xa7: {  	s26 =	simm.s32 $execute0_lowered;
	[smem:$0x3FD2] =	sst s25  }
0xa8: {  	s7 =	sshll.u32 s26, $0x1;
	_ =	strace $0x80000046;
	[dreg:$0x1] =	wrdreg $0xFFFFFFFF  }
0xa9: {  	s28 =	simm.s32 $_size_execute0_lowered;
	s5 =	sadd.s32 s5, s7;
	[dreg:$0x0] =	wrdreg $0x0  }
0xaa: {  	s7 =	sshll.u32 s28, $0x1;
	[dreg:$0x2] =	wrdreg s5  }
0xab: {  	[dreg:$0x3] =	wrdreg s7  }
0xac: {  	[dreg:$0x4] =	wrdreg $0xC0  }
0xad: {  	_ =	task [dreg:s9], $0x5FFFF  }
0xae: {  	[dreg:$0x1] =	wrdreg $0xFFFFFFFF  }
0xaf: {  	[dreg:$0x0] =	wrdreg $0x60  }
0xb0: {  	[dreg:$0x2] =	wrdreg s2  }
0xb1: {  	[dreg:$0x3] =	wrdreg s18  }
0xb2: {  	[dreg:$0x4] =	wrdreg s4  }
0xb3: {  	[dreg:$0x5] =	wrdreg s24  }
0xb4: {  	[dreg:$0x6] =	wrdreg $0x9  }
0xb5: {  	_ =	task.clear_ibuf [dreg:s9], $0x7FFFF;
	_ =	strace $0x90000046  }
0xb6: {  	s29 =	simm.s32 $0x9;
	_ =	strace $0x80000048  }
0xb7: {  	_ =	swait.ge [sflag:s29], $0x1  }
0xb8: {  	[sflag:s29] =	ssyncadd.s32 $0xFFFFFFFF  }
0xb9: {  	_ =	strace $0x90000048  }
0xba: {  	_ =	sfence  }
0xbb: {  	s30 =	sld [smem:$0x0];
	_ =	sdelay $0x2  }
0xbc: {  	s31 =	sshll.u32 s1, $0xD;
	s1 =	sshrl.u32 s1, $0x2  }
0xbd: {  	s3 =	sand.u32 $0x4000, s31;
	s1 =	sadd.s32 s1, s30  }
0xbe: {  	s0 =	sor.u32 s3, s0;
	s1 =	sshll.u32 s1, $0x11  }
0xbf: {  	s0 =	sor.u32 s1, s0  }
0xc0: {  	s0 =	sadd.s32 $0x8F2B, s0  }
0xc1: {  	[sflag:s0] =	ssyncadd.remote.s32 $0x1  }
0xc2: {  	_ =	sfence.sel $0xFFFF  }
0xc3: {  	[dreg:$0x0] =	wrdreg $0xFFFFFFFF;
	(pc) =	sbr.abs _section_cstart, $3  }
0xc4: {  	[dreg:$0x1] =	wrdreg $0xFFFFFFFF  }
0xc5: {  	_ =	task.clear_ibuf [dreg:s9], $0x2FFFF;
	_ =	strace $0x9FFFFFFF  }
0xc6: {  	(tm) =	ssettm $0x7FFFFFFF  }
0xc7: {  	_ =	shalt  }
tec
execute0_lowered:
.L_overlay_start_1:
0x0: {  	(tag) =	ssettag $0x1  }
0x1: {  	s0 =	rddreg [dreg:$0x0]  }
0x2: {  	s1 =	rddreg [dreg:$0x1]  }
0x3: {  	s16 =	rddreg [dreg:$0x2]  }
0x4: {  	s5 =	rddreg [dreg:$0x3];
	s2 =	simm.s32 $0x0;
	s3 =	srdreg.scid  }
0x5: {  	s4 =	stileid.u32;
	s22 =	simm.s32 $0x8600;
	s23 =	simm.s32 $0x2600  }
0x6: {  	s24 =	simm.s32 $0x6600;
	s25 =	simm.s32 $0xA600;
	s26 =	simm.s32 $0x2  }
0x7: {  	s28 =	simm.s32 $0x0;
	[smem:$0x7FF] =	sst s2;
	s6 =	sand.u32 $0x1, s3  }
0x8: {  	s30 =	sshll.u32 s4, $0x1;
	s3 =	sadd.s32 $0x189200, s5;
	s4 =	sadd.s32 $0x24C800, s5  }
0x9: {  	_ =	strace $0x80000047;
	s7 =	sor.u32 s6, s30;
	s6 =	ssub.s32 $0x2, s6  }
0xa: {  	s8 =	sshll.u32 s7, $0xA;
	s31 =	sshll.u32 s7, $0x1;
	s9 =	sshrl.u32 s6, $0x1  }
0xb: {  	s13 =	sshll.u32 s7, $0x6;
	s17 =	sadd.s32 s8, s5;
	s18 =	sadd.s32 s31, s5  }
0xc: {  	s19 =	ssub.s32 s6, s9;
	s5 =	sadd.s32 s0, s13;
	s14 =	sor.u32 $0x10, s13  }
0xd: {  	s15 =	sor.u32 $0x20, s13;
	s20 =	sor.u32 $0x30, s13;
	s9 =	sadd.s32 s1, s13  }
0xe: {  	s13 =	sadd.s32 s16, s13;
	s6 =	sadd.s32 s0, s14;
	s7 =	sadd.s32 s0, s15  }
0xf: {  	s8 =	sadd.s32 s0, s20;
	s10 =	sadd.s32 s1, s14;
	s11 =	sadd.s32 s1, s15  }
0x10: {  	s12 =	sadd.s32 s1, s20;
	s14 =	sadd.s32 s16, s14;
	s15 =	sadd.s32 s16, s15  }
0x11: {  	s16 =	sadd.s32 s16, s20;
	s17 =	sadd.s32 $0x2800, s17;
	s18 =	sadd.s32 $0xA800, s18  }
0x12: {  	s19 =	smax.u32 s19, $0x1;
	s20 =	simm.s32 $0x80;
	s0 =	simm.s32 $0x1  }
.LBB2_1:
0x13: {  	[tilespmem:s2], [sflag:$0x1] =	stream.linear.gather [hbm4b:s5+s2], $0x80, $0x38;
	[tilespmem:$0xE610] =	vst v63  }
0x14: {  	_ = 	snop  }
0x15: {  	[tilespmem:s20], [sflag:$0x1] =	stream.linear.gather [hbm4b:s6+s2], $0x80, $0x38;
	[tilespmem:$0xE610] =	vst v63  }
0x16: {  	s1 =	simm.s32 $0x100  }
0x17: {  	[tilespmem:s1], [sflag:$0x1] =	stream.linear.gather [hbm4b:s7+s2], $0x80, $0x38;
	[tilespmem:$0xE610] =	vst v63  }
0x18: {  	s21 =	simm.s32 $0x180  }
0x19: {  	[tilespmem:s21], [sflag:$0x1] =	stream.linear.gather [hbm4b:s8+s2], $0x80, $0x38;
	[tilespmem:$0xE610] =	vst v63  }
0x1a: {  	s1 =	simm.s32 $0x200  }
0x1b: {  	[tilespmem:s1], [sflag:$0x1] =	stream.linear.gather [hbm4b:s9+s2], $0x80, $0x38;
	[tilespmem:$0xE610] =	vst v63  }
0x1c: {  	s21 =	simm.s32 $0x280  }
0x1d: {  	[tilespmem:s21], [sflag:$0x1] =	stream.linear.gather [hbm4b:s10+s2], $0x80, $0x38;
	[tilespmem:$0xE610] =	vst v63  }
0x1e: {  	s29 =	simm.s32 $0x300  }
0x1f: {  	[tilespmem:s29], [sflag:$0x1] =	stream.linear.gather [hbm4b:s11+s2], $0x80, $0x38;
	[tilespmem:$0xE610] =	vst v63  }
0x20: {  	s29 =	simm.s32 $0x380  }
0x21: {  	[tilespmem:s29], [sflag:$0x1] =	stream.linear.gather [hbm4b:s12+s2], $0x80, $0x38;
	[tilespmem:$0xE610] =	vst v63  }
0x22: {  	s29 =	simm.s32 $0x400  }
0x23: {  	[tilespmem:s29], [sflag:$0x1] =	stream.linear.gather [hbm4b:s13+s2], $0x80, $0x38;
	[tilespmem:$0xE610] =	vst v63  }
0x24: {  	s30 =	simm.s32 $0x480  }
0x25: {  	[tilespmem:s30], [sflag:$0x1] =	stream.linear.gather [hbm4b:s14+s2], $0x80, $0x38;
	[tilespmem:$0xE610] =	vst v63  }
0x26: {  	s31 =	simm.s32 $0x500  }
0x27: {  	[tilespmem:s31], [sflag:$0x1] =	stream.linear.gather [hbm4b:s15+s2], $0x80, $0x38;
	[tilespmem:$0xE610] =	vst v63  }
0x28: {  	s31 =	simm.s32 $0x580  }
0x29: {  	[tilespmem:s31], [sflag:$0x1] =	stream.linear.gather [hbm4b:s16+s2], $0x80, $0x38;
	[tilespmem:$0xE610] =	vst v63  }
0x2a: {  	_ =	swait.ge [sflag:s0], $0x80  }
0x2b: {  	[sflag:s0] =	ssyncset.done $0x0  }
0x2c: {  	[sflag:s0] =	ssyncadd.s32 $0xFFFFFF80  }
0x2d: {  	_ =	swait.ge [sflag:s0], $0x80  }
0x2e: {  	[sflag:s0] =	ssyncset.done $0x0  }
0x2f: {  	[sflag:s0] =	ssyncadd.s32 $0xFFFFFF80  }
0x30: {  	_ =	swait.ge [sflag:s0], $0x80  }
0x31: {  	[sflag:s0] =	ssyncset.done $0x0  }
0x32: {  	[sflag:s0] =	ssyncadd.s32 $0xFFFFFF80  }
0x33: {  	_ =	swait.ge [sflag:s0], $0x80  }
0x34: {  	[sflag:s0] =	ssyncset.done $0x0  }
0x35: {  	[sflag:s0] =	ssyncadd.s32 $0xFFFFFF80  }
0x36: {  	_ =	swait.ge [sflag:s0], $0x80  }
0x37: {  	[sflag:s0] =	ssyncset.done $0x0  }
0x38: {  	[sflag:s0] =	ssyncadd.s32 $0xFFFFFF80  }
0x39: {  	_ =	swait.ge [sflag:s0], $0x80  }
0x3a: {  	[sflag:s0] =	ssyncset.done $0x0  }
0x3b: {  	[sflag:s0] =	ssyncadd.s32 $0xFFFFFF80  }
0x3c: {  	_ =	swait.ge [sflag:s0], $0x80  }
0x3d: {  	[sflag:s0] =	ssyncset.done $0x0  }
0x3e: {  	[sflag:s0] =	ssyncadd.s32 $0xFFFFFF80  }
0x3f: {  	_ =	swait.ge [sflag:s0], $0x80  }
0x40: {  	[sflag:s0] =	ssyncset.done $0x0  }
0x41: {  	[sflag:s0] =	ssyncadd.s32 $0xFFFFFF80  }
0x42: {  	_ =	swait.ge [sflag:s0], $0x80  }
0x43: {  	[sflag:s0] =	ssyncset.done $0x0  }
0x44: {  	[sflag:s0] =	ssyncadd.s32 $0xFFFFFF80  }
0x45: {  	_ =	swait.ge [sflag:s0], $0x80  }
0x46: {  	[sflag:s0] =	ssyncset.done $0x0  }
0x47: {  	[sflag:s0] =	ssyncadd.s32 $0xFFFFFF80  }
0x48: {  	_ =	swait.ge [sflag:s0], $0x80  }
0x49: {  	[sflag:s0] =	ssyncset.done $0x0  }
0x4a: {  	[sflag:s0] =	ssyncadd.s32 $0xFFFFFF80  }
0x4b: {  	_ =	swait.ge [sflag:s0], $0x80  }
0x4c: {  	[sflag:s0] =	ssyncset.done $0x0  }
0x4d: {  	s31 =	simm.s32 $0x600;
	[sflag:s0] =	ssyncadd.s32 $0xFFFFFF80  }
0x4e: {  	[tilespmem:s31], [sflag:$0x1] =	stream.indirect.gather [hbm4b:s3+s20], $0x40, s2, s20, $0xb8;
	[tilespmem:$0xE610] =	vst v63  }
0x4f: {  	s31 =	simm.s32 $0x4600  }
0x50: {  	[tilespmem:s31], [sflag:$0x1] =	stream.indirect.gather [hbm4b:s4+s20], $0x40, s1, s20, $0xb8;
	[tilespmem:$0xE610] =	vst v63  }
0x51: {  	_ = 	snop  }
0x52: {  	[tilespmem:s22], [sflag:$0x1] =	stream.indirect.gather [hbm4b:s4+s20], $0x40, s29, s20, $0xb8;
	[tilespmem:$0xE610] =	vst v63  }
0x53: {  	_ =	swait.ge [sflag:s0], $0x2000  }
0x54: {  	[sflag:s0] =	ssyncset.done $0x0  }
0x55: {  	[sflag:s0] =	ssyncadd.s32 $0xFFFFE000  }
0x56: {  	_ =	swait.ge [sflag:s0], $0x2000  }
0x57: {  	[sflag:s0] =	ssyncset.done $0x0  }
0x58: {  	[sflag:s0] =	ssyncadd.s32 $0xFFFFE000  }
0x59: {  	_ =	swait.ge [sflag:s0], $0x2000  }
0x5a: {  	[sflag:s0] =	ssyncset.done $0x0  }
0x5b: {  	[sflag:s0] =	ssyncadd.s32 $0xFFFFE000  }
0x5c: {  	[tilespmem:s23], [sflag:$0x1] =	stream.indirect.gather [hbm4b:s3+s20], $0x40, s20, s20, $0xb8;
	[tilespmem:$0xE610] =	vst v63  }
0x5d: {  	_ = 	snop  }
0x5e: {  	[tilespmem:s24], [sflag:$0x1] =	stream.indirect.gather [hbm4b:s4+s20], $0x40, s21, s20, $0xb8;
	[tilespmem:$0xE610] =	vst v63  }
0x5f: {  	_ = 	snop  }
0x60: {  	[tilespmem:s25], [sflag:$0x1] =	stream.indirect.gather [hbm4b:s4+s20], $0x40, s30, s20, $0xb8;
	[tilespmem:$0xE610] =	vst v63  }
0x61: {  	s30 =	simm.s32 $0x0  }
0x62: {  	v0 =	vld [tilespmem:s30+$0x4620]  }
0x63: {  	v1 =	vld [tilespmem:s30+$0x8620]  }
0x64: {  	v2 =	vld [tilespmem:s30+$0x8610]  }
0x65: {  	v3 =	vld [tilespmem:s30+$0x4600]  }
0x66: {  	v4 =	vld [tilespmem:s30+$0x8600]  }
0x67: {  	v5 =	vld [tilespmem:s30+$0x4610]  }
0x68: {  	v6 =	vld [tilespmem:s30+$0x600]  }
0x69: {  	v7 =	vld [tilespmem:s30+$0x610]  }
0x6a: {  	v8 =	vld [tilespmem:s30+$0x620]  }
0x6b: {  	v10 =	vld [tilespmem:s30+$0x8630];
	v9 =	vsub.f32 v3, v4  }
0x6c: {  	v11 =	vld [tilespmem:s30+$0x4630]  }
0x6d: {  	v12 =	vsub.f32 v5, v2;
	v9 =	vmul.f32 v9, v6  }
0x6e: {  	v13 =	vld [tilespmem:s30+$0x630]  }
0x6f: {  	v14 =	vsub.f32 v0, v1;
	v12 =	vmul.f32 v12, v7;
	v9 =	vadd.f32 $0.0e+00, v9;
	_ =	sdelay $0x1  }
0x70: {  	v31 =	vsub.f32 v11, v10;
	v14 =	vmul.f32 v14, v8;
	v9 =	vadd.f32 v12, v9;
	_ =	sdelay $0x1  }
0x71: {  	v12 =	vmul.f32 v31, v13;
	v9 =	vadd.f32 v14, v9;
	_ =	sdelay $0x1  }
0x72: {  	v9 =	vadd.f32 v12, v9  }
0x73: {  	s29 =	simm.s32 $0xC620  }
0x74: {  	[tilespmem:s29+$0xFFFFFFE0] =	vst v9  }
0x75: {  	v9 =	vld [tilespmem:s30+$0x8660]  }
0x76: {  	v32 =	vld [tilespmem:s30+$0x8650]  }
0x77: {  	v33 =	vld [tilespmem:s30+$0x8640]  }
0x78: {  	v15 =	vld [tilespmem:s30+$0x4640]  }
0x79: {  	v16 =	vld [tilespmem:s30+$0x4650]  }
0x7a: {  	v17 =	vld [tilespmem:s30+$0x640]  }
0x7b: {  	v18 =	vld [tilespmem:s30+$0x4660]  }
0x7c: {  	v19 =	vld [tilespmem:s30+$0x650]  }
0x7d: {  	v5 =	vmul.f32 v5, v5;
	v2 =	vmul.f32 v2, v2;
	v20 =	vld [tilespmem:s30+$0x660]  }
0x7e: {  	v3 =	vmul.f32 v3, v3;
	v4 =	vmul.f32 v4, v4;
	v22 =	vld [tilespmem:s30+$0x8670];
	v21 =	vsub.f32 v15, v33  }
0x7f: {  	v38 =	vimm.f32 $0.0e+00;
	v7 =	vmul.f32 v7, v7;
	v6 =	vmul.f32 v6, v6;
	v24 =	vld [tilespmem:s30+$0x4670]  }
0x80: {  	v0 =	vmul.f32 v0, v0;
	v23 =	vsub.f32 v16, v32;
	v21 =	vmul.f32 v21, v17  }
0x81: {  	v36 =	vmul.f32 v8, v8;
	v5 =	vadd.f32 v5, v7;
	v3 =	vadd.f32 v3, v6;
	v25 =	vld [tilespmem:s30+$0x670]  }
0x82: {  	v34 =	vsub.f32 v18, v9;
	v23 =	vmul.f32 v23, v19;
	v21 =	vadd.f32 $0.0e+00, v21  }
0x83: {  	v37 =	vmul.f32 v11, v11;
	v2 =	vadd.f32 v2, v5;
	v3 =	vadd.f32 v4, v3  }
0x84: {  	v4 =	vsub.f32 v24, v22;
	v35 =	vmul.f32 v34, v20;
	v5 =	vadd.f32 v23, v21  }
0x85: {  	v39 =	vmul.f32 v13, v13;
	v1 =	vmul.f32 v1, v1;
	v0 =	vadd.f32 v0, v36  }
0x86: {  	v3 =	vadd.f32 v3, v38;
	v4 =	vmul.f32 v4, v25;
	v5 =	vadd.f32 v35, v5  }
0x87: {  	v40 =	vadd.f32 v37, v39;
	v0 =	vadd.f32 v1, v0  }
0x88: {  	v1 =	vmul.f32 v10, v10;
	v2 =	vadd.f32 v2, v3;
	v4 =	vadd.f32 v4, v5  }
0x89: {  	v3 =	vmul.f32 v17, v17;
	v5 =	vmul.f32 v15, v15  }
0x8a: {  	v1 =	vadd.f32 v1, v40;
	v0 =	vadd.f32 v0, v2;
	v2 =	vmul.f32 v33, v33;
	[tilespmem:s29+$0xFFFFFFF0] =	vst v4  }
0x8b: {  	v41 =	vmul.f32 v19, v19;
	v3 =	vadd.f32 v5, v3;
	v5 =	vmul.f32 v16, v16;
	v4 =	vld [tilespmem:s30+$0x46A0]  }
0x8c: {  	v0 =	vadd.f32 v1, v0;
	v42 =	vld [tilespmem:s30+$0x680]  }
0x8d: {  	v1 =	vld [tilespmem:s30+$0x86A0];
	v2 =	vadd.f32 v2, v3;
	v3 =	vadd.f32 v5, v41;
	v5 =	vmul.f32 v32, v32  }
0x8e: {  	v43 =	vmul.f32 v20, v20;
	v46 =	vld [tilespmem:s30+$0x8680]  }
0x8f: {  	v44 =	vmul.f32 v18, v18;
	v0 =	vadd.f32 v2, v0;
	v2 =	vadd.f32 v5, v3;
	v5 =	vld [tilespmem:s30+$0x4680]  }
0x90: {  	v47 =	vmul.f32 v24, v24;
	v49 =	vmul.f32 v25, v25;
	v45 =	vld [tilespmem:s30+$0x4690]  }
0x91: {  	v8 =	vadd.f32 v44, v43;
	v48 =	vld [tilespmem:s30+$0x8690];
	v3 =	vmul.f32 v9, v9  }
0x92: {  	v51 =	vld [tilespmem:s30+$0x690];
	v9 =	vadd.f32 v47, v49  }
0x93: {  	v54 =	vmul.f32 v22, v22;
	v50 =	vld [tilespmem:s30+$0x6A0];
	v0 =	vadd.f32 v2, v0;
	v2 =	vadd.f32 v3, v8  }
0x94: {  	v3 =	vld [tilespmem:s30+$0x46B0];
	v52 =	vmul.f32 v42, v42;
	v53 =	vmul.f32 v5, v5;
	v5 =	vsub.f32 v5, v46  }
0x95: {  	v55 =	vsub.f32 v4, v1;
	v10 =	vmul.f32 v46, v46;
	v2 =	vadd.f32 v2, v0;
	v0 =	vld [tilespmem:s30+$0x86B0]  }
0x96: {  	v56 =	vsub.f32 v45, v48;
	v6 =	vmul.f32 v45, v45;
	v5 =	vmul.f32 v5, v42  }
0x97: {  	v58 =	vld [tilespmem:s30+$0x6B0];
	v4 =	vmul.f32 v4, v4;
	v57 =	vadd.f32 v54, v9;
	v12 =	vmul.f32 v51, v51  }
0x98: {  	v60 =	vmul.f32 v50, v50;
	v59 =	vmul.f32 v56, v51;
	v5 =	vadd.f32 $0.0e+00, v5  }
0x99: {  	v62 =	vmul.f32 v48, v48;
	v6 =	vadd.f32 v6, v12;
	v13 =	vadd.f32 v53, v52  }
0x9a: {  	v8 =	vmul.f32 v55, v50;
	v61 =	vsub.f32 v3, v0;
	v5 =	vadd.f32 v59, v5  }
0x9b: {  	v1 =	vmul.f32 v1, v1;
	v2 =	vadd.f32 v57, v2;
	v10 =	vadd.f32 v10, v13  }
0x9c: {  	v4 =	vadd.f32 v4, v60;
	v63 =	vmul.f32 v61, v58;
	v5 =	vadd.f32 v8, v5  }
0x9d: {  	v6 =	vadd.f32 v62, v6;
	v2 =	vadd.f32 v10, v2  }
0x9e: {  	v1 =	vadd.f32 v1, v4;
	v4 =	vadd.f32 v63, v5  }
0x9f: {  	v3 =	vmul.f32 v3, v3;
	v2 =	vadd.f32 v6, v2;
	v5 =	vmul.f32 v58, v58  }
0xa0: {  	[tilespmem:s29+$0x0] =	vst v4  }
0xa1: {  	s1 =	simm.s32 $0x400;
	s31 =	simm.s32 $0xC620;
	v2 =	vadd.f32 v1, v2;
	v3 =	vadd.f32 v3, v5;
	v1 =	vld [tilespmem:s30+$0x86D0]  }
.LBB2_2:
0xa2: {  	p0 =	sne.s32 s1, $0x7C00  }
0xa3: {  	v4 =	vld [tilespmem:s30+$0x6D0];
	s29 =	sadd.s32 $0x40, s29;
	s21 =	smov.u32 s1;
	s1 =	sadd.s32 $0x400, s1  }
0xa4: {  	v5 =	vld [tilespmem:s30+$0x46D0]  }
0xa5: {  	v6 =	vld [tilespmem:s30+$0x6C0]  }
0xa6: {  	v7 =	vld [tilespmem:s30+$0x86C0]  }
0xa7: {  	v8 =	vld [tilespmem:s30+$0x46C0]  }
0xa8: {  	v0 =	vmul.f32 v0, v0;
	v9 =	vmul.f32 v4, v4;
	v10 =	vld [tilespmem:s30+$0x6E0]  }
0xa9: {  	v11 =	vsub.f32 v5, v1;
	v5 =	vmul.f32 v5, v5;
	v12 =	vld [tilespmem:s30+$0x46E0]  }
0xaa: {  	v0 =	vadd.f32 v0, v3;
	v3 =	vld [tilespmem:s30+$0x86E0]  }
0xab: {  	v13 =	vmul.f32 v7, v7;
	v4 =	vmul.f32 v11, v4;
	v5 =	vadd.f32 v5, v9;
	v9 =	vld [tilespmem:s30+$0x6F0]  }
0xac: {  	v11 =	vmul.f32 v6, v6;
	v7 =	vsub.f32 v8, v7;
	v8 =	vmul.f32 v8, v8;
	v14 =	vld [tilespmem:s30+$0x46F0]  }
0xad: {  	v0 =	vadd.f32 v0, v2;
	v2 =	vmul.f32 v10, v10;
	v15 =	vld [tilespmem:s30+$0x86F0]  }
0xae: {  	v6 =	vmul.f32 v7, v6;
	v7 =	vadd.f32 v8, v11;
	v8 =	vmul.f32 v12, v12  }
0xaf: {  	v1 =	vmul.f32 v1, v1;
	v11 =	vsub.f32 v12, v3;
	v3 =	vmul.f32 v3, v3  }
0xb0: {  	v6 =	vadd.f32 $0.0e+00, v6;
	v7 =	vadd.f32 v13, v7;
	v12 =	vmul.f32 v9, v9  }
0xb1: {  	v1 =	vadd.f32 v1, v5;
	v2 =	vadd.f32 v8, v2;
	v5 =	vmul.f32 v14, v14  }
0xb2: {  	v0 =	vadd.f32 v7, v0;
	v4 =	vadd.f32 v4, v6;
	v6 =	vmul.f32 v11, v10  }
0xb3: {  	v2 =	vadd.f32 v3, v2;
	v3 =	vadd.f32 v5, v12  }
0xb4: {  	v5 =	vmul.f32 v15, v15;
	v0 =	vadd.f32 v1, v0;
	v1 =	vsub.f32 v14, v15  }
0xb5: {  	v4 =	vadd.f32 v6, v4  }
0xb6: {  	v0 =	vadd.f32 v2, v0;
	v1 =	vmul.f32 v1, v9;
	v2 =	vadd.f32 v5, v3;
	_ =	sdelay $0x1  }
0xb7: {  	v1 =	vadd.f32 v1, v4;
	v0 =	vadd.f32 v2, v0;
	_ =	sdelay $0x1  }
0xb8: {  	s30 =	sshra.s32 s21, $0x2;
	[tilespmem:s31+$0x10] =	vst v1;
	s31 =	smov.u32 s29  }
0xb9: {  	v1 =	vld [tilespmem:s30+$0x4620]  }
0xba: {  	v2 =	vld [tilespmem:s30+$0x8620]  }
0xbb: {  	v3 =	vld [tilespmem:s30+$0x8610]  }
0xbc: {  	v4 =	vld [tilespmem:s30+$0x4610]  }
0xbd: {  	v5 =	vld [tilespmem:s30+$0x4600]  }
0xbe: {  	v6 =	vld [tilespmem:s30+$0x8600];
	v7 =	vmul.f32 v1, v1  }
0xbf: {  	v8 =	vld [tilespmem:s30+$0x610]  }
0xc0: {  	v9 =	vld [tilespmem:s30+$0x600];
	v10 =	vmul.f32 v3, v3  }
0xc1: {  	v3 =	vsub.f32 v4, v3;
	v11 =	vld [tilespmem:s30+$0x620]  }
0xc2: {  	v12 =	vmul.f32 v5, v5  }
0xc3: {  	v1 =	vsub.f32 v1, v2;
	v4 =	vmul.f32 v4, v4;
	v5 =	vsub.f32 v5, v6;
	v13 =	vld [tilespmem:s30+$0x8630]  }
0xc4: {  	v3 =	vmul.f32 v3, v8;
	v8 =	vmul.f32 v8, v8;
	v14 =	vld [tilespmem:s30+$0x4630]  }
0xc5: {  	v5 =	vmul.f32 v5, v9;
	v9 =	vmul.f32 v9, v9  }
0xc6: {  	v4 =	vadd.f32 v4, v8;
	v1 =	vmul.f32 v1, v11;
	v8 =	vmul.f32 v11, v11;
	v11 =	vld [tilespmem:s30+$0x630]  }
0xc7: {  	v5 =	vadd.f32 $0.0e+00, v5  }
0xc8: {  	v6 =	vmul.f32 v6, v6;
	v9 =	vadd.f32 v12, v9;
	v4 =	vadd.f32 v10, v4  }
0xc9: {  	v3 =	vadd.f32 v3, v5;
	v5 =	vsub.f32 v14, v13  }
0xca: {  	v7 =	vadd.f32 v7, v8;
	v6 =	vadd.f32 v6, v9;
	v8 =	vmul.f32 v14, v14  }
0xcb: {  	v1 =	vadd.f32 v1, v3;
	v3 =	vmul.f32 v5, v11;
	v5 =	vmul.f32 v11, v11  }
0xcc: {  	v2 =	vmul.f32 v2, v2;
	v0 =	vadd.f32 v6, v0  }
0xcd: {  	v1 =	vadd.f32 v3, v1;
	v3 =	vadd.f32 v8, v5  }
0xce: {  	v2 =	vadd.f32 v2, v7;
	v0 =	vadd.f32 v4, v0  }
0xcf: {  	[tilespmem:s29+$0xFFFFFFE0] =	vst v1  }
0xd0: {  	v0 =	vadd.f32 v2, v0;
	v1 =	vld [tilespmem:s30+$0x660]  }
0xd1: {  	v2 =	vld [tilespmem:s30+$0x8660]  }
0xd2: {  	v4 =	vld [tilespmem:s30+$0x4660]  }
0xd3: {  	v5 =	vld [tilespmem:s30+$0x8650]  }
0xd4: {  	v6 =	vld [tilespmem:s30+$0x8640]  }
0xd5: {  	v7 =	vld [tilespmem:s30+$0x4640]  }
0xd6: {  	v8 =	vld [tilespmem:s30+$0x4650]  }
0xd7: {  	v10 =	vmul.f32 v1, v1;
	v9 =	vld [tilespmem:s30+$0x640];
	v11 =	vmul.f32 v4, v4;
	_ =	sdelay $0x1  }
0xd8: {  	v12 =	vld [tilespmem:s30+$0x650];
	v10 =	vadd.f32 v11, v10  }
0xd9: {  	v4 =	vsub.f32 v4, v2;
	v11 =	vsub.f32 v7, v6;
	v14 =	vld [tilespmem:s30+$0x8670]  }
0xda: {  	v13 =	vmul.f32 v13, v13;
	v6 =	vmul.f32 v6, v6;
	v15 =	vsub.f32 v8, v5;
	v16 =	vld [tilespmem:s30+$0x4670]  }
0xdb: {  	v1 =	vmul.f32 v4, v1;
	v11 =	vmul.f32 v11, v9  }
0xdc: {  	v3 =	vadd.f32 v13, v3;
	v7 =	vmul.f32 v7, v7;
	v4 =	vmul.f32 v9, v9;
	v9 =	vld [tilespmem:s30+$0x670]  }
0xdd: {  	v11 =	vadd.f32 $0.0e+00, v11;
	v13 =	vmul.f32 v15, v12;
	v12 =	vmul.f32 v12, v12  }
0xde: {  	v0 =	vadd.f32 v3, v0;
	v3 =	vadd.f32 v7, v4;
	v4 =	vmul.f32 v8, v8  }
0xdf: {  	v7 =	vadd.f32 v13, v11;
	v8 =	vsub.f32 v16, v14;
	v11 =	vmul.f32 v16, v16  }
0xe0: {  	v5 =	vmul.f32 v5, v5;
	v3 =	vadd.f32 v6, v3;
	v4 =	vadd.f32 v4, v12  }
0xe1: {  	v1 =	vadd.f32 v1, v7;
	v6 =	vmul.f32 v8, v9;
	v7 =	vmul.f32 v9, v9  }
0xe2: {  	v2 =	vmul.f32 v2, v2;
	v0 =	vadd.f32 v3, v0;
	v3 =	vadd.f32 v5, v4  }
0xe3: {  	v1 =	vadd.f32 v6, v1;
	v4 =	vadd.f32 v11, v7  }
0xe4: {  	v2 =	vadd.f32 v2, v10;
	v0 =	vadd.f32 v3, v0  }
0xe5: {  	[tilespmem:s29+$0xFFFFFFF0] =	vst v1  }
0xe6: {  	v1 =	vadd.f32 v2, v0;
	v2 =	vld [tilespmem:s30+$0x46A0]  }
0xe7: {  	v3 =	vld [tilespmem:s30+$0x680]  }
0xe8: {  	v5 =	vld [tilespmem:s30+$0x86A0]  }
0xe9: {  	v6 =	vld [tilespmem:s30+$0x4690]  }
0xea: {  	v7 =	vld [tilespmem:s30+$0x8680]  }
0xeb: {  	v8 =	vld [tilespmem:s30+$0x4680]  }
0xec: {  	v9 =	vld [tilespmem:s30+$0x8690]  }
0xed: {  	v10 =	vld [tilespmem:s30+$0x46B0]  }
0xee: {  	v11 =	vld [tilespmem:s30+$0x6A0]  }
0xef: {  	v12 =	vmul.f32 v14, v14;
	v0 =	vld [tilespmem:s30+$0x86B0]  }
0xf0: {  	v13 =	vmul.f32 v3, v3;
	v16 =	vsub.f32 v2, v5;
	v14 =	vmul.f32 v8, v8;
	v15 =	vld [tilespmem:s30+$0x690]  }
0xf1: {  	v8 =	vsub.f32 v8, v7;
	v17 =	vsub.f32 v6, v9;
	v6 =	vmul.f32 v6, v6  }
0xf2: {  	v2 =	vmul.f32 v2, v2;
	v7 =	vmul.f32 v7, v7;
	v13 =	vadd.f32 v14, v13  }
0xf3: {  	v4 =	vadd.f32 v12, v4;
	v3 =	vmul.f32 v8, v3;
	v8 =	vmul.f32 v16, v11  }
0xf4: {  	v11 =	vmul.f32 v11, v11;
	v7 =	vadd.f32 v7, v13;
	v12 =	vld [tilespmem:s30+$0x6B0];
	v13 =	vsub.f32 v10, v0  }
0xf5: {  	v3 =	vadd.f32 $0.0e+00, v3;
	v14 =	vmul.f32 v17, v15;
	v15 =	vmul.f32 v15, v15  }
0xf6: {  	v1 =	vadd.f32 v4, v1;
	v2 =	vadd.f32 v2, v11  }
0xf7: {  	v3 =	vadd.f32 v14, v3;
	v4 =	vadd.f32 v6, v15;
	v6 =	vmul.f32 v9, v9  }
0xf8: {  	v5 =	vmul.f32 v5, v5;
	v1 =	vadd.f32 v7, v1  }
0xf9: {  	v4 =	vadd.f32 v6, v4;
	v3 =	vadd.f32 v8, v3;
	v6 =	vmul.f32 v13, v12  }
.Ltmp0:
0xfa: {  	v7 =	vmul.f32 v10, v10;
	v2 =	vadd.f32 v5, v2;
	v5 =	vmul.f32 v12, v12;
	(pc) =	sbr.rel @p0 .LBB2_2-.Ltmp0, $4  }
0xfb: {  	v1 =	vadd.f32 v4, v1;
	v4 =	vadd.f32 v6, v3  }
0xfc: {  	v3 =	vadd.f32 v7, v5  }
0xfd: {  	v2 =	vadd.f32 v2, v1;
	[tilespmem:s29+$0x0] =	vst v4  }
0xfe: {  	v1 =	vld [tilespmem:s30+$0x86D0]  }
0xff: {  	v4 =	vld [tilespmem:s30+$0x6D0]  }
0x100: {  	v5 =	vld [tilespmem:s30+$0x46D0]  }
0x101: {  	v6 =	vld [tilespmem:s30+$0x86C0]  }
0x102: {  	v7 =	vld [tilespmem:s30+$0x46C0]  }
0x103: {  	v8 =	vld [tilespmem:s30+$0x6C0]  }
0x104: {  	v9 =	vld [tilespmem:s30+$0x6E0]  }
0x105: {  	v10 =	vld [tilespmem:s30+$0x46E0]  }
0x106: {  	v11 =	vld [tilespmem:s30+$0x86E0]  }
0x107: {  	v13 =	vld [tilespmem:s30+$0x46F0];
	v12 =	vsub.f32 v7, v6  }
0x108: {  	v14 =	vld [tilespmem:s30+$0x86F0]  }
0x109: {  	v15 =	vsub.f32 v5, v1;
	v12 =	vmul.f32 v12, v8  }
0x10a: {  	v16 =	vld [tilespmem:s30+$0x6F0]  }
0x10b: {  	v17 =	vsub.f32 v10, v11;
	v15 =	vmul.f32 v15, v4;
	v12 =	vadd.f32 $0.0e+00, v12;
	_ =	sdelay $0x1  }
0x10c: {  	v48 =	vsub.f32 v13, v14;
	v47 =	vmul.f32 v17, v9;
	v12 =	vadd.f32 v15, v12;
	_ =	sdelay $0x1  }
0x10d: {  	v49 =	vmul.f32 v48, v16;
	v12 =	vadd.f32 v47, v12;
	_ =	sdelay $0x1  }
0x10e: {  	v12 =	vadd.f32 v49, v12;
	_ =	sdelay $0x1  }
0x10f: {  	[tilespmem:s31+$0x10] =	vst v12  }
0x110: {  	_ =	swait.ge [sflag:s0], $0x2000  }
0x111: {  	[sflag:s0] =	ssyncset.done $0x0  }
0x112: {  	[sflag:s0] =	ssyncadd.s32 $0xFFFFE000  }
0x113: {  	_ =	swait.ge [sflag:s0], $0x2000  }
0x114: {  	[sflag:s0] =	ssyncset.done $0x0  }
0x115: {  	[sflag:s0] =	ssyncadd.s32 $0xFFFFE000  }
0x116: {  	_ =	swait.ge [sflag:s0], $0x2000  }
0x117: {  	[sflag:s0] =	ssyncset.done $0x0  }
0x118: {  	s1 =	simm.s32 $0x100;
	s21 =	simm.s32 $0x600;
	[sflag:s0] =	ssyncadd.s32 $0xFFFFE000  }
0x119: {  	[tilespmem:s21], [sflag:$0x1] =	stream.indirect.gather [hbm4b:s3+s20], $0x40, s1, s20, $0xb8;
	[tilespmem:$0xE610] =	vst v63  }
0x11a: {  	s1 =	simm.s32 $0x300;
	s21 =	simm.s32 $0x4600  }
0x11b: {  	[tilespmem:s21], [sflag:$0x1] =	stream.indirect.gather [hbm4b:s4+s20], $0x40, s1, s20, $0xb8;
	[tilespmem:$0xE610] =	vst v63  }
0x11c: {  	s29 =	simm.s32 $0x0;
	s21 =	simm.s32 $0x500  }
0x11d: {  	[tilespmem:s22], [sflag:$0x1] =	stream.indirect.gather [hbm4b:s4+s20], $0x40, s21, s20, $0xb8;
	[tilespmem:$0xE610] =	vst v63  }
0x11e: {  	v50 =	vld [tilespmem:s29+$0x6620]  }
0x11f: {  	v51 =	vld [tilespmem:s29+$0xA620]  }
0x120: {  	v52 =	vld [tilespmem:s29+$0xA610]  }
0x121: {  	v18 =	vld [tilespmem:s29+$0x6600]  }
0x122: {  	v19 =	vld [tilespmem:s29+$0xA600]  }
0x123: {  	v20 =	vld [tilespmem:s29+$0x6610]  }
0x124: {  	v21 =	vld [tilespmem:s29+$0x2600]  }
0x125: {  	v22 =	vld [tilespmem:s29+$0x2610]  }
0x126: {  	v23 =	vld [tilespmem:s29+$0x2620]  }
0x127: {  	v25 =	vld [tilespmem:s29+$0xA630];
	v24 =	vsub.f32 v18, v19  }
0x128: {  	v26 =	vld [tilespmem:s29+$0x6630]  }
0x129: {  	v27 =	vsub.f32 v20, v52;
	v24 =	vmul.f32 v24, v21  }
0x12a: {  	v28 =	vld [tilespmem:s29+$0x2630]  }
0x12b: {  	v29 =	vsub.f32 v50, v51;
	v27 =	vmul.f32 v27, v22;
	v24 =	vadd.f32 $0.0e+00, v24;
	_ =	sdelay $0x1  }
0x12c: {  	v53 =	vsub.f32 v26, v25;
	v29 =	vmul.f32 v29, v23;
	v24 =	vadd.f32 v27, v24;
	_ =	sdelay $0x1  }
0x12d: {  	v27 =	vmul.f32 v53, v28;
	v24 =	vadd.f32 v29, v24  }
0x12e: {  	v0 =	vmul.f32 v0, v0  }
0x12f: {  	v7 =	vmul.f32 v7, v7;
	v8 =	vmul.f32 v8, v8;
	v24 =	vadd.f32 v27, v24  }
0x130: {  	s30 =	simm.s32 $0xCE30;
	v5 =	vmul.f32 v5, v5;
	v4 =	vmul.f32 v4, v4  }
0x131: {  	v0 =	vadd.f32 v0, v3;
	v3 =	vmul.f32 v6, v6;
	v54 =	vadd.f32 v7, v8;
	[tilespmem:s30+$0xFFFFFFD0] =	vst v24  }
0x132: {  	v56 =	vmul.f32 v10, v10;
	v4 =	vadd.f32 v5, v4;
	v5 =	vmul.f32 v9, v9;
	v55 =	vld [tilespmem:s29+$0x2660]  }
0x133: {  	v0 =	vadd.f32 v0, v2;
	v1 =	vmul.f32 v1, v1;
	v2 =	vadd.f32 v3, v54;
	v57 =	vld [tilespmem:s29+$0xA660]  }
0x134: {  	v5 =	vadd.f32 v56, v5;
	v3 =	vld [tilespmem:s29+$0xA650]  }
0x135: {  	v58 =	vmul.f32 v11, v11;
	v1 =	vadd.f32 v1, v4;
	v0 =	vadd.f32 v2, v0;
	v60 =	vld [tilespmem:s29+$0xA640]  }
0x136: {  	v59 =	vmul.f32 v16, v16;
	v4 =	vmul.f32 v13, v13;
	v2 =	vld [tilespmem:s29+$0x6640]  }
0x137: {  	v5 =	vadd.f32 v58, v5;
	v0 =	vadd.f32 v1, v0;
	v61 =	vld [tilespmem:s29+$0x6650]  }
0x138: {  	v4 =	vadd.f32 v4, v59;
	v1 =	vmul.f32 v14, v14;
	v62 =	vld [tilespmem:s29+$0x2640]  }
0x139: {  	v0 =	vadd.f32 v5, v0;
	v63 =	vld [tilespmem:s29+$0x6660]  }
0x13a: {  	v1 =	vadd.f32 v1, v4;
	v5 =	vmul.f32 v18, v18;
	v30 =	vmul.f32 v22, v22;
	v4 =	vld [tilespmem:s29+$0x2650]  }
0x13b: {  	v31 =	vmul.f32 v21, v21;
	v17 =	vmul.f32 v52, v52;
	v29 =	vld [tilespmem:s29+$0xA670];
	v27 =	vsub.f32 v2, v60  }
0x13c: {  	v0 =	vadd.f32 v1, v0;
	v12 =	vmul.f32 v50, v50;
	v35 =	vmul.f32 v19, v19;
	v32 =	vld [tilespmem:s29+$0x6670]  }
0x13d: {  	v38 =	vmul.f32 v23, v23;
	v1 =	vsub.f32 v61, v3;
	v14 =	vmul.f32 v27, v62  }
0x13e: {  	v39 =	vmul.f32 v26, v26;
	v5 =	vadd.f32 v5, v31;
	v24 =	vmul.f32 v20, v20;
	v33 =	vld [tilespmem:s29+$0x2670]  }
0x13f: {  	v34 =	vsub.f32 v63, v57;
	v1 =	vmul.f32 v1, v4;
	v14 =	vadd.f32 $0.0e+00, v14  }
0x140: {  	v40 =	vmul.f32 v28, v28;
	v5 =	vadd.f32 v35, v5;
	v13 =	vadd.f32 v24, v30  }
0x141: {  	v37 =	vsub.f32 v32, v29;
	v36 =	vmul.f32 v34, v55;
	v1 =	vadd.f32 v1, v14  }
0x142: {  	v12 =	vadd.f32 v12, v38;
	v0 =	vadd.f32 v5, v0;
	v5 =	vmul.f32 v51, v51  }
0x143: {  	v13 =	vadd.f32 v17, v13;
	v14 =	vmul.f32 v37, v33;
	v1 =	vadd.f32 v36, v1  }
0x144: {  	v41 =	vadd.f32 v39, v40;
	v5 =	vadd.f32 v5, v12  }
0x145: {  	v42 =	vmul.f32 v25, v25;
	v0 =	vadd.f32 v13, v0;
	v1 =	vadd.f32 v14, v1  }
0x146: {  	v10 =	vmul.f32 v62, v62;
	v2 =	vmul.f32 v2, v2  }
0x147: {  	v6 =	vmul.f32 v61, v61;
	v0 =	vadd.f32 v5, v0;
	v5 =	vadd.f32 v42, v41;
	[tilespmem:s30+$0xFFFFFFE0] =	vst v1  }
0x148: {  	v4 =	vmul.f32 v4, v4;
	v2 =	vadd.f32 v2, v10;
	v1 =	vmul.f32 v60, v60;
	v43 =	vld [tilespmem:s29+$0x66A0]  }
0x149: {  	v0 =	vadd.f32 v5, v0;
	v44 =	vld [tilespmem:s29+$0x2680]  }
0x14a: {  	v3 =	vmul.f32 v3, v3;
	v5 =	vld [tilespmem:s29+$0xA6A0];
	v1 =	vadd.f32 v1, v2;
	v2 =	vadd.f32 v6, v4  }
0x14b: {  	v7 =	vmul.f32 v55, v55;
	v46 =	vld [tilespmem:s29+$0xA680]  }
0x14c: {  	v11 =	vmul.f32 v63, v63;
	v0 =	vadd.f32 v1, v0;
	v1 =	vadd.f32 v3, v2;
	v3 =	vld [tilespmem:s29+$0x6680]  }
0x14d: {  	v47 =	vmul.f32 v32, v32;
	v49 =	vmul.f32 v33, v33;
	v48 =	vld [tilespmem:s29+$0xA690]  }
0x14e: {  	v45 =	vadd.f32 v11, v7;
	v4 =	vld [tilespmem:s29+$0x6690];
	v2 =	vmul.f32 v57, v57  }
0x14f: {  	v9 =	vadd.f32 v47, v49;
	v51 =	vld [tilespmem:s29+$0x2690]  }
0x150: {  	v54 =	vmul.f32 v29, v29;
	v50 =	vld [tilespmem:s29+$0x26A0];
	v0 =	vadd.f32 v1, v0;
	v1 =	vadd.f32 v2, v45  }
0x151: {  	v2 =	vld [tilespmem:s29+$0x66B0];
	v53 =	vmul.f32 v3, v3;
	v3 =	vsub.f32 v3, v46  }
0x152: {  	v9 =	vadd.f32 v54, v9;
	v52 =	vmul.f32 v44, v44;
	v1 =	vadd.f32 v1, v0;
	v0 =	vld [tilespmem:s29+$0xA6B0]  }
0x153: {  	v7 =	vmul.f32 v46, v46;
	v56 =	vsub.f32 v4, v48;
	v3 =	vmul.f32 v3, v44  }
0x154: {  	v57 =	vld [tilespmem:s29+$0x26B0];
	v55 =	vsub.f32 v43, v5;
	v12 =	vmul.f32 v51, v51;
	v4 =	vmul.f32 v4, v4  }
0x155: {  	v8 =	vmul.f32 v43, v43;
	v58 =	vmul.f32 v56, v51;
	v3 =	vadd.f32 $0.0e+00, v3  }
0x156: {  	v59 =	vmul.f32 v50, v50;
	v4 =	vadd.f32 v4, v12;
	v13 =	vadd.f32 v53, v52  }
0x157: {  	v6 =	vmul.f32 v55, v50;
	v60 =	vsub.f32 v2, v0;
	v3 =	vadd.f32 v58, v3  }
0x158: {  	v61 =	vmul.f32 v48, v48;
	v1 =	vadd.f32 v9, v1;
	v7 =	vadd.f32 v7, v13  }
0x159: {  	v8 =	vadd.f32 v8, v59;
	v62 =	vmul.f32 v60, v57;
	v3 =	vadd.f32 v6, v3  }
0x15a: {  	v5 =	vmul.f32 v5, v5;
	v4 =	vadd.f32 v61, v4;
	v1 =	vadd.f32 v7, v1  }
0x15b: {  	v63 =	vmul.f32 v57, v57;
	v3 =	vadd.f32 v62, v3  }
0x15c: {  	v5 =	vadd.f32 v5, v8;
	v2 =	vmul.f32 v2, v2;
	v1 =	vadd.f32 v4, v1  }
0x15d: {  	[tilespmem:s30+$0xFFFFFFF0] =	vst v3  }
0x15e: {  	s31 =	simm.s32 $0xCE30;
	s1 =	simm.s32 $0x400;
	v3 =	vadd.f32 v2, v63;
	v2 =	vadd.f32 v5, v1;
	v1 =	vld [tilespmem:s29+$0xA6D0]  }
.LBB2_4:
0x15f: {  	p0 =	sne.s32 s1, $0x7C00  }
0x160: {  	v4 =	vld [tilespmem:s29+$0x26D0];
	s30 =	sadd.s32 $0x40, s30;
	s21 =	smov.u32 s1;
	s1 =	sadd.s32 $0x400, s1  }
0x161: {  	v5 =	vld [tilespmem:s29+$0x66D0]  }
0x162: {  	v6 =	vld [tilespmem:s29+$0x26C0]  }
0x163: {  	v7 =	vld [tilespmem:s29+$0xA6C0]  }
0x164: {  	v8 =	vld [tilespmem:s29+$0x66C0]  }
0x165: {  	v0 =	vmul.f32 v0, v0;
	v9 =	vmul.f32 v4, v4;
	v10 =	vld [tilespmem:s29+$0x26E0]  }
0x166: {  	v11 =	vsub.f32 v5, v1;
	v5 =	vmul.f32 v5, v5;
	v12 =	vld [tilespmem:s29+$0x66E0]  }
0x167: {  	v0 =	vadd.f32 v0, v3;
	v3 =	vld [tilespmem:s29+$0xA6E0]  }
0x168: {  	v13 =	vmul.f32 v7, v7;
	v4 =	vmul.f32 v11, v4;
	v5 =	vadd.f32 v5, v9;
	v9 =	vld [tilespmem:s29+$0x26F0]  }
0x169: {  	v11 =	vmul.f32 v6, v6;
	v7 =	vsub.f32 v8, v7;
	v8 =	vmul.f32 v8, v8;
	v14 =	vld [tilespmem:s29+$0x66F0]  }
0x16a: {  	v0 =	vadd.f32 v0, v2;
	v2 =	vmul.f32 v10, v10;
	v15 =	vld [tilespmem:s29+$0xA6F0]  }
0x16b: {  	v6 =	vmul.f32 v7, v6;
	v7 =	vadd.f32 v8, v11;
	v8 =	vmul.f32 v12, v12  }
0x16c: {  	v1 =	vmul.f32 v1, v1;
	v11 =	vsub.f32 v12, v3;
	v3 =	vmul.f32 v3, v3  }
0x16d: {  	v6 =	vadd.f32 $0.0e+00, v6;
	v7 =	vadd.f32 v13, v7;
	v12 =	vmul.f32 v9, v9  }
0x16e: {  	v1 =	vadd.f32 v1, v5;
	v2 =	vadd.f32 v8, v2;
	v5 =	vmul.f32 v14, v14  }
0x16f: {  	v0 =	vadd.f32 v7, v0;
	v4 =	vadd.f32 v4, v6;
	v6 =	vmul.f32 v11, v10  }
0x170: {  	v2 =	vadd.f32 v3, v2;
	v3 =	vadd.f32 v5, v12  }
0x171: {  	v5 =	vmul.f32 v15, v15;
	v0 =	vadd.f32 v1, v0;
	v1 =	vsub.f32 v14, v15  }
0x172: {  	v4 =	vadd.f32 v6, v4  }
0x173: {  	v0 =	vadd.f32 v2, v0;
	v1 =	vmul.f32 v1, v9;
	v2 =	vadd.f32 v5, v3;
	_ =	sdelay $0x1  }
0x174: {  	v1 =	vadd.f32 v1, v4;
	v0 =	vadd.f32 v2, v0;
	_ =	sdelay $0x1  }
0x175: {  	s29 =	sshra.s32 s21, $0x2;
	[tilespmem:s31+$0x0] =	vst v1;
	s31 =	smov.u32 s30  }
0x176: {  	v1 =	vld [tilespmem:s29+$0x6620]  }
0x177: {  	v2 =	vld [tilespmem:s29+$0xA620]  }
0x178: {  	v3 =	vld [tilespmem:s29+$0xA610]  }
0x179: {  	v4 =	vld [tilespmem:s29+$0x6610]  }
0x17a: {  	v5 =	vld [tilespmem:s29+$0x6600]  }
0x17b: {  	v6 =	vld [tilespmem:s29+$0xA600];
	v7 =	vmul.f32 v1, v1  }
0x17c: {  	v8 =	vld [tilespmem:s29+$0x2610]  }
0x17d: {  	v9 =	vld [tilespmem:s29+$0x2600];
	v10 =	vmul.f32 v3, v3  }
0x17e: {  	v3 =	vsub.f32 v4, v3;
	v11 =	vld [tilespmem:s29+$0x2620]  }
0x17f: {  	v12 =	vmul.f32 v5, v5  }
0x180: {  	v1 =	vsub.f32 v1, v2;
	v4 =	vmul.f32 v4, v4;
	v5 =	vsub.f32 v5, v6;
	v13 =	vld [tilespmem:s29+$0xA630]  }
0x181: {  	v3 =	vmul.f32 v3, v8;
	v8 =	vmul.f32 v8, v8;
	v14 =	vld [tilespmem:s29+$0x6630]  }
0x182: {  	v5 =	vmul.f32 v5, v9;
	v9 =	vmul.f32 v9, v9  }
0x183: {  	v4 =	vadd.f32 v4, v8;
	v1 =	vmul.f32 v1, v11;
	v8 =	vmul.f32 v11, v11;
	v11 =	vld [tilespmem:s29+$0x2630]  }
0x184: {  	v5 =	vadd.f32 $0.0e+00, v5  }
0x185: {  	v6 =	vmul.f32 v6, v6;
	v9 =	vadd.f32 v12, v9;
	v4 =	vadd.f32 v10, v4  }
0x186: {  	v3 =	vadd.f32 v3, v5;
	v5 =	vsub.f32 v14, v13  }
0x187: {  	v7 =	vadd.f32 v7, v8;
	v6 =	vadd.f32 v6, v9;
	v8 =	vmul.f32 v14, v14  }
0x188: {  	v1 =	vadd.f32 v1, v3;
	v3 =	vmul.f32 v5, v11;
	v5 =	vmul.f32 v11, v11  }
0x189: {  	v2 =	vmul.f32 v2, v2;
	v0 =	vadd.f32 v6, v0  }
0x18a: {  	v1 =	vadd.f32 v3, v1;
	v3 =	vadd.f32 v8, v5  }
0x18b: {  	v2 =	vadd.f32 v2, v7;
	v0 =	vadd.f32 v4, v0  }
0x18c: {  	[tilespmem:s30+$0xFFFFFFD0] =	vst v1  }
0x18d: {  	v0 =	vadd.f32 v2, v0;
	v1 =	vld [tilespmem:s29+$0x2660]  }
0x18e: {  	v2 =	vld [tilespmem:s29+$0xA660]  }
0x18f: {  	v4 =	vld [tilespmem:s29+$0x6660]  }
0x190: {  	v5 =	vld [tilespmem:s29+$0xA650]  }
0x191: {  	v6 =	vld [tilespmem:s29+$0xA640]  }
0x192: {  	v7 =	vld [tilespmem:s29+$0x6640]  }
0x193: {  	v8 =	vld [tilespmem:s29+$0x6650]  }
0x194: {  	v10 =	vmul.f32 v1, v1;
	v9 =	vld [tilespmem:s29+$0x2640];
	v11 =	vmul.f32 v4, v4;
	_ =	sdelay $0x1  }
0x195: {  	v12 =	vld [tilespmem:s29+$0x2650];
	v10 =	vadd.f32 v11, v10  }
0x196: {  	v4 =	vsub.f32 v4, v2;
	v11 =	vsub.f32 v7, v6;
	v14 =	vld [tilespmem:s29+$0xA670]  }
0x197: {  	v13 =	vmul.f32 v13, v13;
	v6 =	vmul.f32 v6, v6;
	v15 =	vsub.f32 v8, v5;
	v16 =	vld [tilespmem:s29+$0x6670]  }
0x198: {  	v1 =	vmul.f32 v4, v1;
	v11 =	vmul.f32 v11, v9  }
0x199: {  	v3 =	vadd.f32 v13, v3;
	v7 =	vmul.f32 v7, v7;
	v4 =	vmul.f32 v9, v9;
	v9 =	vld [tilespmem:s29+$0x2670]  }
0x19a: {  	v11 =	vadd.f32 $0.0e+00, v11;
	v13 =	vmul.f32 v15, v12;
	v12 =	vmul.f32 v12, v12  }
0x19b: {  	v0 =	vadd.f32 v3, v0;
	v3 =	vadd.f32 v7, v4;
	v4 =	vmul.f32 v8, v8  }
0x19c: {  	v7 =	vadd.f32 v13, v11;
	v8 =	vsub.f32 v16, v14;
	v11 =	vmul.f32 v16, v16  }
0x19d: {  	v5 =	vmul.f32 v5, v5;
	v3 =	vadd.f32 v6, v3;
	v4 =	vadd.f32 v4, v12  }
0x19e: {  	v1 =	vadd.f32 v1, v7;
	v6 =	vmul.f32 v8, v9;
	v7 =	vmul.f32 v9, v9  }
0x19f: {  	v2 =	vmul.f32 v2, v2;
	v0 =	vadd.f32 v3, v0;
	v3 =	vadd.f32 v5, v4  }
0x1a0: {  	v1 =	vadd.f32 v6, v1;
	v4 =	vadd.f32 v11, v7  }
0x1a1: {  	v2 =	vadd.f32 v2, v10;
	v0 =	vadd.f32 v3, v0  }
0x1a2: {  	[tilespmem:s30+$0xFFFFFFE0] =	vst v1  }
0x1a3: {  	v1 =	vadd.f32 v2, v0;
	v2 =	vld [tilespmem:s29+$0x66A0]  }
0x1a4: {  	v3 =	vld [tilespmem:s29+$0x2680]  }
0x1a5: {  	v5 =	vld [tilespmem:s29+$0xA6A0]  }
0x1a6: {  	v6 =	vld [tilespmem:s29+$0x6690]  }
0x1a7: {  	v7 =	vld [tilespmem:s29+$0xA680]  }
0x1a8: {  	v8 =	vld [tilespmem:s29+$0x6680]  }
0x1a9: {  	v9 =	vld [tilespmem:s29+$0xA690]  }
0x1aa: {  	v10 =	vld [tilespmem:s29+$0x66B0]  }
0x1ab: {  	v11 =	vld [tilespmem:s29+$0x26A0]  }
0x1ac: {  	v12 =	vmul.f32 v14, v14;
	v0 =	vld [tilespmem:s29+$0xA6B0]  }
0x1ad: {  	v13 =	vmul.f32 v3, v3;
	v16 =	vsub.f32 v2, v5;
	v14 =	vmul.f32 v8, v8;
	v15 =	vld [tilespmem:s29+$0x2690]  }
0x1ae: {  	v8 =	vsub.f32 v8, v7;
	v17 =	vsub.f32 v6, v9;
	v6 =	vmul.f32 v6, v6  }
0x1af: {  	v2 =	vmul.f32 v2, v2;
	v7 =	vmul.f32 v7, v7;
	v13 =	vadd.f32 v14, v13  }
0x1b0: {  	v4 =	vadd.f32 v12, v4;
	v3 =	vmul.f32 v8, v3;
	v8 =	vmul.f32 v16, v11  }
0x1b1: {  	v11 =	vmul.f32 v11, v11;
	v7 =	vadd.f32 v7, v13;
	v12 =	vld [tilespmem:s29+$0x26B0];
	v13 =	vsub.f32 v10, v0  }
0x1b2: {  	v3 =	vadd.f32 $0.0e+00, v3;
	v14 =	vmul.f32 v17, v15;
	v15 =	vmul.f32 v15, v15  }
0x1b3: {  	v1 =	vadd.f32 v4, v1;
	v2 =	vadd.f32 v2, v11  }
0x1b4: {  	v3 =	vadd.f32 v14, v3;
	v4 =	vadd.f32 v6, v15;
	v6 =	vmul.f32 v9, v9  }
0x1b5: {  	v5 =	vmul.f32 v5, v5;
	v1 =	vadd.f32 v7, v1  }
0x1b6: {  	v4 =	vadd.f32 v6, v4;
	v3 =	vadd.f32 v8, v3;
	v6 =	vmul.f32 v13, v12  }
.Ltmp1:
0x1b7: {  	v7 =	vmul.f32 v10, v10;
	v2 =	vadd.f32 v5, v2;
	v5 =	vmul.f32 v12, v12;
	(pc) =	sbr.rel @p0 .LBB2_4-.Ltmp1, $4  }
0x1b8: {  	v1 =	vadd.f32 v4, v1;
	v4 =	vadd.f32 v6, v3  }
0x1b9: {  	v3 =	vadd.f32 v7, v5  }
0x1ba: {  	v2 =	vadd.f32 v2, v1;
	[tilespmem:s30+$0xFFFFFFF0] =	vst v4  }
0x1bb: {  	v1 =	vld [tilespmem:s29+$0xA6D0]  }
0x1bc: {  	v4 =	vld [tilespmem:s29+$0x26D0]  }
0x1bd: {  	v5 =	vld [tilespmem:s29+$0x66D0]  }
0x1be: {  	v6 =	vld [tilespmem:s29+$0xA6C0]  }
0x1bf: {  	v7 =	vld [tilespmem:s29+$0x66C0]  }
0x1c0: {  	v8 =	vld [tilespmem:s29+$0x26C0]  }
0x1c1: {  	v9 =	vld [tilespmem:s29+$0x26E0]  }
0x1c2: {  	v10 =	vld [tilespmem:s29+$0x66E0]  }
0x1c3: {  	v11 =	vld [tilespmem:s29+$0xA6E0]  }
0x1c4: {  	v13 =	vld [tilespmem:s29+$0x66F0];
	v12 =	vsub.f32 v7, v6  }
0x1c5: {  	v14 =	vld [tilespmem:s29+$0xA6F0]  }
0x1c6: {  	v15 =	vsub.f32 v5, v1;
	v12 =	vmul.f32 v12, v8  }
0x1c7: {  	v16 =	vld [tilespmem:s29+$0x26F0]  }
0x1c8: {  	v17 =	vsub.f32 v10, v11;
	v15 =	vmul.f32 v15, v4;
	v12 =	vadd.f32 $0.0e+00, v12;
	_ =	sdelay $0x1  }
0x1c9: {  	v48 =	vsub.f32 v13, v14;
	v47 =	vmul.f32 v17, v9;
	v12 =	vadd.f32 v15, v12;
	_ =	sdelay $0x1  }
0x1ca: {  	v49 =	vmul.f32 v48, v16;
	v12 =	vadd.f32 v47, v12;
	_ =	sdelay $0x1  }
0x1cb: {  	v12 =	vadd.f32 v49, v12;
	_ =	sdelay $0x1  }
0x1cc: {  	[tilespmem:s31+$0x0] =	vst v12  }
0x1cd: {  	_ =	swait.ge [sflag:s0], $0x2000  }
0x1ce: {  	[sflag:s0] =	ssyncset.done $0x0  }
0x1cf: {  	[sflag:s0] =	ssyncadd.s32 $0xFFFFE000  }
0x1d0: {  	_ =	swait.ge [sflag:s0], $0x2000  }
0x1d1: {  	[sflag:s0] =	ssyncset.done $0x0  }
0x1d2: {  	[sflag:s0] =	ssyncadd.s32 $0xFFFFE000  }
0x1d3: {  	_ =	swait.ge [sflag:s0], $0x2000  }
0x1d4: {  	[sflag:s0] =	ssyncset.done $0x0  }
0x1d5: {  	s1 =	simm.s32 $0x180;
	[sflag:s0] =	ssyncadd.s32 $0xFFFFE000  }
0x1d6: {  	[tilespmem:s23], [sflag:$0x1] =	stream.indirect.gather [hbm4b:s3+s20], $0x40, s1, s20, $0xb8;
	[tilespmem:$0xE610] =	vst v63  }
0x1d7: {  	s21 =	simm.s32 $0x380  }
0x1d8: {  	[tilespmem:s24], [sflag:$0x1] =	stream.indirect.gather [hbm4b:s4+s20], $0x40, s21, s20, $0xb8;
	[tilespmem:$0xE610] =	vst v63  }
0x1d9: {  	s29 =	simm.s32 $0x0;
	s21 =	simm.s32 $0x580  }
0x1da: {  	[tilespmem:s25], [sflag:$0x1] =	stream.indirect.gather [hbm4b:s4+s20], $0x40, s21, s20, $0xb8;
	[tilespmem:$0xE610] =	vst v63  }
0x1db: {  	v50 =	vld [tilespmem:s29+$0x4620]  }
0x1dc: {  	v51 =	vld [tilespmem:s29+$0x8620]  }
0x1dd: {  	v52 =	vld [tilespmem:s29+$0x8610]  }
0x1de: {  	v18 =	vld [tilespmem:s29+$0x4600]  }
0x1df: {  	v19 =	vld [tilespmem:s29+$0x8600]  }
0x1e0: {  	v20 =	vld [tilespmem:s29+$0x4610]  }
0x1e1: {  	v21 =	vld [tilespmem:s29+$0x600]  }
0x1e2: {  	v22 =	vld [tilespmem:s29+$0x610]  }
0x1e3: {  	v23 =	vld [tilespmem:s29+$0x620]  }
0x1e4: {  	v25 =	vld [tilespmem:s29+$0x8630];
	v24 =	vsub.f32 v18, v19  }
0x1e5: {  	v26 =	vld [tilespmem:s29+$0x4630]  }
0x1e6: {  	v27 =	vsub.f32 v20, v52;
	v24 =	vmul.f32 v24, v21  }
0x1e7: {  	v28 =	vld [tilespmem:s29+$0x630]  }
0x1e8: {  	v29 =	vsub.f32 v50, v51;
	v27 =	vmul.f32 v27, v22;
	v24 =	vadd.f32 $0.0e+00, v24;
	_ =	sdelay $0x1  }
0x1e9: {  	v53 =	vsub.f32 v26, v25;
	v29 =	vmul.f32 v29, v23;
	v24 =	vadd.f32 v27, v24;
	_ =	sdelay $0x1  }
0x1ea: {  	v27 =	vmul.f32 v53, v28;
	v24 =	vadd.f32 v29, v24  }
0x1eb: {  	v0 =	vmul.f32 v0, v0  }
0x1ec: {  	v7 =	vmul.f32 v7, v7;
	v8 =	vmul.f32 v8, v8;
	v24 =	vadd.f32 v27, v24  }
0x1ed: {  	s30 =	simm.s32 $0xD630;
	v5 =	vmul.f32 v5, v5;
	v4 =	vmul.f32 v4, v4  }
0x1ee: {  	v0 =	vadd.f32 v0, v3;
	v3 =	vmul.f32 v6, v6;
	v54 =	vadd.f32 v7, v8;
	[tilespmem:s30+$0xFFFFFFD0] =	vst v24  }
0x1ef: {  	v56 =	vmul.f32 v10, v10;
	v4 =	vadd.f32 v5, v4;
	v5 =	vmul.f32 v9, v9;
	v55 =	vld [tilespmem:s29+$0x660]  }
0x1f0: {  	v0 =	vadd.f32 v0, v2;
	v1 =	vmul.f32 v1, v1;
	v2 =	vadd.f32 v3, v54;
	v57 =	vld [tilespmem:s29+$0x8660]  }
0x1f1: {  	v5 =	vadd.f32 v56, v5;
	v3 =	vld [tilespmem:s29+$0x8650]  }
0x1f2: {  	v58 =	vmul.f32 v11, v11;
	v1 =	vadd.f32 v1, v4;
	v0 =	vadd.f32 v2, v0;
	v60 =	vld [tilespmem:s29+$0x8640]  }
0x1f3: {  	v59 =	vmul.f32 v16, v16;
	v4 =	vmul.f32 v13, v13;
	v2 =	vld [tilespmem:s29+$0x4640]  }
0x1f4: {  	v5 =	vadd.f32 v58, v5;
	v0 =	vadd.f32 v1, v0;
	v61 =	vld [tilespmem:s29+$0x4650]  }
0x1f5: {  	v4 =	vadd.f32 v4, v59;
	v1 =	vmul.f32 v14, v14;
	v62 =	vld [tilespmem:s29+$0x640]  }
0x1f6: {  	v0 =	vadd.f32 v5, v0;
	v63 =	vld [tilespmem:s29+$0x4660]  }
0x1f7: {  	v1 =	vadd.f32 v1, v4;
	v5 =	vmul.f32 v18, v18;
	v30 =	vmul.f32 v22, v22;
	v4 =	vld [tilespmem:s29+$0x650]  }
0x1f8: {  	v31 =	vmul.f32 v21, v21;
	v17 =	vmul.f32 v52, v52;
	v29 =	vld [tilespmem:s29+$0x8670];
	v27 =	vsub.f32 v2, v60  }
0x1f9: {  	v0 =	vadd.f32 v1, v0;
	v12 =	vmul.f32 v50, v50;
	v35 =	vmul.f32 v19, v19;
	v32 =	vld [tilespmem:s29+$0x4670]  }
0x1fa: {  	v38 =	vmul.f32 v23, v23;
	v1 =	vsub.f32 v61, v3;
	v14 =	vmul.f32 v27, v62  }
0x1fb: {  	v39 =	vmul.f32 v26, v26;
	v5 =	vadd.f32 v5, v31;
	v24 =	vmul.f32 v20, v20;
	v33 =	vld [tilespmem:s29+$0x670]  }
0x1fc: {  	v34 =	vsub.f32 v63, v57;
	v1 =	vmul.f32 v1, v4;
	v14 =	vadd.f32 $0.0e+00, v14  }
0x1fd: {  	v40 =	vmul.f32 v28, v28;
	v5 =	vadd.f32 v35, v5;
	v13 =	vadd.f32 v24, v30  }
0x1fe: {  	v37 =	vsub.f32 v32, v29;
	v36 =	vmul.f32 v34, v55;
	v1 =	vadd.f32 v1, v14  }
0x1ff: {  	v12 =	vadd.f32 v12, v38;
	v0 =	vadd.f32 v5, v0;
	v5 =	vmul.f32 v51, v51  }
0x200: {  	v13 =	vadd.f32 v17, v13;
	v14 =	vmul.f32 v37, v33;
	v1 =	vadd.f32 v36, v1  }
0x201: {  	v41 =	vadd.f32 v39, v40;
	v5 =	vadd.f32 v5, v12  }
0x202: {  	v42 =	vmul.f32 v25, v25;
	v0 =	vadd.f32 v13, v0;
	v1 =	vadd.f32 v14, v1  }
0x203: {  	v10 =	vmul.f32 v62, v62;
	v2 =	vmul.f32 v2, v2  }
0x204: {  	v6 =	vmul.f32 v61, v61;
	v0 =	vadd.f32 v5, v0;
	v5 =	vadd.f32 v42, v41;
	[tilespmem:s30+$0xFFFFFFE0] =	vst v1  }
0x205: {  	v4 =	vmul.f32 v4, v4;
	v2 =	vadd.f32 v2, v10;
	v1 =	vmul.f32 v60, v60;
	v43 =	vld [tilespmem:s29+$0x46A0]  }
0x206: {  	v0 =	vadd.f32 v5, v0;
	v44 =	vld [tilespmem:s29+$0x680]  }
0x207: {  	v3 =	vmul.f32 v3, v3;
	v5 =	vld [tilespmem:s29+$0x86A0];
	v1 =	vadd.f32 v1, v2;
	v2 =	vadd.f32 v6, v4  }
0x208: {  	v7 =	vmul.f32 v55, v55;
	v46 =	vld [tilespmem:s29+$0x8680]  }
0x209: {  	v11 =	vmul.f32 v63, v63;
	v0 =	vadd.f32 v1, v0;
	v1 =	vadd.f32 v3, v2;
	v3 =	vld [tilespmem:s29+$0x4680]  }
0x20a: {  	v47 =	vmul.f32 v32, v32;
	v49 =	vmul.f32 v33, v33;
	v48 =	vld [tilespmem:s29+$0x8690]  }
0x20b: {  	v45 =	vadd.f32 v11, v7;
	v4 =	vld [tilespmem:s29+$0x4690];
	v2 =	vmul.f32 v57, v57  }
0x20c: {  	v9 =	vadd.f32 v47, v49;
	v51 =	vld [tilespmem:s29+$0x690]  }
0x20d: {  	v54 =	vmul.f32 v29, v29;
	v50 =	vld [tilespmem:s29+$0x6A0];
	v0 =	vadd.f32 v1, v0;
	v1 =	vadd.f32 v2, v45  }
0x20e: {  	v2 =	vld [tilespmem:s29+$0x46B0];
	v53 =	vmul.f32 v3, v3;
	v3 =	vsub.f32 v3, v46  }
0x20f: {  	v9 =	vadd.f32 v54, v9;
	v52 =	vmul.f32 v44, v44;
	v1 =	vadd.f32 v1, v0;
	v0 =	vld [tilespmem:s29+$0x86B0]  }
0x210: {  	v7 =	vmul.f32 v46, v46;
	v56 =	vsub.f32 v4, v48;
	v3 =	vmul.f32 v3, v44  }
0x211: {  	v57 =	vld [tilespmem:s29+$0x6B0];
	v55 =	vsub.f32 v43, v5;
	v12 =	vmul.f32 v51, v51;
	v4 =	vmul.f32 v4, v4  }
0x212: {  	v8 =	vmul.f32 v43, v43;
	v58 =	vmul.f32 v56, v51;
	v3 =	vadd.f32 $0.0e+00, v3  }
0x213: {  	v59 =	vmul.f32 v50, v50;
	v4 =	vadd.f32 v4, v12;
	v13 =	vadd.f32 v53, v52  }
0x214: {  	v6 =	vmul.f32 v55, v50;
	v60 =	vsub.f32 v2, v0;
	v3 =	vadd.f32 v58, v3  }
0x215: {  	v61 =	vmul.f32 v48, v48;
	v1 =	vadd.f32 v9, v1;
	v7 =	vadd.f32 v7, v13  }
0x216: {  	v8 =	vadd.f32 v8, v59;
	v62 =	vmul.f32 v60, v57;
	v3 =	vadd.f32 v6, v3  }
0x217: {  	v5 =	vmul.f32 v5, v5;
	v4 =	vadd.f32 v61, v4;
	v1 =	vadd.f32 v7, v1  }
0x218: {  	v63 =	vmul.f32 v57, v57;
	v3 =	vadd.f32 v62, v3  }
0x219: {  	v5 =	vadd.f32 v5, v8;
	v2 =	vmul.f32 v2, v2;
	v1 =	vadd.f32 v4, v1  }
0x21a: {  	[tilespmem:s30+$0xFFFFFFF0] =	vst v3  }
0x21b: {  	s31 =	simm.s32 $0xD630;
	s1 =	simm.s32 $0x400;
	v3 =	vadd.f32 v2, v63;
	v2 =	vadd.f32 v5, v1;
	v1 =	vld [tilespmem:s29+$0x86D0]  }
.LBB2_6:
0x21c: {  	p0 =	sne.s32 s1, $0x7C00  }
0x21d: {  	v4 =	vld [tilespmem:s29+$0x6D0];
	s30 =	sadd.s32 $0x40, s30;
	s21 =	smov.u32 s1;
	s1 =	sadd.s32 $0x400, s1  }
0x21e: {  	v5 =	vld [tilespmem:s29+$0x46D0]  }
0x21f: {  	v6 =	vld [tilespmem:s29+$0x6C0]  }
0x220: {  	v7 =	vld [tilespmem:s29+$0x86C0]  }
0x221: {  	v8 =	vld [tilespmem:s29+$0x46C0]  }
0x222: {  	v0 =	vmul.f32 v0, v0;
	v9 =	vmul.f32 v4, v4;
	v10 =	vld [tilespmem:s29+$0x6E0]  }
0x223: {  	v11 =	vsub.f32 v5, v1;
	v5 =	vmul.f32 v5, v5;
	v12 =	vld [tilespmem:s29+$0x46E0]  }
0x224: {  	v0 =	vadd.f32 v0, v3;
	v3 =	vld [tilespmem:s29+$0x86E0]  }
0x225: {  	v13 =	vmul.f32 v7, v7;
	v4 =	vmul.f32 v11, v4;
	v5 =	vadd.f32 v5, v9;
	v9 =	vld [tilespmem:s29+$0x6F0]  }
0x226: {  	v11 =	vmul.f32 v6, v6;
	v7 =	vsub.f32 v8, v7;
	v8 =	vmul.f32 v8, v8;
	v14 =	vld [tilespmem:s29+$0x46F0]  }
0x227: {  	v0 =	vadd.f32 v0, v2;
	v2 =	vmul.f32 v10, v10;
	v15 =	vld [tilespmem:s29+$0x86F0]  }
0x228: {  	v6 =	vmul.f32 v7, v6;
	v7 =	vadd.f32 v8, v11;
	v8 =	vmul.f32 v12, v12  }
0x229: {  	v1 =	vmul.f32 v1, v1;
	v11 =	vsub.f32 v12, v3;
	v3 =	vmul.f32 v3, v3  }
0x22a: {  	v6 =	vadd.f32 $0.0e+00, v6;
	v7 =	vadd.f32 v13, v7;
	v12 =	vmul.f32 v9, v9  }
0x22b: {  	v1 =	vadd.f32 v1, v5;
	v2 =	vadd.f32 v8, v2;
	v5 =	vmul.f32 v14, v14  }
0x22c: {  	v0 =	vadd.f32 v7, v0;
	v4 =	vadd.f32 v4, v6;
	v6 =	vmul.f32 v11, v10  }
0x22d: {  	v2 =	vadd.f32 v3, v2;
	v3 =	vadd.f32 v5, v12  }
0x22e: {  	v5 =	vmul.f32 v15, v15;
	v0 =	vadd.f32 v1, v0;
	v1 =	vsub.f32 v14, v15  }
0x22f: {  	v4 =	vadd.f32 v6, v4  }
0x230: {  	v0 =	vadd.f32 v2, v0;
	v1 =	vmul.f32 v1, v9;
	v2 =	vadd.f32 v5, v3;
	_ =	sdelay $0x1  }
0x231: {  	v1 =	vadd.f32 v1, v4;
	v0 =	vadd.f32 v2, v0;
	_ =	sdelay $0x1  }
0x232: {  	s29 =	sshra.s32 s21, $0x2;
	[tilespmem:s31+$0x0] =	vst v1;
	s31 =	smov.u32 s30  }
0x233: {  	v1 =	vld [tilespmem:s29+$0x4620]  }
0x234: {  	v2 =	vld [tilespmem:s29+$0x8620]  }
0x235: {  	v3 =	vld [tilespmem:s29+$0x8610]  }
0x236: {  	v4 =	vld [tilespmem:s29+$0x4610]  }
0x237: {  	v5 =	vld [tilespmem:s29+$0x4600]  }
0x238: {  	v6 =	vld [tilespmem:s29+$0x8600];
	v7 =	vmul.f32 v1, v1  }
0x239: {  	v8 =	vld [tilespmem:s29+$0x610]  }
0x23a: {  	v9 =	vld [tilespmem:s29+$0x600];
	v10 =	vmul.f32 v3, v3  }
0x23b: {  	v3 =	vsub.f32 v4, v3;
	v11 =	vld [tilespmem:s29+$0x620]  }
0x23c: {  	v12 =	vmul.f32 v5, v5  }
0x23d: {  	v1 =	vsub.f32 v1, v2;
	v4 =	vmul.f32 v4, v4;
	v5 =	vsub.f32 v5, v6;
	v13 =	vld [tilespmem:s29+$0x8630]  }
0x23e: {  	v3 =	vmul.f32 v3, v8;
	v8 =	vmul.f32 v8, v8;
	v14 =	vld [tilespmem:s29+$0x4630]  }
0x23f: {  	v5 =	vmul.f32 v5, v9;
	v9 =	vmul.f32 v9, v9  }
0x240: {  	v4 =	vadd.f32 v4, v8;
	v1 =	vmul.f32 v1, v11;
	v8 =	vmul.f32 v11, v11;
	v11 =	vld [tilespmem:s29+$0x630]  }
0x241: {  	v5 =	vadd.f32 $0.0e+00, v5  }
0x242: {  	v6 =	vmul.f32 v6, v6;
	v9 =	vadd.f32 v12, v9;
	v4 =	vadd.f32 v10, v4  }
0x243: {  	v3 =	vadd.f32 v3, v5;
	v5 =	vsub.f32 v14, v13  }
0x244: {  	v7 =	vadd.f32 v7, v8;
	v6 =	vadd.f32 v6, v9;
	v8 =	vmul.f32 v14, v14  }
0x245: {  	v1 =	vadd.f32 v1, v3;
	v3 =	vmul.f32 v5, v11;
	v5 =	vmul.f32 v11, v11  }
0x246: {  	v2 =	vmul.f32 v2, v2;
	v0 =	vadd.f32 v6, v0  }
0x247: {  	v1 =	vadd.f32 v3, v1;
	v3 =	vadd.f32 v8, v5  }
0x248: {  	v2 =	vadd.f32 v2, v7;
	v0 =	vadd.f32 v4, v0  }
0x249: {  	[tilespmem:s30+$0xFFFFFFD0] =	vst v1  }
0x24a: {  	v0 =	vadd.f32 v2, v0;
	v1 =	vld [tilespmem:s29+$0x660]  }
0x24b: {  	v2 =	vld [tilespmem:s29+$0x8660]  }
0x24c: {  	v4 =	vld [tilespmem:s29+$0x4660]  }
0x24d: {  	v5 =	vld [tilespmem:s29+$0x8650]  }
0x24e: {  	v6 =	vld [tilespmem:s29+$0x8640]  }
0x24f: {  	v7 =	vld [tilespmem:s29+$0x4640]  }
0x250: {  	v8 =	vld [tilespmem:s29+$0x4650]  }
0x251: {  	v10 =	vmul.f32 v1, v1;
	v9 =	vld [tilespmem:s29+$0x640];
	v11 =	vmul.f32 v4, v4;
	_ =	sdelay $0x1  }
0x252: {  	v12 =	vld [tilespmem:s29+$0x650];
	v10 =	vadd.f32 v11, v10  }
0x253: {  	v4 =	vsub.f32 v4, v2;
	v11 =	vsub.f32 v7, v6;
	v14 =	vld [tilespmem:s29+$0x8670]  }
0x254: {  	v13 =	vmul.f32 v13, v13;
	v6 =	vmul.f32 v6, v6;
	v15 =	vsub.f32 v8, v5;
	v16 =	vld [tilespmem:s29+$0x4670]  }
0x255: {  	v1 =	vmul.f32 v4, v1;
	v11 =	vmul.f32 v11, v9  }
0x256: {  	v3 =	vadd.f32 v13, v3;
	v7 =	vmul.f32 v7, v7;
	v4 =	vmul.f32 v9, v9;
	v9 =	vld [tilespmem:s29+$0x670]  }
0x257: {  	v11 =	vadd.f32 $0.0e+00, v11;
	v13 =	vmul.f32 v15, v12;
	v12 =	vmul.f32 v12, v12  }
0x258: {  	v0 =	vadd.f32 v3, v0;
	v3 =	vadd.f32 v7, v4;
	v4 =	vmul.f32 v8, v8  }
0x259: {  	v7 =	vadd.f32 v13, v11;
	v8 =	vsub.f32 v16, v14;
	v11 =	vmul.f32 v16, v16  }
0x25a: {  	v5 =	vmul.f32 v5, v5;
	v3 =	vadd.f32 v6, v3;
	v4 =	vadd.f32 v4, v12  }
0x25b: {  	v1 =	vadd.f32 v1, v7;
	v6 =	vmul.f32 v8, v9;
	v7 =	vmul.f32 v9, v9  }
0x25c: {  	v2 =	vmul.f32 v2, v2;
	v0 =	vadd.f32 v3, v0;
	v3 =	vadd.f32 v5, v4  }
0x25d: {  	v1 =	vadd.f32 v6, v1;
	v4 =	vadd.f32 v11, v7  }
0x25e: {  	v2 =	vadd.f32 v2, v10;
	v0 =	vadd.f32 v3, v0  }
0x25f: {  	[tilespmem:s30+$0xFFFFFFE0] =	vst v1  }
0x260: {  	v1 =	vadd.f32 v2, v0;
	v2 =	vld [tilespmem:s29+$0x46A0]  }
0x261: {  	v3 =	vld [tilespmem:s29+$0x680]  }
0x262: {  	v5 =	vld [tilespmem:s29+$0x86A0]  }
0x263: {  	v6 =	vld [tilespmem:s29+$0x4690]  }
0x264: {  	v7 =	vld [tilespmem:s29+$0x8680]  }
0x265: {  	v8 =	vld [tilespmem:s29+$0x4680]  }
0x266: {  	v9 =	vld [tilespmem:s29+$0x8690]  }
0x267: {  	v10 =	vld [tilespmem:s29+$0x46B0]  }
0x268: {  	v11 =	vld [tilespmem:s29+$0x6A0]  }
0x269: {  	v12 =	vmul.f32 v14, v14;
	v0 =	vld [tilespmem:s29+$0x86B0]  }
0x26a: {  	v13 =	vmul.f32 v3, v3;
	v16 =	vsub.f32 v2, v5;
	v14 =	vmul.f32 v8, v8;
	v15 =	vld [tilespmem:s29+$0x690]  }
0x26b: {  	v8 =	vsub.f32 v8, v7;
	v17 =	vsub.f32 v6, v9;
	v6 =	vmul.f32 v6, v6  }
0x26c: {  	v2 =	vmul.f32 v2, v2;
	v7 =	vmul.f32 v7, v7;
	v13 =	vadd.f32 v14, v13  }
0x26d: {  	v4 =	vadd.f32 v12, v4;
	v3 =	vmul.f32 v8, v3;
	v8 =	vmul.f32 v16, v11  }
0x26e: {  	v11 =	vmul.f32 v11, v11;
	v7 =	vadd.f32 v7, v13;
	v12 =	vld [tilespmem:s29+$0x6B0];
	v13 =	vsub.f32 v10, v0  }
0x26f: {  	v3 =	vadd.f32 $0.0e+00, v3;
	v14 =	vmul.f32 v17, v15;
	v15 =	vmul.f32 v15, v15  }
0x270: {  	v1 =	vadd.f32 v4, v1;
	v2 =	vadd.f32 v2, v11  }
0x271: {  	v3 =	vadd.f32 v14, v3;
	v4 =	vadd.f32 v6, v15;
	v6 =	vmul.f32 v9, v9  }
0x272: {  	v5 =	vmul.f32 v5, v5;
	v1 =	vadd.f32 v7, v1  }
0x273: {  	v4 =	vadd.f32 v6, v4;
	v3 =	vadd.f32 v8, v3;
	v6 =	vmul.f32 v13, v12  }
.Ltmp2:
0x274: {  	v7 =	vmul.f32 v10, v10;
	v2 =	vadd.f32 v5, v2;
	v5 =	vmul.f32 v12, v12;
	(pc) =	sbr.rel @p0 .LBB2_6-.Ltmp2, $4  }
0x275: {  	v1 =	vadd.f32 v4, v1;
	v4 =	vadd.f32 v6, v3  }
0x276: {  	v3 =	vadd.f32 v7, v5  }
0x277: {  	v2 =	vadd.f32 v2, v1;
	[tilespmem:s30+$0xFFFFFFF0] =	vst v4  }
0x278: {  	v1 =	vld [tilespmem:s29+$0x86D0]  }
0x279: {  	v4 =	vld [tilespmem:s29+$0x6D0]  }
0x27a: {  	v5 =	vld [tilespmem:s29+$0x46D0]  }
0x27b: {  	v6 =	vld [tilespmem:s29+$0x86C0]  }
0x27c: {  	v7 =	vld [tilespmem:s29+$0x46C0]  }
0x27d: {  	v8 =	vld [tilespmem:s29+$0x6C0]  }
0x27e: {  	v9 =	vld [tilespmem:s29+$0x6E0]  }
0x27f: {  	v10 =	vld [tilespmem:s29+$0x46E0]  }
0x280: {  	v11 =	vld [tilespmem:s29+$0x86E0]  }
0x281: {  	v13 =	vld [tilespmem:s29+$0x46F0];
	v12 =	vsub.f32 v7, v6  }
0x282: {  	v14 =	vld [tilespmem:s29+$0x86F0]  }
0x283: {  	v15 =	vsub.f32 v5, v1;
	v12 =	vmul.f32 v12, v8  }
0x284: {  	v16 =	vld [tilespmem:s29+$0x6F0]  }
0x285: {  	v17 =	vsub.f32 v10, v11;
	v15 =	vmul.f32 v15, v4;
	v12 =	vadd.f32 $0.0e+00, v12;
	_ =	sdelay $0x1  }
0x286: {  	v48 =	vsub.f32 v13, v14;
	v47 =	vmul.f32 v17, v9;
	v12 =	vadd.f32 v15, v12;
	_ =	sdelay $0x1  }
0x287: {  	v49 =	vmul.f32 v48, v16;
	v12 =	vadd.f32 v47, v12;
	_ =	sdelay $0x1  }
0x288: {  	v12 =	vadd.f32 v49, v12;
	_ =	sdelay $0x1  }
0x289: {  	[tilespmem:s31+$0x0] =	vst v12  }
0x28a: {  	_ =	swait.ge [sflag:s0], $0x2000  }
0x28b: {  	[sflag:s0] =	ssyncset.done $0x0  }
0x28c: {  	[sflag:s0] =	ssyncadd.s32 $0xFFFFE000  }
0x28d: {  	_ =	swait.ge [sflag:s0], $0x2000  }
0x28e: {  	[sflag:s0] =	ssyncset.done $0x0  }
0x28f: {  	[sflag:s0] =	ssyncadd.s32 $0xFFFFE000  }
0x290: {  	_ =	swait.ge [sflag:s0], $0x2000  }
0x291: {  	[sflag:s0] =	ssyncset.done $0x0  }
0x292: {  	s29 =	simm.s32 $0x0;
	[sflag:s0] =	ssyncadd.s32 $0xFFFFE000  }
0x293: {  	v50 =	vld [tilespmem:s29+$0x6620]  }
0x294: {  	v51 =	vld [tilespmem:s29+$0xA620]  }
0x295: {  	v52 =	vld [tilespmem:s29+$0xA610]  }
0x296: {  	v18 =	vld [tilespmem:s29+$0x6600]  }
0x297: {  	v19 =	vld [tilespmem:s29+$0xA600]  }
0x298: {  	v20 =	vld [tilespmem:s29+$0x6610]  }
0x299: {  	v21 =	vld [tilespmem:s29+$0x2600]  }
0x29a: {  	v22 =	vld [tilespmem:s29+$0x2610]  }
0x29b: {  	v23 =	vld [tilespmem:s29+$0x2620]  }
0x29c: {  	v25 =	vld [tilespmem:s29+$0xA630];
	v24 =	vsub.f32 v18, v19  }
0x29d: {  	v26 =	vld [tilespmem:s29+$0x6630]  }
0x29e: {  	v27 =	vsub.f32 v20, v52;
	v24 =	vmul.f32 v24, v21  }
0x29f: {  	v28 =	vld [tilespmem:s29+$0x2630]  }
0x2a0: {  	v29 =	vsub.f32 v50, v51;
	v27 =	vmul.f32 v27, v22;
	v24 =	vadd.f32 $0.0e+00, v24;
	_ =	sdelay $0x1  }
0x2a1: {  	v53 =	vsub.f32 v26, v25;
	v29 =	vmul.f32 v29, v23;
	v24 =	vadd.f32 v27, v24;
	_ =	sdelay $0x1  }
0x2a2: {  	v27 =	vmul.f32 v53, v28;
	v24 =	vadd.f32 v29, v24  }
0x2a3: {  	v0 =	vmul.f32 v0, v0  }
0x2a4: {  	v7 =	vmul.f32 v7, v7;
	v8 =	vmul.f32 v8, v8;
	v24 =	vadd.f32 v27, v24  }
0x2a5: {  	s30 =	simm.s32 $0xDE30;
	v5 =	vmul.f32 v5, v5;
	v4 =	vmul.f32 v4, v4  }
0x2a6: {  	v0 =	vadd.f32 v0, v3;
	v3 =	vmul.f32 v6, v6;
	v54 =	vadd.f32 v7, v8;
	[tilespmem:s30+$0xFFFFFFD0] =	vst v24  }
0x2a7: {  	v56 =	vmul.f32 v10, v10;
	v4 =	vadd.f32 v5, v4;
	v5 =	vmul.f32 v9, v9;
	v55 =	vld [tilespmem:s29+$0x2660]  }
0x2a8: {  	v0 =	vadd.f32 v0, v2;
	v1 =	vmul.f32 v1, v1;
	v2 =	vadd.f32 v3, v54;
	v57 =	vld [tilespmem:s29+$0xA660]  }
0x2a9: {  	v5 =	vadd.f32 v56, v5;
	v3 =	vld [tilespmem:s29+$0xA650]  }
0x2aa: {  	v58 =	vmul.f32 v11, v11;
	v1 =	vadd.f32 v1, v4;
	v0 =	vadd.f32 v2, v0;
	v60 =	vld [tilespmem:s29+$0xA640]  }
0x2ab: {  	v59 =	vmul.f32 v16, v16;
	v4 =	vmul.f32 v13, v13;
	v2 =	vld [tilespmem:s29+$0x6640]  }
0x2ac: {  	v5 =	vadd.f32 v58, v5;
	v0 =	vadd.f32 v1, v0;
	v61 =	vld [tilespmem:s29+$0x6650]  }
0x2ad: {  	v4 =	vadd.f32 v4, v59;
	v1 =	vmul.f32 v14, v14;
	v62 =	vld [tilespmem:s29+$0x2640]  }
0x2ae: {  	v0 =	vadd.f32 v5, v0;
	v63 =	vld [tilespmem:s29+$0x6660]  }
0x2af: {  	v1 =	vadd.f32 v1, v4;
	v5 =	vmul.f32 v18, v18;
	v30 =	vmul.f32 v22, v22;
	v4 =	vld [tilespmem:s29+$0x2650]  }
0x2b0: {  	v31 =	vmul.f32 v21, v21;
	v17 =	vmul.f32 v52, v52;
	v29 =	vld [tilespmem:s29+$0xA670];
	v27 =	vsub.f32 v2, v60  }
0x2b1: {  	v0 =	vadd.f32 v1, v0;
	v12 =	vmul.f32 v50, v50;
	v35 =	vmul.f32 v19, v19;
	v32 =	vld [tilespmem:s29+$0x6670]  }
0x2b2: {  	v38 =	vmul.f32 v23, v23;
	v1 =	vsub.f32 v61, v3;
	v14 =	vmul.f32 v27, v62  }
0x2b3: {  	v39 =	vmul.f32 v26, v26;
	v5 =	vadd.f32 v5, v31;
	v24 =	vmul.f32 v20, v20;
	v33 =	vld [tilespmem:s29+$0x2670]  }
0x2b4: {  	v34 =	vsub.f32 v63, v57;
	v1 =	vmul.f32 v1, v4;
	v14 =	vadd.f32 $0.0e+00, v14  }
0x2b5: {  	v40 =	vmul.f32 v28, v28;
	v5 =	vadd.f32 v35, v5;
	v13 =	vadd.f32 v24, v30  }
0x2b6: {  	v37 =	vsub.f32 v32, v29;
	v36 =	vmul.f32 v34, v55;
	v1 =	vadd.f32 v1, v14  }
0x2b7: {  	v12 =	vadd.f32 v12, v38;
	v0 =	vadd.f32 v5, v0;
	v5 =	vmul.f32 v51, v51  }
0x2b8: {  	v13 =	vadd.f32 v17, v13;
	v14 =	vmul.f32 v37, v33;
	v1 =	vadd.f32 v36, v1  }
0x2b9: {  	v41 =	vadd.f32 v39, v40;
	v5 =	vadd.f32 v5, v12  }
0x2ba: {  	v42 =	vmul.f32 v25, v25;
	v0 =	vadd.f32 v13, v0;
	v1 =	vadd.f32 v14, v1  }
0x2bb: {  	v10 =	vmul.f32 v62, v62;
	v2 =	vmul.f32 v2, v2  }
0x2bc: {  	v6 =	vmul.f32 v61, v61;
	v0 =	vadd.f32 v5, v0;
	v5 =	vadd.f32 v42, v41;
	[tilespmem:s30+$0xFFFFFFE0] =	vst v1  }
0x2bd: {  	v4 =	vmul.f32 v4, v4;
	v2 =	vadd.f32 v2, v10;
	v1 =	vmul.f32 v60, v60;
	v43 =	vld [tilespmem:s29+$0x66A0]  }
0x2be: {  	v0 =	vadd.f32 v5, v0;
	v44 =	vld [tilespmem:s29+$0x2680]  }
0x2bf: {  	v3 =	vmul.f32 v3, v3;
	v5 =	vld [tilespmem:s29+$0xA6A0];
	v1 =	vadd.f32 v1, v2;
	v2 =	vadd.f32 v6, v4  }
0x2c0: {  	v7 =	vmul.f32 v55, v55;
	v46 =	vld [tilespmem:s29+$0xA680]  }
0x2c1: {  	v11 =	vmul.f32 v63, v63;
	v0 =	vadd.f32 v1, v0;
	v1 =	vadd.f32 v3, v2;
	v3 =	vld [tilespmem:s29+$0x6680]  }
0x2c2: {  	v47 =	vmul.f32 v32, v32;
	v49 =	vmul.f32 v33, v33;
	v48 =	vld [tilespmem:s29+$0xA690]  }
0x2c3: {  	v45 =	vadd.f32 v11, v7;
	v4 =	vld [tilespmem:s29+$0x6690];
	v2 =	vmul.f32 v57, v57  }
0x2c4: {  	v9 =	vadd.f32 v47, v49;
	v51 =	vld [tilespmem:s29+$0x2690]  }
0x2c5: {  	v54 =	vmul.f32 v29, v29;
	v50 =	vld [tilespmem:s29+$0x26A0];
	v0 =	vadd.f32 v1, v0;
	v1 =	vadd.f32 v2, v45  }
0x2c6: {  	v2 =	vld [tilespmem:s29+$0x66B0];
	v53 =	vmul.f32 v3, v3;
	v3 =	vsub.f32 v3, v46  }
0x2c7: {  	v9 =	vadd.f32 v54, v9;
	v52 =	vmul.f32 v44, v44;
	v1 =	vadd.f32 v1, v0;
	v0 =	vld [tilespmem:s29+$0xA6B0]  }
0x2c8: {  	v7 =	vmul.f32 v46, v46;
	v56 =	vsub.f32 v4, v48;
	v3 =	vmul.f32 v3, v44  }
0x2c9: {  	v57 =	vld [tilespmem:s29+$0x26B0];
	v55 =	vsub.f32 v43, v5;
	v12 =	vmul.f32 v51, v51;
	v4 =	vmul.f32 v4, v4  }
0x2ca: {  	v8 =	vmul.f32 v43, v43;
	v58 =	vmul.f32 v56, v51;
	v3 =	vadd.f32 $0.0e+00, v3  }
0x2cb: {  	v59 =	vmul.f32 v50, v50;
	v4 =	vadd.f32 v4, v12;
	v13 =	vadd.f32 v53, v52  }
0x2cc: {  	v6 =	vmul.f32 v55, v50;
	v60 =	vsub.f32 v2, v0;
	v3 =	vadd.f32 v58, v3  }
0x2cd: {  	v61 =	vmul.f32 v48, v48;
	v1 =	vadd.f32 v9, v1;
	v7 =	vadd.f32 v7, v13  }
0x2ce: {  	v8 =	vadd.f32 v8, v59;
	v62 =	vmul.f32 v60, v57;
	v3 =	vadd.f32 v6, v3  }
0x2cf: {  	v5 =	vmul.f32 v5, v5;
	v4 =	vadd.f32 v61, v4;
	v1 =	vadd.f32 v7, v1  }
0x2d0: {  	v63 =	vmul.f32 v57, v57;
	v3 =	vadd.f32 v62, v3  }
0x2d1: {  	v5 =	vadd.f32 v5, v8;
	v2 =	vmul.f32 v2, v2;
	v1 =	vadd.f32 v4, v1  }
0x2d2: {  	[tilespmem:s30+$0xFFFFFFF0] =	vst v3  }
0x2d3: {  	s1 =	simm.s32 $0x400;
	s31 =	simm.s32 $0xDE30;
	v3 =	vadd.f32 v2, v63;
	v2 =	vadd.f32 v5, v1;
	v1 =	vld [tilespmem:s29+$0xA6D0]  }
.LBB2_8:
0x2d4: {  	p0 =	sne.s32 s1, $0x7C00  }
0x2d5: {  	v4 =	vld [tilespmem:s29+$0x26D0];
	s30 =	sadd.s32 $0x40, s30;
	s21 =	smov.u32 s1;
	s1 =	sadd.s32 $0x400, s1  }
0x2d6: {  	v5 =	vld [tilespmem:s29+$0x66D0]  }
0x2d7: {  	v6 =	vld [tilespmem:s29+$0x26C0]  }
0x2d8: {  	v7 =	vld [tilespmem:s29+$0xA6C0]  }
0x2d9: {  	v8 =	vld [tilespmem:s29+$0x66C0]  }
0x2da: {  	v0 =	vmul.f32 v0, v0;
	v9 =	vmul.f32 v4, v4;
	v10 =	vld [tilespmem:s29+$0x26E0]  }
0x2db: {  	v11 =	vsub.f32 v5, v1;
	v5 =	vmul.f32 v5, v5;
	v12 =	vld [tilespmem:s29+$0x66E0]  }
0x2dc: {  	v0 =	vadd.f32 v0, v3;
	v3 =	vld [tilespmem:s29+$0xA6E0]  }
0x2dd: {  	v13 =	vmul.f32 v7, v7;
	v4 =	vmul.f32 v11, v4;
	v5 =	vadd.f32 v5, v9;
	v9 =	vld [tilespmem:s29+$0x26F0]  }
0x2de: {  	v11 =	vmul.f32 v6, v6;
	v7 =	vsub.f32 v8, v7;
	v8 =	vmul.f32 v8, v8;
	v14 =	vld [tilespmem:s29+$0x66F0]  }
0x2df: {  	v0 =	vadd.f32 v0, v2;
	v2 =	vmul.f32 v10, v10;
	v15 =	vld [tilespmem:s29+$0xA6F0]  }
0x2e0: {  	v6 =	vmul.f32 v7, v6;
	v7 =	vadd.f32 v8, v11;
	v8 =	vmul.f32 v12, v12  }
0x2e1: {  	v1 =	vmul.f32 v1, v1;
	v11 =	vsub.f32 v12, v3;
	v3 =	vmul.f32 v3, v3  }
0x2e2: {  	v6 =	vadd.f32 $0.0e+00, v6;
	v7 =	vadd.f32 v13, v7;
	v12 =	vmul.f32 v9, v9  }
0x2e3: {  	v1 =	vadd.f32 v1, v5;
	v2 =	vadd.f32 v8, v2;
	v5 =	vmul.f32 v14, v14  }
0x2e4: {  	v0 =	vadd.f32 v7, v0;
	v4 =	vadd.f32 v4, v6;
	v6 =	vmul.f32 v11, v10  }
0x2e5: {  	v2 =	vadd.f32 v3, v2;
	v3 =	vadd.f32 v5, v12  }
0x2e6: {  	v5 =	vmul.f32 v15, v15;
	v0 =	vadd.f32 v1, v0;
	v1 =	vsub.f32 v14, v15  }
0x2e7: {  	v4 =	vadd.f32 v6, v4  }
0x2e8: {  	v0 =	vadd.f32 v2, v0;
	v1 =	vmul.f32 v1, v9;
	v2 =	vadd.f32 v5, v3;
	_ =	sdelay $0x1  }
0x2e9: {  	v1 =	vadd.f32 v1, v4;
	v0 =	vadd.f32 v2, v0;
	_ =	sdelay $0x1  }
0x2ea: {  	s29 =	sshra.s32 s21, $0x2;
	[tilespmem:s31+$0x0] =	vst v1;
	s31 =	smov.u32 s30  }
0x2eb: {  	v1 =	vld [tilespmem:s29+$0x6620]  }
0x2ec: {  	v2 =	vld [tilespmem:s29+$0xA620]  }
0x2ed: {  	v3 =	vld [tilespmem:s29+$0xA610]  }
0x2ee: {  	v4 =	vld [tilespmem:s29+$0x6610]  }
0x2ef: {  	v5 =	vld [tilespmem:s29+$0x6600]  }
0x2f0: {  	v6 =	vld [tilespmem:s29+$0xA600];
	v7 =	vmul.f32 v1, v1  }
0x2f1: {  	v8 =	vld [tilespmem:s29+$0x2610]  }
0x2f2: {  	v9 =	vld [tilespmem:s29+$0x2600];
	v10 =	vmul.f32 v3, v3  }
0x2f3: {  	v3 =	vsub.f32 v4, v3;
	v11 =	vld [tilespmem:s29+$0x2620]  }
0x2f4: {  	v12 =	vmul.f32 v5, v5  }
0x2f5: {  	v1 =	vsub.f32 v1, v2;
	v4 =	vmul.f32 v4, v4;
	v5 =	vsub.f32 v5, v6;
	v13 =	vld [tilespmem:s29+$0xA630]  }
0x2f6: {  	v3 =	vmul.f32 v3, v8;
	v8 =	vmul.f32 v8, v8;
	v14 =	vld [tilespmem:s29+$0x6630]  }
0x2f7: {  	v5 =	vmul.f32 v5, v9;
	v9 =	vmul.f32 v9, v9  }
0x2f8: {  	v4 =	vadd.f32 v4, v8;
	v1 =	vmul.f32 v1, v11;
	v8 =	vmul.f32 v11, v11;
	v11 =	vld [tilespmem:s29+$0x2630]  }
0x2f9: {  	v5 =	vadd.f32 $0.0e+00, v5  }
0x2fa: {  	v6 =	vmul.f32 v6, v6;
	v9 =	vadd.f32 v12, v9;
	v4 =	vadd.f32 v10, v4  }
0x2fb: {  	v3 =	vadd.f32 v3, v5;
	v5 =	vsub.f32 v14, v13  }
0x2fc: {  	v7 =	vadd.f32 v7, v8;
	v6 =	vadd.f32 v6, v9;
	v8 =	vmul.f32 v14, v14  }
0x2fd: {  	v1 =	vadd.f32 v1, v3;
	v3 =	vmul.f32 v5, v11;
	v5 =	vmul.f32 v11, v11  }
0x2fe: {  	v2 =	vmul.f32 v2, v2;
	v0 =	vadd.f32 v6, v0  }
0x2ff: {  	v1 =	vadd.f32 v3, v1;
	v3 =	vadd.f32 v8, v5  }
0x300: {  	v2 =	vadd.f32 v2, v7;
	v0 =	vadd.f32 v4, v0  }
0x301: {  	[tilespmem:s30+$0xFFFFFFD0] =	vst v1  }
0x302: {  	v0 =	vadd.f32 v2, v0;
	v1 =	vld [tilespmem:s29+$0x2660]  }
0x303: {  	v2 =	vld [tilespmem:s29+$0xA660]  }
0x304: {  	v4 =	vld [tilespmem:s29+$0x6660]  }
0x305: {  	v5 =	vld [tilespmem:s29+$0xA650]  }
0x306: {  	v6 =	vld [tilespmem:s29+$0xA640]  }
0x307: {  	v7 =	vld [tilespmem:s29+$0x6640]  }
0x308: {  	v8 =	vld [tilespmem:s29+$0x6650]  }
0x309: {  	v10 =	vmul.f32 v1, v1;
	v9 =	vld [tilespmem:s29+$0x2640];
	v11 =	vmul.f32 v4, v4;
	_ =	sdelay $0x1  }
0x30a: {  	v12 =	vld [tilespmem:s29+$0x2650];
	v10 =	vadd.f32 v11, v10  }
0x30b: {  	v4 =	vsub.f32 v4, v2;
	v11 =	vsub.f32 v7, v6;
	v14 =	vld [tilespmem:s29+$0xA670]  }
0x30c: {  	v13 =	vmul.f32 v13, v13;
	v6 =	vmul.f32 v6, v6;
	v15 =	vsub.f32 v8, v5;
	v16 =	vld [tilespmem:s29+$0x6670]  }
0x30d: {  	v1 =	vmul.f32 v4, v1;
	v11 =	vmul.f32 v11, v9  }
0x30e: {  	v3 =	vadd.f32 v13, v3;
	v7 =	vmul.f32 v7, v7;
	v4 =	vmul.f32 v9, v9;
	v9 =	vld [tilespmem:s29+$0x2670]  }
0x30f: {  	v11 =	vadd.f32 $0.0e+00, v11;
	v13 =	vmul.f32 v15, v12;
	v12 =	vmul.f32 v12, v12  }
0x310: {  	v0 =	vadd.f32 v3, v0;
	v3 =	vadd.f32 v7, v4;
	v4 =	vmul.f32 v8, v8  }
0x311: {  	v7 =	vadd.f32 v13, v11;
	v8 =	vsub.f32 v16, v14;
	v11 =	vmul.f32 v16, v16  }
0x312: {  	v5 =	vmul.f32 v5, v5;
	v3 =	vadd.f32 v6, v3;
	v4 =	vadd.f32 v4, v12  }
0x313: {  	v1 =	vadd.f32 v1, v7;
	v6 =	vmul.f32 v8, v9;
	v7 =	vmul.f32 v9, v9  }
0x314: {  	v2 =	vmul.f32 v2, v2;
	v0 =	vadd.f32 v3, v0;
	v3 =	vadd.f32 v5, v4  }
0x315: {  	v1 =	vadd.f32 v6, v1;
	v4 =	vadd.f32 v11, v7  }
0x316: {  	v2 =	vadd.f32 v2, v10;
	v0 =	vadd.f32 v3, v0  }
0x317: {  	[tilespmem:s30+$0xFFFFFFE0] =	vst v1  }
0x318: {  	v1 =	vadd.f32 v2, v0;
	v2 =	vld [tilespmem:s29+$0x66A0]  }
0x319: {  	v3 =	vld [tilespmem:s29+$0x2680]  }
0x31a: {  	v5 =	vld [tilespmem:s29+$0xA6A0]  }
0x31b: {  	v6 =	vld [tilespmem:s29+$0x6690]  }
0x31c: {  	v7 =	vld [tilespmem:s29+$0xA680]  }
0x31d: {  	v8 =	vld [tilespmem:s29+$0x6680]  }
0x31e: {  	v9 =	vld [tilespmem:s29+$0xA690]  }
0x31f: {  	v10 =	vld [tilespmem:s29+$0x66B0]  }
0x320: {  	v11 =	vld [tilespmem:s29+$0x26A0]  }
0x321: {  	v12 =	vmul.f32 v14, v14;
	v0 =	vld [tilespmem:s29+$0xA6B0]  }
0x322: {  	v13 =	vmul.f32 v3, v3;
	v16 =	vsub.f32 v2, v5;
	v14 =	vmul.f32 v8, v8;
	v15 =	vld [tilespmem:s29+$0x2690]  }
0x323: {  	v8 =	vsub.f32 v8, v7;
	v17 =	vsub.f32 v6, v9;
	v6 =	vmul.f32 v6, v6  }
0x324: {  	v2 =	vmul.f32 v2, v2;
	v7 =	vmul.f32 v7, v7;
	v13 =	vadd.f32 v14, v13  }
0x325: {  	v4 =	vadd.f32 v12, v4;
	v3 =	vmul.f32 v8, v3;
	v8 =	vmul.f32 v16, v11  }
0x326: {  	v11 =	vmul.f32 v11, v11;
	v7 =	vadd.f32 v7, v13;
	v12 =	vld [tilespmem:s29+$0x26B0];
	v13 =	vsub.f32 v10, v0  }
0x327: {  	v3 =	vadd.f32 $0.0e+00, v3;
	v14 =	vmul.f32 v17, v15;
	v15 =	vmul.f32 v15, v15  }
0x328: {  	v1 =	vadd.f32 v4, v1;
	v2 =	vadd.f32 v2, v11  }
0x329: {  	v3 =	vadd.f32 v14, v3;
	v4 =	vadd.f32 v6, v15;
	v6 =	vmul.f32 v9, v9  }
0x32a: {  	v5 =	vmul.f32 v5, v5;
	v1 =	vadd.f32 v7, v1  }
0x32b: {  	v4 =	vadd.f32 v6, v4;
	v3 =	vadd.f32 v8, v3;
	v6 =	vmul.f32 v13, v12  }
.Ltmp3:
0x32c: {  	v7 =	vmul.f32 v10, v10;
	v2 =	vadd.f32 v5, v2;
	v5 =	vmul.f32 v12, v12;
	(pc) =	sbr.rel @p0 .LBB2_8-.Ltmp3, $4  }
0x32d: {  	v1 =	vadd.f32 v4, v1;
	v4 =	vadd.f32 v6, v3  }
0x32e: {  	v3 =	vadd.f32 v7, v5  }
0x32f: {  	v2 =	vadd.f32 v2, v1;
	[tilespmem:s30+$0xFFFFFFF0] =	vst v4  }
0x330: {  	v1 =	vld [tilespmem:s29+$0xA6D0]  }
0x331: {  	v4 =	vld [tilespmem:s29+$0x26D0]  }
0x332: {  	v5 =	vld [tilespmem:s29+$0x66D0]  }
0x333: {  	v6 =	vld [tilespmem:s29+$0x26C0]  }
0x334: {  	v7 =	vld [tilespmem:s29+$0xA6C0]  }
0x335: {  	v8 =	vld [tilespmem:s29+$0x66C0]  }
0x336: {  	v9 =	vld [tilespmem:s29+$0x26E0]  }
0x337: {  	v0 =	vmul.f32 v0, v0;
	v10 =	vld [tilespmem:s29+$0x66E0]  }
0x338: {  	v13 =	vld [tilespmem:s29+$0xA6E0]  }
0x339: {  	v50 =	vld [tilespmem:s29+$0x66F0];
	v0 =	vadd.f32 v0, v3  }
0x33a: {  	v52 =	vld [tilespmem:s29+$0xA6F0];
	v55 =	vmul.f32 v1, v1  }
0x33b: {  	v14 =	vld [tilespmem:s29+$0x26F0];
	v0 =	vadd.f32 v0, v2;
	v11 =	vmul.f32 v4, v4;
	v49 =	vmul.f32 v7, v7  }
0x33c: {  	v7 =	vsub.f32 v8, v7;
	v15 =	vmul.f32 v6, v6;
	v8 =	vmul.f32 v8, v8  }
0x33d: {  	v12 =	vsub.f32 v5, v1;
	v5 =	vmul.f32 v5, v5;
	v51 =	vmul.f32 v9, v9  }
0x33e: {  	v54 =	vmul.f32 v10, v10;
	v10 =	vsub.f32 v10, v13;
	v53 =	vadd.f32 v8, v15  }
0x33f: {  	v13 =	vmul.f32 v13, v13;
	v60 =	vsub.f32 v50, v52;
	v6 =	vmul.f32 v7, v6  }
0x340: {  	v56 =	vmul.f32 v14, v14;
	v5 =	vadd.f32 v5, v11;
	v3 =	vadd.f32 v49, v53  }
0x341: {  	v4 =	vmul.f32 v12, v4;
	v2 =	vadd.f32 v54, v51;
	v6 =	vadd.f32 $0.0e+00, v6  }
0x342: {  	v57 =	vmul.f32 v50, v50;
	v1 =	vadd.f32 v55, v5;
	v0 =	vadd.f32 v3, v0  }
0x343: {  	v59 =	vmul.f32 v10, v9;
	v2 =	vadd.f32 v13, v2;
	v58 =	vadd.f32 v4, v6  }
0x344: {  	v61 =	vmul.f32 v52, v52;
	v5 =	vadd.f32 v57, v56;
	v0 =	vadd.f32 v1, v0  }
0x345: {  	v62 =	vmul.f32 v60, v14;
	v3 =	vadd.f32 v59, v58  }
0x346: {  	v1 =	vadd.f32 v61, v5;
	v0 =	vadd.f32 v2, v0  }
0x347: {  	v63 =	vadd.f32 v62, v3  }
0x348: {  	v0 =	vadd.f32 v1, v0  }
0x349: {  	[tilespmem:s31+$0x0] =	vst v63  }
0x34a: {  	s1 =	simm.s32 $0xC600;
	[tilespmem:$0xE600] =	vst v0  }
0x34b: {  	[hbm4b:s17+s2] =	stream.linear.scatter [tilespmem:s1], [sflag:$0x2], $0x2000, $0x38;
	[tilespmem:$0xE610] =	vst v63  }
0x34c: {  	s28 =	sadd.s32 $0x1, s28;
	_ =	swait.ge [sflag:s26], $0x2000  }
0x34d: {  	p0 =	sne.s32 s28, s19;
	[sflag:s26] =	ssyncset.done $0x0  }
.Ltmp4:
0x34e: {  	s31 =	simm.s32 $0xE600;
	[sflag:s26] =	ssyncadd.s32 $0xFFFFE000;
	(pc) =	sbr.rel @p0 .LBB2_1-.Ltmp4, $4  }
0x34f: {  	[hbm4b:s18+s2] =	stream.linear.scatter [tilespmem:s31], [sflag:$0x2], $0x10, $0x38;
	[tilespmem:$0xE610] =	vst v63  }
0x350: {  	_ =	swait.ge [sflag:s26], $0x10  }
0x351: {  	[sflag:s26] =	ssyncset.done $0x0  }
0x352: {  	[sflag:s26] =	ssyncadd.s32 $0xFFFFFFF0  }
0x353: {  	_ =	sfence.sel $0x180000  }
0x354: {  	[bflag:$0x0] =	sbarrier.arrive $0xFFFF  }
0x355: {  	_ =	strace $0x90000047  }
0x356: {  	s0 =	stileid.u32;
	[bflag:$0x2] =	sbarrier.arrive $0xFFFF  }
0x357: {  	p0 =	sne.s32 s0, $0x0;
	s0 =	rddreg [dreg:$0x4]  }
0x358: {  	s0 =	sadd.s32 @!p0 $0x100000, s0  }
0x359: {  	[sflag:s0] =	ssyncadd.tile.s32 @!p0 $0x1;
	_ =	shalt  }
.Lfunc_end2:
_tile_overlayer_lowered:
.L_overlay_start_2:
0x35a: {  	(tag) =	ssettag $0x2  }
0x35b: {  	s0 =	rddreg [dreg:$0x0];
	s2 =	stileid.u32  }
0x35c: {  	s1 =	rddreg [dreg:$0x1];
	p0 =	sne.s32 s2, $0x0  }
0x35d: {  	s3 =	rddreg [dreg:$0x2];
	[bflag:$0x3] =	sbarrier.arrive $0xFFFF;
	s2 =	simm.s32 @!p0 $0x1C02  }
0x35e: {  	[timem:s3], [sflag:s2] =	dma.local @!p0 [hbm:s0], s1  }
0x35f: {  	s0 =	simm.s32 @!p0 $0x2  }
0x360: {  	_ =	swait.ge @!p0 [sflag:s0], s1  }
0x361: {  	s1 =	ssub.s32 @!p0 $0x0, s1;
	[sflag:s0] =	ssyncset.done @!p0 $0x0  }
0x362: {  	[sflag:s0] =	ssyncadd.s32 @!p0 s1  }
0x363: {  	[bflag:$0x3] =	sbarrier.arrive $0xFFFF  }
0x364: {  	_ =	shalt  }

</sc_bundles>
